<compile_context>
chip_gen: v7x
topology: tpu7x:2x2x1
jax: 0.10.2.dev20260603
libtpu: 0.0.44.dev20260713+nightly
codegen_flags: <defaults>
</compile_context>

<pallas_src>
import jax
import jax.numpy as jnp
from jax import lax
from jax.experimental import pallas as pl
from jax.experimental.pallas import tpu as pltpu
from jax.experimental.pallas import tpu_sc as plsc

N = 10000
E = 320000
F = 128
NC = 2
NS = 16
NW = NC * NS
EPW = E // NW
C = 64
NCH = 160
G2 = 16
NG = NCH // G2
EPWP = NCH * C
NPT = 640
NPAD = NS * NPT
SINK = NPAD - 1
RCH = 64
HR = NPAD // 128

_SC_PARAMS = pltpu.CompilerParams(
    needs_layout_passes=False, use_tc_tiling_on_sc=False)
_MESH = plsc.VectorSubcoreMesh(core_axis_name="c", subcore_axis_name="s")


def _zero_2d(buf, rows, cols):
  z = jnp.zeros((16,), jnp.float32)
  def body(r, _):
    for c in range(cols // 16):
      buf[r, pl.ds(c * 16, 16)] = z
    return 0
  lax.fori_loop(0, rows, body, 0)


def _sc_spmm_body(x, src3, dst3, nbr_out, deg_out, ideg_out,
                  nbr_sh, sidx, didx, rows_bf, rows_f, deg_h, ideg_h,
                  gsem, ssem):
  scid = lax.axis_index("c")
  sid = lax.axis_index("s")
  wid = sid * NC + scid
  base = sid * NPT
  o16 = jnp.ones((16,), jnp.float32)

  _zero_2d(deg_h, HR, 128)
  _zero_2d(ideg_h, HR, 128)
  def zero_body(c, _):
    pltpu.sync_copy(deg_h.at[pl.ds(0, RCH)],
                    nbr_sh.at[pl.ds(base + c * RCH, RCH)])
    return 0
  lax.fori_loop(0, NPT // RCH, zero_body, 0)
  plsc.subcore_barrier()

  def group_body(g, _):
    pltpu.sync_copy(src3.at[wid, g], sidx)
    pltpu.sync_copy(dst3.at[wid, g], didx)
    pltpu.async_copy(x.at[didx.at[0]], rows_bf.at[0], gsem.at[0])
    def chunk_body(jj, _):
      p3 = jj & 1
      p2 = jj & 1
      @pl.when(jj + 1 < G2)
      def _():
        q3 = 1 - p3
        pltpu.async_copy(x.at[didx.at[jj + 1]], rows_bf.at[q3], gsem.at[q3])
      pltpu.make_async_copy(
          x.at[didx.at[jj]], rows_bf.at[p3], gsem.at[p3]).wait()
      @pl.when(jj >= 2)
      def _():
        pltpu.make_async_copy(
            rows_f.at[p2], nbr_sh.at[sidx.at[jj]], ssem.at[p2]).wait()
      @plsc.parallel_loop(0, C, step=1, unroll=16)
      def conv_body(r):
        for c2 in range(F // 32):
          v32 = rows_bf[p3, r, pl.ds(c2 * 32, 32)]
          lo, hi = plsc.unpack(v32, format=plsc.PackFormat.INTERLEAVED)
          rows_f[p2, r, pl.ds(c2 * 32, 16)] = lo
          rows_f[p2, r, pl.ds(c2 * 32 + 16, 16)] = hi
      pltpu.async_copy(
          rows_f.at[p2], nbr_sh.at[sidx.at[jj]], ssem.at[p2], add=True)
      for v in range(C // 16):
        s16 = sidx[jj, pl.ds(v * 16, 16)]
        d16 = didx[jj, pl.ds(v * 16, 16)]
        plsc.addupdate_scatter(deg_h, [s16 >> 7, s16 & 127], o16)
        plsc.addupdate_scatter(ideg_h, [d16 >> 7, d16 & 127], o16)
      return 0
    lax.fori_loop(0, G2, chunk_body, 0)
    pltpu.make_async_copy(
        rows_f.at[0], nbr_sh.at[sidx.at[G2 - 2]], ssem.at[0]).wait()
    pltpu.make_async_copy(
        rows_f.at[1], nbr_sh.at[sidx.at[G2 - 1]], ssem.at[1]).wait()
    return 0
  lax.fori_loop(0, NG, group_body, 0)

  def hist_body(c, _):
    pltpu.sync_copy(deg_h.at[pl.ds(c * 10, 10)],
                    deg_out.at[scid, sid, pl.ds(c * 10, 10)])
    pltpu.sync_copy(ideg_h.at[pl.ds(c * 10, 10)],
                    ideg_out.at[scid, sid, pl.ds(c * 10, 10)])
    return 0
  lax.fori_loop(0, HR // 10, hist_body, 0)
  plsc.subcore_barrier()

  def read_body(c, _):
    r0 = base + c * RCH
    pltpu.sync_copy(nbr_sh.at[pl.ds(r0, RCH)], rows_f.at[0])
    pltpu.sync_copy(rows_f.at[0], nbr_out.at[scid, pl.ds(r0, RCH)])
    return 0
  lax.fori_loop(0, NPT // RCH, read_body, 0)


_sc_spmm = pl.kernel(
    _sc_spmm_body,
    out_type=(
        jax.ShapeDtypeStruct((NC, NPAD, F), jnp.float32),
        jax.ShapeDtypeStruct((NC, NS, HR, 128), jnp.float32),
        jax.ShapeDtypeStruct((NC, NS, HR, 128), jnp.float32),
    ),
    mesh=_MESH,
    compiler_params=_SC_PARAMS,
    scratch_types=[
        pltpu.VMEM_SHARED((NPAD, F), jnp.float32),
        pltpu.VMEM((G2, C), jnp.int32),
        pltpu.VMEM((G2, C), jnp.int32),
        pltpu.VMEM((2, C, F), jnp.bfloat16),
        pltpu.VMEM((2, C, F), jnp.float32),
        pltpu.VMEM((HR, 128), jnp.float32),
        pltpu.VMEM((HR, 128), jnp.float32),
        pltpu.SemaphoreType.DMA((2,)),
        pltpu.SemaphoreType.DMA((2,)),
    ],
)


def _sc_agg_body(gv, src3, dst3, acc_out,
                 acc_st, src_v, dst_v, gvv, acc_h, red_v, ovec_v):
  scid = lax.axis_index("c")
  sid = lax.axis_index("s")
  wid = sid * NC + scid
  base2 = sid * NPT * 2
  oi = jnp.ones((16,), jnp.int32)

  z = jnp.zeros((16,), jnp.float32)
  def zacc(i, _):
    acc_h[pl.ds(i * 16, 16)] = z
    return 0
  lax.fori_loop(0, 2 * NPAD // 16, zacc, 0)
  def gvv_body(c, _):
    pltpu.sync_copy(gv.at[pl.ds(c * 5000, 5000)],
                    gvv.at[pl.ds(c * 5000, 5000)])
    return 0
  lax.fori_loop(0, 2 * N // 5000, gvv_body, 0)
  def idx_body(c, _):
    pltpu.sync_copy(src3.at[wid, pl.ds(c * 40, 40)],
                    src_v.at[pl.ds(c * 40, 40)])
    pltpu.sync_copy(dst3.at[wid, pl.ds(c * 40, 40)],
                    dst_v.at[pl.ds(c * 40, 40)])
    return 0
  lax.fori_loop(0, NCH // 40, idx_body, 0)

  def edge_body(j, _):
    for v in range(C // 16):
      s16 = src_v[j, pl.ds(v * 16, 16)]
      d16 = dst_v[j, pl.ds(v * 16, 16)]
      s2 = s16 + s16
      d2 = d16 + d16
      g0 = plsc.load_gather(gvv, [s2])
      g1 = plsc.load_gather(gvv, [s2 + oi])
      plsc.addupdate_scatter(acc_h, [d2], g0)
      plsc.addupdate_scatter(acc_h, [d2 + oi], g1)
    return 0
  lax.fori_loop(0, NCH, edge_body, 0)

  pltpu.sync_copy(acc_h, acc_st.at[sid])
  plsc.subcore_barrier()

  pltpu.sync_copy(acc_st.at[:, pl.ds(base2, 2 * NPT)], red_v)
  def red_body(c, _):
    o = c * 16
    acc = red_v[0, pl.ds(o, 16)]
    for s in range(1, NS):
      acc = acc + red_v[s, pl.ds(o, 16)]
    ovec_v[pl.ds(o, 16)] = acc
    return 0
  lax.fori_loop(0, 2 * NPT // 16, red_body, 0)
  pltpu.sync_copy(ovec_v, acc_out.at[scid, pl.ds(base2, 2 * NPT)])


_sc_agg = pl.kernel(
    _sc_agg_body,
    out_type=jax.ShapeDtypeStruct((NC, 2 * NPAD), jnp.float32),
    mesh=_MESH,
    compiler_params=_SC_PARAMS,
    scratch_types=[
        pltpu.VMEM_SHARED((NS, 2 * NPAD), jnp.float32),
        pltpu.VMEM((NCH, C), jnp.int32),
        pltpu.VMEM((NCH, C), jnp.int32),
        pltpu.VMEM((2 * NPAD,), jnp.float32),
        pltpu.VMEM((2 * NPAD,), jnp.float32),
        pltpu.VMEM((NS, 2 * NPT), jnp.float32),
        pltpu.VMEM((2 * NPT,), jnp.float32),
    ],
)


def _dense_body(x_ref, n0_ref, n1_ref, dp_ref, ip_ref, pm_ref,
                fi_ref, bm_ref, bc_ref, bg_ref, bb_ref, gwb_ref,
                wm_ref, we_ref, wn_ref, wg_ref, gv_ref, dv_ref):
  f32 = jnp.float32
  s = jax.nn.sigmoid(fi_ref[...])
  xs = x_ref[...] * s
  deg = jnp.sum(dp_ref[...], axis=1, keepdims=True)
  ideg = jnp.sum(ip_ref[...], axis=1, keepdims=True)
  row0 = (lax.broadcasted_iota(jnp.int32, ideg.shape, 0)
          + pl.program_id(0) * ideg.shape[0]) == 0
  ideg = ideg - jnp.where(row0, float(NW * (EPWP - EPW)), 0.0)
  nbr = lax.dot_general(n0_ref[0] + n1_ref[0], pm_ref[...],
                        (((1,), (0,)), ((), ())),
                        preferred_element_type=jnp.float32)
  mean = nbr * s / jnp.maximum(deg, 1.0)
  xn = xs * lax.rsqrt(jnp.maximum(jnp.sum(xs * xs, 1, keepdims=True), 1e-24))
  mn = mean * lax.rsqrt(
      jnp.maximum(jnp.sum(mean * mean, 1, keepdims=True), 1e-24))
  sim = jnp.sum(xn * mn, 1, keepdims=True)
  delta = jax.nn.sigmoid(deg * (1.0 - sim) * 0.1 - 0.5)
  gate = jax.nn.sigmoid(gwb_ref[0, 0] * delta + gwb_ref[0, 1])

  dims = (((1,), (1,)), ((), ()))
  hm = 0.5 * lax.dot_general(xs + mean, wm_ref[...], dims,
                             preferred_element_type=f32) + bm_ref[...]
  he = lax.dot_general(xs, we_ref[...], dims, preferred_element_type=f32)
  hn = lax.dot_general(mean, wn_ref[...], dims, preferred_element_type=f32)
  hc = jnp.concatenate([he, hn], axis=1) + bc_ref[...]
  h = hm + gate * (hc - hm)
  h = h * (bg_ref[...] * (1.0 / jnp.sqrt(1.0 + 1e-5))) + bb_ref[...]
  h = jnp.maximum(h, 0.0)
  hw = lax.dot_general(h, wg_ref[...], dims, preferred_element_type=f32)
  dinv = lax.rsqrt(ideg + 1.0)
  gv_ref[...] = dinv * hw
  dv_ref[...] = dinv


BR = 1000


def _dense(x, n0, n1, dp, ip, pm, fi, bm, bc, bg, bb, gwb,
           wm, we, wn, wg):
  wide = lambda: pl.BlockSpec((BR, 128), lambda i: (i, 0))
  col = lambda: pl.BlockSpec((BR, 1), lambda i: (i, 0))
  hist = lambda: pl.BlockSpec((BR, NW), lambda i: (i, 0))
  part = lambda k: pl.BlockSpec((1, BR, 128), lambda i, k=k: (k, i, 0))
  fixed = lambda r, c: pl.BlockSpec((r, c), lambda i: (0, 0))
  return pl.pallas_call(
      _dense_body,
      grid=(N // BR,),
      in_specs=[
          wide(), part(0), part(1), hist(), hist(), fixed(128, 128),
          fixed(1, 128), fixed(1, 128), fixed(1, 128), fixed(1, 128),
          fixed(1, 128), fixed(1, 2),
          fixed(128, 128), fixed(64, 128), fixed(64, 128), fixed(2, 128),
      ],
      out_specs=[pl.BlockSpec((BR, 2), lambda i: (i, 0)), col()],
      out_shape=[
          jax.ShapeDtypeStruct((N, 2), jnp.float32),
          jax.ShapeDtypeStruct((N, 1), jnp.float32),
      ],
  )(x, n0, n1, dp, ip, pm, fi, bm, bc, bg, bb, gwb, wm, we, wn, wg)


def kernel(x, edge_index, feature_importance, W_mean, b_mean, W_ego, b_ego,
           W_nbr, b_nbr, gate_w, gate_b, bn_gamma, bn_beta, W_gcn, b_gcn):
  i32 = jnp.int32
  pad = jnp.full((NW, EPWP - EPW), SINK, i32)
  zpad = jnp.zeros((NW, EPWP - EPW), i32)
  src3 = jnp.concatenate(
      [edge_index[0].reshape(NW, EPW), pad], axis=1).reshape(NW, NG, G2, C)
  dst3 = jnp.concatenate(
      [edge_index[1].reshape(NW, EPW), zpad], axis=1).reshape(NW, NG, G2, C)
  src2 = jnp.concatenate(
      [edge_index[0].reshape(NW, EPW), zpad], axis=1).reshape(NW, NCH, C)
  dst2 = jnp.concatenate(
      [edge_index[1].reshape(NW, EPW), pad], axis=1).reshape(NW, NCH, C)

  nbr_p, deg_p, ideg_p = _sc_spmm(x.astype(jnp.bfloat16), src3, dst3)

  j = jnp.arange(F, dtype=i32)
  sigma = (j // 32) * 32 + (j % 2) * 16 + (j % 32) // 2
  pm = jnp.zeros((F, F), jnp.float32).at[sigma, j].set(1.0)
  gv, dinv = _dense(
      x, nbr_p, nbr_p,
      deg_p.reshape(NW, NPAD)[:, :N].T, ideg_p.reshape(NW, NPAD)[:, :N].T, pm,
      feature_importance.reshape(1, 128),
      b_mean.reshape(1, 128),
      jnp.concatenate([b_ego, b_nbr]).reshape(1, 128),
      bn_gamma.reshape(1, 128), bn_beta.reshape(1, 128),
      jnp.stack([gate_w, gate_b]).reshape(1, 2),
      W_mean, W_ego, W_nbr, W_gcn)

  acc = _sc_agg(gv.reshape(2 * N), src2, dst2).reshape(NC, NPAD, 2)
  return dinv * (acc[0, :N] + acc[1, :N] + gv) + b_gcn

# --- scband reference (transcript-rebuilt; emitter-appended) ---
"""Pipeline reference for scband-daaa-24481313587848 (READ-ONLY COPY).

The authoritative reference and input builder live on the scoring server;
editing this copy changes nothing except your own understanding.
"""

import jax, jax.numpy as jnp
import numpy as np

N = 10000
E = 320000
F_IN = 128
HID = 128
OUT = 2
EGO = HID // 2
NBR = HID - EGO


def setup_inputs(seed: int = 0) -> dict:
    key = jax.random.key(seed)
    ks = jax.random.split(key, 12)
    x = jax.random.normal(ks[0], (N, F_IN), dtype=jnp.float32)
    edge_index = jax.random.randint(ks[1], (2, E), 0, N, dtype=jnp.int32)
    feature_importance = jnp.ones((F_IN,), dtype=jnp.float32)
    W_mean = jax.random.normal(ks[2], (HID, F_IN), dtype=jnp.float32) * 0.05
    b_mean = jnp.zeros((HID,), dtype=jnp.float32)
    W_ego = jax.random.normal(ks[3], (EGO, F_IN), dtype=jnp.float32) * 0.05
    b_ego = jnp.zeros((EGO,), dtype=jnp.float32)
    W_nbr = jax.random.normal(ks[4], (NBR, F_IN), dtype=jnp.float32) * 0.05
    b_nbr = jnp.zeros((NBR,), dtype=jnp.float32)
    gate_w = jnp.array(1.0, dtype=jnp.float32)
    gate_b = jnp.array(0.0, dtype=jnp.float32)
    bn_gamma = jnp.ones((HID,), dtype=jnp.float32)
    bn_beta = jnp.zeros((HID,), dtype=jnp.float32)
    W_gcn = jax.random.normal(ks[5], (OUT, HID), dtype=jnp.float32) * 0.05
    b_gcn = jnp.zeros((OUT,), dtype=jnp.float32)
    return {"x": x, "edge_index": edge_index, "feature_importance": feature_importance,
            "W_mean": W_mean, "b_mean": b_mean, "W_ego": W_ego, "b_ego": b_ego,
            "W_nbr": W_nbr, "b_nbr": b_nbr, "gate_w": gate_w, "gate_b": gate_b,
            "bn_gamma": bn_gamma, "bn_beta": bn_beta, "W_gcn": W_gcn, "b_gcn": b_gcn}


def _neighbor_stats(x, src, dst, n):
    # adj = sparse with A[src, dst] = 1; torch.sparse.mm(adj, x)[i] = sum_{e: src=i} x[dst]
    deg = jax.ops.segment_sum(jnp.ones(src.shape[0], dtype=x.dtype), src, num_segments=n)
    nbr_sum = jax.ops.segment_sum(x[dst], src, num_segments=n)
    mean_nbr = nbr_sum / jnp.maximum(deg, 1.0)[:, None]
    return mean_nbr, deg


def _l2_normalize(v, eps=1e-12):
    nrm = jnp.sqrt(jnp.sum(v * v, axis=1, keepdims=True))
    return v / jnp.maximum(nrm, eps)


def reference(x, edge_index, feature_importance, W_mean, b_mean, W_ego, b_ego,
              W_nbr, b_nbr, gate_w, gate_b, bn_gamma, bn_beta, W_gcn, b_gcn):
    n = x.shape[0]
    src = edge_index[0]
    dst = edge_index[1]
    # feature importance
    x = x * jax.nn.sigmoid(feature_importance)
    # DilutionComputer
    mean_nbr, deg = _neighbor_stats(x, src, dst, n)
    x_n = _l2_normalize(x)
    m_n = _l2_normalize(mean_nbr)
    sim = jnp.sum(x_n * m_n, axis=1)
    sim = jnp.where(deg > 0, sim, jnp.ones_like(sim))
    delta_agg = deg * (1.0 - sim)
    delta_agg = jax.nn.sigmoid(delta_agg / 10.0 - 0.5)
    # AdaptiveAggregationLayer
    h_mean = ((x + mean_nbr) / 2.0) @ W_mean.T + b_mean
    h_ego = x @ W_ego.T + b_ego
    h_nbr = mean_nbr @ W_nbr.T + b_nbr
    h_cat = jnp.concatenate([h_ego, h_nbr], axis=1)
    gate = jax.nn.sigmoid(gate_w * delta_agg + gate_b)[:, None]
    h = (1.0 - gate) * h_mean + gate * h_cat
    # BatchNorm1d (eval mode: running_mean=0, running_var=1, eps=1e-5)
    h = (h - 0.0) / jnp.sqrt(1.0 + 1e-5) * bn_gamma + bn_beta
    h = jax.nn.relu(h)
    # dropout: identity in eval
    # GCNConv with self-loops and symmetric normalization
    loop = jnp.arange(n, dtype=src.dtype)
    src2 = jnp.concatenate([src, loop])
    dst2 = jnp.concatenate([dst, loop])
    deg2 = jax.ops.segment_sum(jnp.ones(src2.shape[0], dtype=h.dtype), dst2, num_segments=n)
    dinv = jnp.where(deg2 > 0, 1.0 / jnp.sqrt(deg2), 0.0)
    norm = dinv[src2] * dinv[dst2]
    hw = h @ W_gcn.T
    out = jax.ops.segment_sum(norm[:, None] * hw[src2], dst2, num_segments=n) + b_gcn
    return out

if __name__ == "__main__":
    import jax
    _d = setup_inputs()
    print(jax.jit(kernel)(*tuple(_d.values())))

</pallas_src>

<mosaic_0001>
#map = affine_map<(d0, d1) -> (0)>
#map1 = affine_map<(d0, d1) -> (0, 0, 0)>
#map2 = affine_map<(d0, d1) -> (0, 0)>
module attributes {stable_mosaic.version = 14 : i64} {
  func.func @_sc_agg_body(%arg0: i32, %arg1: i32, %arg2: memref<20000xf32, #tpu.memory_space<hbm>>, %arg3: memref<32x160x64xi32, #tpu.memory_space<hbm>>, %arg4: memref<32x160x64xi32, #tpu.memory_space<hbm>>, %arg5: memref<2x20480xf32, #tpu.memory_space<hbm>>, %arg6: memref<16x20480xf32, #tpu.memory_space<vmem_shared>>, %arg7: memref<160x64xi32, #tpu.memory_space<vmem>>, %arg8: memref<160x64xi32, #tpu.memory_space<vmem>>, %arg9: memref<20480xf32, #tpu.memory_space<vmem>>, %arg10: memref<20480xf32, #tpu.memory_space<vmem>>, %arg11: memref<16x1280xf32, #tpu.memory_space<vmem>>, %arg12: memref<1280xf32, #tpu.memory_space<vmem>>) attributes {dimension_semantics = [#tpu.dimension_semantics<core_parallel>, #tpu.dimension_semantics<subcore_parallel>], iteration_bounds = array<i64: 2, 16>, scalar_prefetch = 0 : i64, scratch_operands = 7 : i64, tpu.core_type = #tpu.core_type<sc_vector_subcore>, window_params = [{transform_indices = #map}, {transform_indices = #map1}, {transform_indices = #map1}, {transform_indices = #map2}]} {
    %mul3A = arith.constant 2 : i32
    %mul3A_0 = arith.muli %arg1, %mul3A : i32
    %add3A = arith.addi %mul3A_0, %arg0 : i32
    %mul3A_1 = arith.constant 640 : i32
    %mul3A_2 = arith.muli %arg1, %mul3A_1 : i32
    %mul3A_3 = arith.constant 2 : i32
    %mul3A_4 = arith.muli %mul3A_2, %mul3A_3 : i32
    %broadcast_in_dim3A = arith.constant 1 : i32
    %broadcast_in_dim3A_5 = vector.broadcast %broadcast_in_dim3A : i32 to vector<16xi32>
    %broadcast_in_dim3A_6 = arith.constant 0.000000e+00 : f32
    %broadcast_in_dim3A_7 = vector.broadcast %broadcast_in_dim3A_6 : f32 to vector<16xf32>
    %scan3A = arith.constant 0 : i32
    %scan3A_8 = arith.constant 0 : i32
    %scan3A_9 = arith.constant 1280 : i32
    %scan3A_10 = arith.addi %scan3A_8, %scan3A_9 : i32
    %scan3A_11 = arith.constant 1 : i32
    %scan3A_12 = scf.for %scan3A_42 = %scan3A_8 to %scan3A_10 step %scan3A_11 iter_args(%scan3A_43 = %scan3A) -> (i32)  : i32 {
      %mul3A_44 = arith.constant 16 : i32
      %mul3A_45 = arith.muli %scan3A_42, %mul3A_44 : i32
      %swap3A = arith.index_cast %mul3A_45 : i32 to index
      %swap3A_46 = tpu.vector_load %arg10[%swap3A] {strides = array<i32>} : memref<20480xf32, #tpu.memory_space<vmem>>, vector<16xf32>,
      tpu.vector_store %arg10[%swap3A], %broadcast_in_dim3A_7 {strides = array<i32>} : memref<20480xf32, #tpu.memory_space<vmem>>, vector<16xf32>,
      %scan3A_47 = arith.constant 0 : i32
      scf.yield %scan3A_47 : i32
    }
    %scan3A_13 = arith.constant 1280 : i32
    %scan3A_14 = arith.constant 0 : i32
    %scan3A_15 = arith.constant 0 : i32
    %scan3A_16 = arith.constant 4 : i32
    %scan3A_17 = arith.addi %scan3A_15, %scan3A_16 : i32
    %scan3A_18 = arith.constant 1 : i32
    %scan3A_19 = scf.for %scan3A_42 = %scan3A_15 to %scan3A_17 step %scan3A_18 iter_args(%scan3A_43 = %scan3A_14) -> (i32)  : i32 {
      %mul3A_44 = arith.constant 5000 : i32
      %mul3A_45 = arith.muli %scan3A_42, %mul3A_44 : i32
      %mul3A_46 = arith.constant 5000 : i32
      %mul3A_47 = arith.muli %scan3A_42, %mul3A_46 : i32
      "tpu.region"() ({
        %run_scoped3A = tpu.sem_alloc : memref<!tpu.dma_semaphore, #tpu.memory_space<semaphore_mem>>
        %dma_start3A = tpu.memref_slice %arg9[%mul3A_47] : memref<20480xf32, #tpu.memory_space<vmem>> -> memref<5000xf32, #tpu.memory_space<vmem>>
        %dma_start3A_49 = tpu.memref_slice %arg2[%mul3A_45] : memref<20000xf32, #tpu.memory_space<hbm>> -> memref<5000xf32, #tpu.memory_space<hbm>>
        %dma_start3A_50 = tpu.memref_slice %arg9[%mul3A_47] : memref<20480xf32, #tpu.memory_space<vmem>> -> memref<5000xf32, #tpu.memory_space<vmem>>
        %dma_start3A_51 = tpu.memref_slice %arg2[%mul3A_45] : memref<20000xf32, #tpu.memory_space<hbm>> -> memref<5000xf32, #tpu.memory_space<hbm>>
        tpu.enqueue_dma source(%dma_start3A_51 : memref<5000xf32, #tpu.memory_space<hbm>>) target(%dma_start3A_50 : memref<5000xf32, #tpu.memory_space<vmem>>) target_semaphore(%run_scoped3A : memref<!tpu.dma_semaphore, #tpu.memory_space<semaphore_mem>>)
        %dma_wait3A = tpu.memref_slice %arg9[%mul3A_47] : memref<20480xf32, #tpu.memory_space<vmem>> -> memref<5000xf32, #tpu.memory_space<vmem>>
        %dma_wait3A_52 = tpu.memref_slice %arg2[%mul3A_45] : memref<20000xf32, #tpu.memory_space<hbm>> -> memref<5000xf32, #tpu.memory_space<hbm>>
        %dma_wait3A_53 = tpu.memref_slice %arg9[%mul3A_47] : memref<20480xf32, #tpu.memory_space<vmem>> -> memref<5000xf32, #tpu.memory_space<vmem>>
        %dma_wait3A_54 = tpu.memref_slice %arg2[%mul3A_45] : memref<20000xf32, #tpu.memory_space<hbm>> -> memref<5000xf32, #tpu.memory_space<hbm>>
        tpu.wait_dma2 semaphore(%run_scoped3A : memref<!tpu.dma_semaphore, #tpu.memory_space<semaphore_mem>>) src(%dma_wait3A_54 : memref<5000xf32, #tpu.memory_space<hbm>>) dst(%dma_wait3A_53 : memref<5000xf32, #tpu.memory_space<vmem>>)
        tpu.yield
      }) : () -> ()
      %scan3A_48 = arith.constant 0 : i32
      scf.yield %scan3A_48 : i32
    }
    %scan3A_20 = arith.constant 4 : i32
    %scan3A_21 = arith.constant 0 : i32
    %scan3A_22 = arith.constant 0 : i32
    %scan3A_23 = arith.constant 4 : i32
    %scan3A_24 = arith.addi %scan3A_22, %scan3A_23 : i32
    %scan3A_25 = arith.constant 1 : i32
    %scan3A_26 = scf.for %scan3A_42 = %scan3A_22 to %scan3A_24 step %scan3A_25 iter_args(%scan3A_43 = %scan3A_21) -> (i32)  : i32 {
      %mul3A_44 = arith.constant 40 : i32
      %mul3A_45 = arith.muli %scan3A_42, %mul3A_44 : i32
      %mul3A_46 = arith.constant 40 : i32
      %mul3A_47 = arith.muli %scan3A_42, %mul3A_46 : i32
      "tpu.region"() ({
        %run_scoped3A = tpu.sem_alloc : memref<!tpu.dma_semaphore, #tpu.memory_space<semaphore_mem>>
        %dma_start3A = arith.constant 0 : i32
        %dma_start3A_53 = tpu.memref_slice %arg7[%mul3A_47, %dma_start3A] : memref<160x64xi32, #tpu.memory_space<vmem>> -> memref<40x64xi32, #tpu.memory_space<vmem>>
        %dma_start3A_54 = arith.constant 0 : i32
        %dma_start3A_55 = tpu.memref_slice %arg3[%add3A, %mul3A_45, %dma_start3A_54] : memref<32x160x64xi32, #tpu.memory_space<hbm>> -> memref<1x40x64xi32, #tpu.memory_space<hbm>>
        %dma_start3A_56 = tpu.memref_squeeze %dma_start3A_55 : memref<1x40x64xi32, #tpu.memory_space<hbm>> -> memref<40x64xi32, #tpu.memory_space<hbm>>
        %dma_start3A_57 = arith.constant 0 : i32
        %dma_start3A_58 = tpu.memref_slice %arg7[%mul3A_47, %dma_start3A_57] : memref<160x64xi32, #tpu.memory_space<vmem>> -> memref<40x64xi32, #tpu.memory_space<vmem>>
        %dma_start3A_59 = arith.constant 0 : i32
        %dma_start3A_60 = tpu.memref_slice %arg3[%add3A, %mul3A_45, %dma_start3A_59] : memref<32x160x64xi32, #tpu.memory_space<hbm>> -> memref<1x40x64xi32, #tpu.memory_space<hbm>>
        %dma_start3A_61 = tpu.memref_squeeze %dma_start3A_60 : memref<1x40x64xi32, #tpu.memory_space<hbm>> -> memref<40x64xi32, #tpu.memory_space<hbm>>
        tpu.enqueue_dma source(%dma_start3A_61 : memref<40x64xi32, #tpu.memory_space<hbm>>) target(%dma_start3A_58 : memref<40x64xi32, #tpu.memory_space<vmem>>) target_semaphore(%run_scoped3A : memref<!tpu.dma_semaphore, #tpu.memory_space<semaphore_mem>>)
        %dma_wait3A = arith.constant 0 : i32
        %dma_wait3A_62 = tpu.memref_slice %arg7[%mul3A_47, %dma_wait3A] : memref<160x64xi32, #tpu.memory_space<vmem>> -> memref<40x64xi32, #tpu.memory_space<vmem>>
        %dma_wait3A_63 = arith.constant 0 : i32
        %dma_wait3A_64 = tpu.memref_slice %arg3[%add3A, %mul3A_45, %dma_wait3A_63] : memref<32x160x64xi32, #tpu.memory_space<hbm>> -> memref<1x40x64xi32, #tpu.memory_space<hbm>>
        %dma_wait3A_65 = tpu.memref_squeeze %dma_wait3A_64 : memref<1x40x64xi32, #tpu.memory_space<hbm>> -> memref<40x64xi32, #tpu.memory_space<hbm>>
        %dma_wait3A_66 = arith.constant 0 : i32
        %dma_wait3A_67 = tpu.memref_slice %arg7[%mul3A_47, %dma_wait3A_66] : memref<160x64xi32, #tpu.memory_space<vmem>> -> memref<40x64xi32, #tpu.memory_space<vmem>>
        %dma_wait3A_68 = arith.constant 0 : i32
        %dma_wait3A_69 = tpu.memref_slice %arg3[%add3A, %mul3A_45, %dma_wait3A_68] : memref<32x160x64xi32, #tpu.memory_space<hbm>> -> memref<1x40x64xi32, #tpu.memory_space<hbm>>
        %dma_wait3A_70 = tpu.memref_squeeze %dma_wait3A_69 : memref<1x40x64xi32, #tpu.memory_space<hbm>> -> memref<40x64xi32, #tpu.memory_space<hbm>>
        tpu.wait_dma2 semaphore(%run_scoped3A : memref<!tpu.dma_semaphore, #tpu.memory_space<semaphore_mem>>) src(%dma_wait3A_70 : memref<40x64xi32, #tpu.memory_space<hbm>>) dst(%dma_wait3A_67 : memref<40x64xi32, #tpu.memory_space<vmem>>)
        tpu.yield
      }) : () -> ()
      %mul3A_48 = arith.constant 40 : i32
      %mul3A_49 = arith.muli %scan3A_42, %mul3A_48 : i32
      %mul3A_50 = arith.constant 40 : i32
      %mul3A_51 = arith.muli %scan3A_42, %mul3A_50 : i32
      "tpu.region"() ({
        %run_scoped3A = tpu.sem_alloc : memref<!tpu.dma_semaphore, #tpu.memory_space<semaphore_mem>>
        %dma_start3A = arith.constant 0 : i32
        %dma_start3A_53 = tpu.memref_slice %arg8[%mul3A_51, %dma_start3A] : memref<160x64xi32, #tpu.memory_space<vmem>> -> memref<40x64xi32, #tpu.memory_space<vmem>>
        %dma_start3A_54 = arith.constant 0 : i32
        %dma_start3A_55 = tpu.memref_slice %arg4[%add3A, %mul3A_49, %dma_start3A_54] : memref<32x160x64xi32, #tpu.memory_space<hbm>> -> memref<1x40x64xi32, #tpu.memory_space<hbm>>
        %dma_start3A_56 = tpu.memref_squeeze %dma_start3A_55 : memref<1x40x64xi32, #tpu.memory_space<hbm>> -> memref<40x64xi32, #tpu.memory_space<hbm>>
        %dma_start3A_57 = arith.constant 0 : i32
        %dma_start3A_58 = tpu.memref_slice %arg8[%mul3A_51, %dma_start3A_57] : memref<160x64xi32, #tpu.memory_space<vmem>> -> memref<40x64xi32, #tpu.memory_space<vmem>>
        %dma_start3A_59 = arith.constant 0 : i32
        %dma_start3A_60 = tpu.memref_slice %arg4[%add3A, %mul3A_49, %dma_start3A_59] : memref<32x160x64xi32, #tpu.memory_space<hbm>> -> memref<1x40x64xi32, #tpu.memory_space<hbm>>
        %dma_start3A_61 = tpu.memref_squeeze %dma_start3A_60 : memref<1x40x64xi32, #tpu.memory_space<hbm>> -> memref<40x64xi32, #tpu.memory_space<hbm>>
        tpu.enqueue_dma source(%dma_start3A_61 : memref<40x64xi32, #tpu.memory_space<hbm>>) target(%dma_start3A_58 : memref<40x64xi32, #tpu.memory_space<vmem>>) target_semaphore(%run_scoped3A : memref<!tpu.dma_semaphore, #tpu.memory_space<semaphore_mem>>)
        %dma_wait3A = arith.constant 0 : i32
        %dma_wait3A_62 = tpu.memref_slice %arg8[%mul3A_51, %dma_wait3A] : memref<160x64xi32, #tpu.memory_space<vmem>> -> memref<40x64xi32, #tpu.memory_space<vmem>>
        %dma_wait3A_63 = arith.constant 0 : i32
        %dma_wait3A_64 = tpu.memref_slice %arg4[%add3A, %mul3A_49, %dma_wait3A_63] : memref<32x160x64xi32, #tpu.memory_space<hbm>> -> memref<1x40x64xi32, #tpu.memory_space<hbm>>
        %dma_wait3A_65 = tpu.memref_squeeze %dma_wait3A_64 : memref<1x40x64xi32, #tpu.memory_space<hbm>> -> memref<40x64xi32, #tpu.memory_space<hbm>>
        %dma_wait3A_66 = arith.constant 0 : i32
        %dma_wait3A_67 = tpu.memref_slice %arg8[%mul3A_51, %dma_wait3A_66] : memref<160x64xi32, #tpu.memory_space<vmem>> -> memref<40x64xi32, #tpu.memory_space<vmem>>
        %dma_wait3A_68 = arith.constant 0 : i32
        %dma_wait3A_69 = tpu.memref_slice %arg4[%add3A, %mul3A_49, %dma_wait3A_68] : memref<32x160x64xi32, #tpu.memory_space<hbm>> -> memref<1x40x64xi32, #tpu.memory_space<hbm>>
        %dma_wait3A_70 = tpu.memref_squeeze %dma_wait3A_69 : memref<1x40x64xi32, #tpu.memory_space<hbm>> -> memref<40x64xi32, #tpu.memory_space<hbm>>
        tpu.wait_dma2 semaphore(%run_scoped3A : memref<!tpu.dma_semaphore, #tpu.memory_space<semaphore_mem>>) src(%dma_wait3A_70 : memref<40x64xi32, #tpu.memory_space<hbm>>) dst(%dma_wait3A_67 : memref<40x64xi32, #tpu.memory_space<vmem>>)
        tpu.yield
      }) : () -> ()
      %scan3A_52 = arith.constant 0 : i32
      scf.yield %scan3A_52 : i32
    }
    %scan3A_27 = arith.constant 4 : i32
    %scan3A_28 = arith.constant 0 : i32
    %scan3A_29 = arith.constant 0 : i32
    %scan3A_30 = arith.constant 160 : i32
    %scan3A_31 = arith.addi %scan3A_29, %scan3A_30 : i32
    %scan3A_32 = arith.constant 1 : i32
    %scan3A_33 = scf.for %scan3A_42 = %scan3A_29 to %scan3A_31 step %scan3A_32 iter_args(%scan3A_43 = %scan3A_28) -> (i32)  : i32 {
      %get3A = arith.index_cast %scan3A_42 : i32 to index
      %get3A_44 = arith.constant 0 : index
      %get3A_45 = tpu.vector_load %arg7[%get3A, %get3A_44] {strides = array<i32>} : memref<160x64xi32, #tpu.memory_space<vmem>>, vector<16xi32>,
      %get3A_46 = arith.index_cast %scan3A_42 : i32 to index
      %get3A_47 = arith.constant 0 : index
      %get3A_48 = tpu.vector_load %arg8[%get3A_46, %get3A_47] {strides = array<i32>} : memref<160x64xi32, #tpu.memory_space<vmem>>, vector<16xi32>,
      %add3A_49 = arith.addi %get3A_45, %get3A_45 : vector<16xi32>
      %add3A_50 = arith.addi %get3A_48, %get3A_48 : vector<16xi32>
      %gather3A = tpu.vector_load_idx %arg9[%add3A_49] : memref<20480xf32, #tpu.memory_space<vmem>>[vector<16xi32>], vector<16xf32>,
      %add3A_51 = arith.addi %add3A_49, %broadcast_in_dim3A_5 : vector<16xi32>
      %gather3A_52 = tpu.vector_load_idx %arg9[%add3A_51] : memref<20480xf32, #tpu.memory_space<vmem>>[vector<16xi32>], vector<16xf32>,
      tpu.vector_store_idx %arg10[%add3A_50], %gather3A {add = true} : memref<20480xf32, #tpu.memory_space<vmem>>[vector<16xi32>], vector<16xf32>,
      %add3A_53 = arith.addi %add3A_50, %broadcast_in_dim3A_5 : vector<16xi32>
      tpu.vector_store_idx %arg10[%add3A_53], %gather3A_52 {add = true} : memref<20480xf32, #tpu.memory_space<vmem>>[vector<16xi32>], vector<16xf32>,
      %get3A_54 = arith.index_cast %scan3A_42 : i32 to index
      %get3A_55 = arith.constant 16 : index
      %get3A_56 = tpu.vector_load %arg7[%get3A_54, %get3A_55] {strides = array<i32>} : memref<160x64xi32, #tpu.memory_space<vmem>>, vector<16xi32>,
      %get3A_57 = arith.index_cast %scan3A_42 : i32 to index
      %get3A_58 = arith.constant 16 : index
      %get3A_59 = tpu.vector_load %arg8[%get3A_57, %get3A_58] {strides = array<i32>} : memref<160x64xi32, #tpu.memory_space<vmem>>, vector<16xi32>,
      %add3A_60 = arith.addi %get3A_56, %get3A_56 : vector<16xi32>
      %add3A_61 = arith.addi %get3A_59, %get3A_59 : vector<16xi32>
      %gather3A_62 = tpu.vector_load_idx %arg9[%add3A_60] : memref<20480xf32, #tpu.memory_space<vmem>>[vector<16xi32>], vector<16xf32>,
      %add3A_63 = arith.addi %add3A_60, %broadcast_in_dim3A_5 : vector<16xi32>
      %gather3A_64 = tpu.vector_load_idx %arg9[%add3A_63] : memref<20480xf32, #tpu.memory_space<vmem>>[vector<16xi32>], vector<16xf32>,
      tpu.vector_store_idx %arg10[%add3A_61], %gather3A_62 {add = true} : memref<20480xf32, #tpu.memory_space<vmem>>[vector<16xi32>], vector<16xf32>,
      %add3A_65 = arith.addi %add3A_61, %broadcast_in_dim3A_5 : vector<16xi32>
      tpu.vector_store_idx %arg10[%add3A_65], %gather3A_64 {add = true} : memref<20480xf32, #tpu.memory_space<vmem>>[vector<16xi32>], vector<16xf32>,
      %get3A_66 = arith.index_cast %scan3A_42 : i32 to index
      %get3A_67 = arith.constant 32 : index
      %get3A_68 = tpu.vector_load %arg7[%get3A_66, %get3A_67] {strides = array<i32>} : memref<160x64xi32, #tpu.memory_space<vmem>>, vector<16xi32>,
      %get3A_69 = arith.index_cast %scan3A_42 : i32 to index
      %get3A_70 = arith.constant 32 : index
      %get3A_71 = tpu.vector_load %arg8[%get3A_69, %get3A_70] {strides = array<i32>} : memref<160x64xi32, #tpu.memory_space<vmem>>, vector<16xi32>,
      %add3A_72 = arith.addi %get3A_68, %get3A_68 : vector<16xi32>
      %add3A_73 = arith.addi %get3A_71, %get3A_71 : vector<16xi32>
      %gather3A_74 = tpu.vector_load_idx %arg9[%add3A_72] : memref<20480xf32, #tpu.memory_space<vmem>>[vector<16xi32>], vector<16xf32>,
      %add3A_75 = arith.addi %add3A_72, %broadcast_in_dim3A_5 : vector<16xi32>
      %gather3A_76 = tpu.vector_load_idx %arg9[%add3A_75] : memref<20480xf32, #tpu.memory_space<vmem>>[vector<16xi32>], vector<16xf32>,
      tpu.vector_store_idx %arg10[%add3A_73], %gather3A_74 {add = true} : memref<20480xf32, #tpu.memory_space<vmem>>[vector<16xi32>], vector<16xf32>,
      %add3A_77 = arith.addi %add3A_73, %broadcast_in_dim3A_5 : vector<16xi32>
      tpu.vector_store_idx %arg10[%add3A_77], %gather3A_76 {add = true} : memref<20480xf32, #tpu.memory_space<vmem>>[vector<16xi32>], vector<16xf32>,
      %get3A_78 = arith.index_cast %scan3A_42 : i32 to index
      %get3A_79 = arith.constant 48 : index
      %get3A_80 = tpu.vector_load %arg7[%get3A_78, %get3A_79] {strides = array<i32>} : memref<160x64xi32, #tpu.memory_space<vmem>>, vector<16xi32>,
      %get3A_81 = arith.index_cast %scan3A_42 : i32 to index
      %get3A_82 = arith.constant 48 : index
      %get3A_83 = tpu.vector_load %arg8[%get3A_81, %get3A_82] {strides = array<i32>} : memref<160x64xi32, #tpu.memory_space<vmem>>, vector<16xi32>,
      %add3A_84 = arith.addi %get3A_80, %get3A_80 : vector<16xi32>
      %add3A_85 = arith.addi %get3A_83, %get3A_83 : vector<16xi32>
      %gather3A_86 = tpu.vector_load_idx %arg9[%add3A_84] : memref<20480xf32, #tpu.memory_space<vmem>>[vector<16xi32>], vector<16xf32>,
      %add3A_87 = arith.addi %add3A_84, %broadcast_in_dim3A_5 : vector<16xi32>
      %gather3A_88 = tpu.vector_load_idx %arg9[%add3A_87] : memref<20480xf32, #tpu.memory_space<vmem>>[vector<16xi32>], vector<16xf32>,
      tpu.vector_store_idx %arg10[%add3A_85], %gather3A_86 {add = true} : memref<20480xf32, #tpu.memory_space<vmem>>[vector<16xi32>], vector<16xf32>,
      %add3A_89 = arith.addi %add3A_85, %broadcast_in_dim3A_5 : vector<16xi32>
      tpu.vector_store_idx %arg10[%add3A_89], %gather3A_88 {add = true} : memref<20480xf32, #tpu.memory_space<vmem>>[vector<16xi32>], vector<16xf32>,
      %scan3A_90 = arith.constant 0 : i32
      scf.yield %scan3A_90 : i32
    }
    %scan3A_34 = arith.constant 160 : i32
    "tpu.region"() ({
      %run_scoped3A = tpu.sem_alloc : memref<!tpu.dma_semaphore, #tpu.memory_space<semaphore_mem>>
      %dma_start3A = arith.constant 0 : i32
      %dma_start3A_42 = tpu.memref_slice %arg6[%arg1, %dma_start3A] : memref<16x20480xf32, #tpu.memory_space<vmem_shared>> -> memref<1x20480xf32, #tpu.memory_space<vmem_shared>>
      %dma_start3A_43 = tpu.memref_squeeze %dma_start3A_42 : memref<1x20480xf32, #tpu.memory_space<vmem_shared>> -> memref<20480xf32, #tpu.memory_space<vmem_shared>>
      %dma_start3A_44 = arith.constant 0 : i32
      %dma_start3A_45 = tpu.memref_slice %arg6[%arg1, %dma_start3A_44] : memref<16x20480xf32, #tpu.memory_space<vmem_shared>> -> memref<1x20480xf32, #tpu.memory_space<vmem_shared>>
      %dma_start3A_46 = tpu.memref_squeeze %dma_start3A_45 : memref<1x20480xf32, #tpu.memory_space<vmem_shared>> -> memref<20480xf32, #tpu.memory_space<vmem_shared>>
      tpu.enqueue_dma source(%arg10 : memref<20480xf32, #tpu.memory_space<vmem>>) target(%dma_start3A_46 : memref<20480xf32, #tpu.memory_space<vmem_shared>>) target_semaphore(%run_scoped3A : memref<!tpu.dma_semaphore, #tpu.memory_space<semaphore_mem>>)
      %dma_wait3A = arith.constant 0 : i32
      %dma_wait3A_47 = tpu.memref_slice %arg6[%arg1, %dma_wait3A] : memref<16x20480xf32, #tpu.memory_space<vmem_shared>> -> memref<1x20480xf32, #tpu.memory_space<vmem_shared>>
      %dma_wait3A_48 = tpu.memref_squeeze %dma_wait3A_47 : memref<1x20480xf32, #tpu.memory_space<vmem_shared>> -> memref<20480xf32, #tpu.memory_space<vmem_shared>>
      %dma_wait3A_49 = arith.constant 0 : i32
      %dma_wait3A_50 = tpu.memref_slice %arg6[%arg1, %dma_wait3A_49] : memref<16x20480xf32, #tpu.memory_space<vmem_shared>> -> memref<1x20480xf32, #tpu.memory_space<vmem_shared>>
      %dma_wait3A_51 = tpu.memref_squeeze %dma_wait3A_50 : memref<1x20480xf32, #tpu.memory_space<vmem_shared>> -> memref<20480xf32, #tpu.memory_space<vmem_shared>>
      tpu.wait_dma2 semaphore(%run_scoped3A : memref<!tpu.dma_semaphore, #tpu.memory_space<semaphore_mem>>) src(%arg10 : memref<20480xf32, #tpu.memory_space<vmem>>) dst(%dma_wait3A_51 : memref<20480xf32, #tpu.memory_space<vmem_shared>>)
      tpu.yield
    }) : () -> ()
    %barrier3A = arith.constant 0 : index
    tpu.barrier barrier_id(%barrier3A)
    "tpu.region"() ({
      %run_scoped3A = tpu.sem_alloc : memref<!tpu.dma_semaphore, #tpu.memory_space<semaphore_mem>>
      %dma_start3A = arith.constant 0 : i32
      %dma_start3A_42 = tpu.memref_slice %arg6[%dma_start3A, %mul3A_4] : memref<16x20480xf32, #tpu.memory_space<vmem_shared>> -> memref<16x1280xf32, #tpu.memory_space<vmem_shared>>
      %dma_start3A_43 = arith.constant 0 : i32
      %dma_start3A_44 = tpu.memref_slice %arg6[%dma_start3A_43, %mul3A_4] : memref<16x20480xf32, #tpu.memory_space<vmem_shared>> -> memref<16x1280xf32, #tpu.memory_space<vmem_shared>>
      tpu.enqueue_dma source(%dma_start3A_44 : memref<16x1280xf32, #tpu.memory_space<vmem_shared>>) target(%arg11 : memref<16x1280xf32, #tpu.memory_space<vmem>>) target_semaphore(%run_scoped3A : memref<!tpu.dma_semaphore, #tpu.memory_space<semaphore_mem>>)
      %dma_wait3A = arith.constant 0 : i32
      %dma_wait3A_45 = tpu.memref_slice %arg6[%dma_wait3A, %mul3A_4] : memref<16x20480xf32, #tpu.memory_space<vmem_shared>> -> memref<16x1280xf32, #tpu.memory_space<vmem_shared>>
      %dma_wait3A_46 = arith.constant 0 : i32
      %dma_wait3A_47 = tpu.memref_slice %arg6[%dma_wait3A_46, %mul3A_4] : memref<16x20480xf32, #tpu.memory_space<vmem_shared>> -> memref<16x1280xf32, #tpu.memory_space<vmem_shared>>
      tpu.wait_dma2 semaphore(%run_scoped3A : memref<!tpu.dma_semaphore, #tpu.memory_space<semaphore_mem>>) src(%dma_wait3A_47 : memref<16x1280xf32, #tpu.memory_space<vmem_shared>>) dst(%arg11 : memref<16x1280xf32, #tpu.memory_space<vmem>>)
      tpu.yield
    }) : () -> ()
    %scan3A_35 = arith.constant 0 : i32
    %scan3A_36 = arith.constant 0 : i32
    %scan3A_37 = arith.constant 80 : i32
    %scan3A_38 = arith.addi %scan3A_36, %scan3A_37 : i32
    %scan3A_39 = arith.constant 1 : i32
    %scan3A_40 = scf.for %scan3A_42 = %scan3A_36 to %scan3A_38 step %scan3A_39 iter_args(%scan3A_43 = %scan3A_35) -> (i32)  : i32 {
      %mul3A_44 = arith.constant 16 : i32
      %mul3A_45 = arith.muli %scan3A_42, %mul3A_44 : i32
      %get3A = arith.constant 0 : i32
      %get3A_46 = arith.index_cast %get3A : i32 to index
      %get3A_47 = arith.index_cast %mul3A_45 : i32 to index
      %get3A_48 = tpu.vector_load %arg11[%get3A_46, %get3A_47] {strides = array<i32>} : memref<16x1280xf32, #tpu.memory_space<vmem>>, vector<16xf32>,
      %get3A_49 = arith.constant 1 : i32
      %get3A_50 = arith.index_cast %get3A_49 : i32 to index
      %get3A_51 = arith.index_cast %mul3A_45 : i32 to index
      %get3A_52 = tpu.vector_load %arg11[%get3A_50, %get3A_51] {strides = array<i32>} : memref<16x1280xf32, #tpu.memory_space<vmem>>, vector<16xf32>,
      %add3A_53 = arith.addf %get3A_48, %get3A_52 : vector<16xf32>
      %get3A_54 = arith.constant 2 : i32
      %get3A_55 = arith.index_cast %get3A_54 : i32 to index
      %get3A_56 = arith.index_cast %mul3A_45 : i32 to index
      %get3A_57 = tpu.vector_load %arg11[%get3A_55, %get3A_56] {strides = array<i32>} : memref<16x1280xf32, #tpu.memory_space<vmem>>, vector<16xf32>,
      %add3A_58 = arith.addf %add3A_53, %get3A_57 : vector<16xf32>
      %get3A_59 = arith.constant 3 : i32
      %get3A_60 = arith.index_cast %get3A_59 : i32 to index
      %get3A_61 = arith.index_cast %mul3A_45 : i32 to index
      %get3A_62 = tpu.vector_load %arg11[%get3A_60, %get3A_61] {strides = array<i32>} : memref<16x1280xf32, #tpu.memory_space<vmem>>, vector<16xf32>,
      %add3A_63 = arith.addf %add3A_58, %get3A_62 : vector<16xf32>
      %get3A_64 = arith.constant 4 : i32
      %get3A_65 = arith.index_cast %get3A_64 : i32 to index
      %get3A_66 = arith.index_cast %mul3A_45 : i32 to index
      %get3A_67 = tpu.vector_load %arg11[%get3A_65, %get3A_66] {strides = array<i32>} : memref<16x1280xf32, #tpu.memory_space<vmem>>, vector<16xf32>,
      %add3A_68 = arith.addf %add3A_63, %get3A_67 : vector<16xf32>
      %get3A_69 = arith.constant 5 : i32
      %get3A_70 = arith.index_cast %get3A_69 : i32 to index
      %get3A_71 = arith.index_cast %mul3A_45 : i32 to index
      %get3A_72 = tpu.vector_load %arg11[%get3A_70, %get3A_71] {strides = array<i32>} : memref<16x1280xf32, #tpu.memory_space<vmem>>, vector<16xf32>,
      %add3A_73 = arith.addf %add3A_68, %get3A_72 : vector<16xf32>
      %get3A_74 = arith.constant 6 : i32
      %get3A_75 = arith.index_cast %get3A_74 : i32 to index
      %get3A_76 = arith.index_cast %mul3A_45 : i32 to index
      %get3A_77 = tpu.vector_load %arg11[%get3A_75, %get3A_76] {strides = array<i32>} : memref<16x1280xf32, #tpu.memory_space<vmem>>, vector<16xf32>,
      %add3A_78 = arith.addf %add3A_73, %get3A_77 : vector<16xf32>
      %get3A_79 = arith.constant 7 : i32
      %get3A_80 = arith.index_cast %get3A_79 : i32 to index
      %get3A_81 = arith.index_cast %mul3A_45 : i32 to index
      %get3A_82 = tpu.vector_load %arg11[%get3A_80, %get3A_81] {strides = array<i32>} : memref<16x1280xf32, #tpu.memory_space<vmem>>, vector<16xf32>,
      %add3A_83 = arith.addf %add3A_78, %get3A_82 : vector<16xf32>
      %get3A_84 = arith.constant 8 : i32
      %get3A_85 = arith.index_cast %get3A_84 : i32 to index
      %get3A_86 = arith.index_cast %mul3A_45 : i32 to index
      %get3A_87 = tpu.vector_load %arg11[%get3A_85, %get3A_86] {strides = array<i32>} : memref<16x1280xf32, #tpu.memory_space<vmem>>, vector<16xf32>,
      %add3A_88 = arith.addf %add3A_83, %get3A_87 : vector<16xf32>
      %get3A_89 = arith.constant 9 : i32
      %get3A_90 = arith.index_cast %get3A_89 : i32 to index
      %get3A_91 = arith.index_cast %mul3A_45 : i32 to index
      %get3A_92 = tpu.vector_load %arg11[%get3A_90, %get3A_91] {strides = array<i32>} : memref<16x1280xf32, #tpu.memory_space<vmem>>, vector<16xf32>,
      %add3A_93 = arith.addf %add3A_88, %get3A_92 : vector<16xf32>
      %get3A_94 = arith.constant 10 : i32
      %get3A_95 = arith.index_cast %get3A_94 : i32 to index
      %get3A_96 = arith.index_cast %mul3A_45 : i32 to index
      %get3A_97 = tpu.vector_load %arg11[%get3A_95, %get3A_96] {strides = array<i32>} : memref<16x1280xf32, #tpu.memory_space<vmem>>, vector<16xf32>,
      %add3A_98 = arith.addf %add3A_93, %get3A_97 : vector<16xf32>
      %get3A_99 = arith.constant 11 : i32
      %get3A_100 = arith.index_cast %get3A_99 : i32 to index
      %get3A_101 = arith.index_cast %mul3A_45 : i32 to index
      %get3A_102 = tpu.vector_load %arg11[%get3A_100, %get3A_101] {strides = array<i32>} : memref<16x1280xf32, #tpu.memory_space<vmem>>, vector<16xf32>,
      %add3A_103 = arith.addf %add3A_98, %get3A_102 : vector<16xf32>
      %get3A_104 = arith.constant 12 : i32
      %get3A_105 = arith.index_cast %get3A_104 : i32 to index
      %get3A_106 = arith.index_cast %mul3A_45 : i32 to index
      %get3A_107 = tpu.vector_load %arg11[%get3A_105, %get3A_106] {strides = array<i32>} : memref<16x1280xf32, #tpu.memory_space<vmem>>, vector<16xf32>,
      %add3A_108 = arith.addf %add3A_103, %get3A_107 : vector<16xf32>
      %get3A_109 = arith.constant 13 : i32
      %get3A_110 = arith.index_cast %get3A_109 : i32 to index
      %get3A_111 = arith.index_cast %mul3A_45 : i32 to index
      %get3A_112 = tpu.vector_load %arg11[%get3A_110, %get3A_111] {strides = array<i32>} : memref<16x1280xf32, #tpu.memory_space<vmem>>, vector<16xf32>,
      %add3A_113 = arith.addf %add3A_108, %get3A_112 : vector<16xf32>
      %get3A_114 = arith.constant 14 : i32
      %get3A_115 = arith.index_cast %get3A_114 : i32 to index
      %get3A_116 = arith.index_cast %mul3A_45 : i32 to index
      %get3A_117 = tpu.vector_load %arg11[%get3A_115, %get3A_116] {strides = array<i32>} : memref<16x1280xf32, #tpu.memory_space<vmem>>, vector<16xf32>,
      %add3A_118 = arith.addf %add3A_113, %get3A_117 : vector<16xf32>
      %get3A_119 = arith.constant 15 : i32
      %get3A_120 = arith.index_cast %get3A_119 : i32 to index
      %get3A_121 = arith.index_cast %mul3A_45 : i32 to index
      %get3A_122 = tpu.vector_load %arg11[%get3A_120, %get3A_121] {strides = array<i32>} : memref<16x1280xf32, #tpu.memory_space<vmem>>, vector<16xf32>,
      %add3A_123 = arith.addf %add3A_118, %get3A_122 : vector<16xf32>
      %swap3A = arith.index_cast %mul3A_45 : i32 to index
      %swap3A_124 = tpu.vector_load %arg12[%swap3A] {strides = array<i32>} : memref<1280xf32, #tpu.memory_space<vmem>>, vector<16xf32>,
      tpu.vector_store %arg12[%swap3A], %add3A_123 {strides = array<i32>} : memref<1280xf32, #tpu.memory_space<vmem>>, vector<16xf32>,
      %scan3A_125 = arith.constant 0 : i32
      scf.yield %scan3A_125 : i32
    }
    %scan3A_41 = arith.constant 80 : i32
    "tpu.region"() ({
      %run_scoped3A = tpu.sem_alloc : memref<!tpu.dma_semaphore, #tpu.memory_space<semaphore_mem>>
      %dma_start3A = tpu.memref_slice %arg5[%arg0, %mul3A_4] : memref<2x20480xf32, #tpu.memory_space<hbm>> -> memref<1x1280xf32, #tpu.memory_space<hbm>>
      %dma_start3A_42 = tpu.memref_squeeze %dma_start3A : memref<1x1280xf32, #tpu.memory_space<hbm>> -> memref<1280xf32, #tpu.memory_space<hbm>>
      %dma_start3A_43 = tpu.memref_slice %arg5[%arg0, %mul3A_4] : memref<2x20480xf32, #tpu.memory_space<hbm>> -> memref<1x1280xf32, #tpu.memory_space<hbm>>
      %dma_start3A_44 = tpu.memref_squeeze %dma_start3A_43 : memref<1x1280xf32, #tpu.memory_space<hbm>> -> memref<1280xf32, #tpu.memory_space<hbm>>
      tpu.enqueue_dma source(%arg12 : memref<1280xf32, #tpu.memory_space<vmem>>) target(%dma_start3A_44 : memref<1280xf32, #tpu.memory_space<hbm>>) target_semaphore(%run_scoped3A : memref<!tpu.dma_semaphore, #tpu.memory_space<semaphore_mem>>)
      %dma_wait3A = tpu.memref_slice %arg5[%arg0, %mul3A_4] : memref<2x20480xf32, #tpu.memory_space<hbm>> -> memref<1x1280xf32, #tpu.memory_space<hbm>>
      %dma_wait3A_45 = tpu.memref_squeeze %dma_wait3A : memref<1x1280xf32, #tpu.memory_space<hbm>> -> memref<1280xf32, #tpu.memory_space<hbm>>
      %dma_wait3A_46 = tpu.memref_slice %arg5[%arg0, %mul3A_4] : memref<2x20480xf32, #tpu.memory_space<hbm>> -> memref<1x1280xf32, #tpu.memory_space<hbm>>
      %dma_wait3A_47 = tpu.memref_squeeze %dma_wait3A_46 : memref<1x1280xf32, #tpu.memory_space<hbm>> -> memref<1280xf32, #tpu.memory_space<hbm>>
      tpu.wait_dma2 semaphore(%run_scoped3A : memref<!tpu.dma_semaphore, #tpu.memory_space<semaphore_mem>>) src(%arg12 : memref<1280xf32, #tpu.memory_space<vmem>>) dst(%dma_wait3A_47 : memref<1280xf32, #tpu.memory_space<hbm>>)
      tpu.yield
    }) : () -> ()
    return
  }
}

#map = affine_map<(d0, d1) -> (0, 0)>
#map1 = affine_map<(d0, d1) -> (0, 0, 0, 0)>
#map2 = affine_map<(d0, d1) -> (0, 0, 0)>
module attributes {stable_mosaic.version = 14 : i64} {
  func.func @_sc_spmm_body(%arg0: i32, %arg1: i32, %arg2: memref<10000x128xbf16, #tpu.memory_space<hbm>>, %arg3: memref<32x10x16x64xi32, #tpu.memory_space<hbm>>, %arg4: memref<32x10x16x64xi32, #tpu.memory_space<hbm>>, %arg5: memref<2x10240x128xf32, #tpu.memory_space<hbm>>, %arg6: memref<2x16x80x128xf32, #tpu.memory_space<hbm>>, %arg7: memref<2x16x80x128xf32, #tpu.memory_space<hbm>>, %arg8: memref<10240x128xf32, #tpu.memory_space<vmem_shared>>, %arg9: memref<16x64xi32, #tpu.memory_space<vmem>>, %arg10: memref<16x64xi32, #tpu.memory_space<vmem>>, %arg11: memref<2x64x128xbf16, #tpu.memory_space<vmem>>, %arg12: memref<2x64x128xf32, #tpu.memory_space<vmem>>, %arg13: memref<80x128xf32, #tpu.memory_space<vmem>>, %arg14: memref<80x128xf32, #tpu.memory_space<vmem>>, %arg15: memref<2x!tpu.dma_semaphore, #tpu.memory_space<semaphore_mem>>, %arg16: memref<2x!tpu.dma_semaphore, #tpu.memory_space<semaphore_mem>>) attributes {dimension_semantics = [#tpu.dimension_semantics<core_parallel>, #tpu.dimension_semantics<subcore_parallel>], iteration_bounds = array<i64: 2, 16>, scalar_prefetch = 0 : i64, scratch_operands = 9 : i64, tpu.core_type = #tpu.core_type<sc_vector_subcore>, window_params = [{transform_indices = #map}, {transform_indices = #map1}, {transform_indices = #map1}, {transform_indices = #map2}, {transform_indices = #map1}, {transform_indices = #map1}]} {
    %mul3A = arith.constant 2 : i32
    %mul3A_0 = arith.muli %arg1, %mul3A : i32
    %add3A = arith.addi %mul3A_0, %arg0 : i32
    %mul3A_1 = arith.constant 640 : i32
    %mul3A_2 = arith.muli %arg1, %mul3A_1 : i32
    %broadcast_in_dim3A = arith.constant 1.000000e+00 : f32
    %broadcast_in_dim3A_3 = vector.broadcast %broadcast_in_dim3A : f32 to vector<16xf32>
    %broadcast_in_dim3A_4 = arith.constant 0.000000e+00 : f32
    %broadcast_in_dim3A_5 = vector.broadcast %broadcast_in_dim3A_4 : f32 to vector<16xf32>
    %scan3A = arith.constant 0 : i32
    %scan3A_6 = arith.constant 0 : i32
    %scan3A_7 = arith.constant 80 : i32
    %scan3A_8 = arith.addi %scan3A_6, %scan3A_7 : i32
    %scan3A_9 = arith.constant 1 : i32
    %scan3A_10 = scf.for %scan3A_50 = %scan3A_6 to %scan3A_8 step %scan3A_9 iter_args(%scan3A_51 = %scan3A) -> (i32)  : i32 {
      %swap3A = arith.index_cast %scan3A_50 : i32 to index
      %swap3A_52 = arith.constant 0 : index
      %swap3A_53 = tpu.vector_load %arg13[%swap3A, %swap3A_52] {strides = array<i32>} : memref<80x128xf32, #tpu.memory_space<vmem>>, vector<16xf32>,
      tpu.vector_store %arg13[%swap3A, %swap3A_52], %broadcast_in_dim3A_5 {strides = array<i32>} : memref<80x128xf32, #tpu.memory_space<vmem>>, vector<16xf32>,
      %swap3A_54 = arith.index_cast %scan3A_50 : i32 to index
      %swap3A_55 = arith.constant 16 : index
      %swap3A_56 = tpu.vector_load %arg13[%swap3A_54, %swap3A_55] {strides = array<i32>} : memref<80x128xf32, #tpu.memory_space<vmem>>, vector<16xf32>,
      tpu.vector_store %arg13[%swap3A_54, %swap3A_55], %broadcast_in_dim3A_5 {strides = array<i32>} : memref<80x128xf32, #tpu.memory_space<vmem>>, vector<16xf32>,
      %swap3A_57 = arith.index_cast %scan3A_50 : i32 to index
      %swap3A_58 = arith.constant 32 : index
      %swap3A_59 = tpu.vector_load %arg13[%swap3A_57, %swap3A_58] {strides = array<i32>} : memref<80x128xf32, #tpu.memory_space<vmem>>, vector<16xf32>,
      tpu.vector_store %arg13[%swap3A_57, %swap3A_58], %broadcast_in_dim3A_5 {strides = array<i32>} : memref<80x128xf32, #tpu.memory_space<vmem>>, vector<16xf32>,
      %swap3A_60 = arith.index_cast %scan3A_50 : i32 to index
      %swap3A_61 = arith.constant 48 : index
      %swap3A_62 = tpu.vector_load %arg13[%swap3A_60, %swap3A_61] {strides = array<i32>} : memref<80x128xf32, #tpu.memory_space<vmem>>, vector<16xf32>,
      tpu.vector_store %arg13[%swap3A_60, %swap3A_61], %broadcast_in_dim3A_5 {strides = array<i32>} : memref<80x128xf32, #tpu.memory_space<vmem>>, vector<16xf32>,
      %swap3A_63 = arith.index_cast %scan3A_50 : i32 to index
      %swap3A_64 = arith.constant 64 : index
      %swap3A_65 = tpu.vector_load %arg13[%swap3A_63, %swap3A_64] {strides = array<i32>} : memref<80x128xf32, #tpu.memory_space<vmem>>, vector<16xf32>,
      tpu.vector_store %arg13[%swap3A_63, %swap3A_64], %broadcast_in_dim3A_5 {strides = array<i32>} : memref<80x128xf32, #tpu.memory_space<vmem>>, vector<16xf32>,
      %swap3A_66 = arith.index_cast %scan3A_50 : i32 to index
      %swap3A_67 = arith.constant 80 : index
      %swap3A_68 = tpu.vector_load %arg13[%swap3A_66, %swap3A_67] {strides = array<i32>} : memref<80x128xf32, #tpu.memory_space<vmem>>, vector<16xf32>,
      tpu.vector_store %arg13[%swap3A_66, %swap3A_67], %broadcast_in_dim3A_5 {strides = array<i32>} : memref<80x128xf32, #tpu.memory_space<vmem>>, vector<16xf32>,
      %swap3A_69 = arith.index_cast %scan3A_50 : i32 to index
      %swap3A_70 = arith.constant 96 : index
      %swap3A_71 = tpu.vector_load %arg13[%swap3A_69, %swap3A_70] {strides = array<i32>} : memref<80x128xf32, #tpu.memory_space<vmem>>, vector<16xf32>,
      tpu.vector_store %arg13[%swap3A_69, %swap3A_70], %broadcast_in_dim3A_5 {strides = array<i32>} : memref<80x128xf32, #tpu.memory_space<vmem>>, vector<16xf32>,
      %swap3A_72 = arith.index_cast %scan3A_50 : i32 to index
      %swap3A_73 = arith.constant 112 : index
      %swap3A_74 = tpu.vector_load %arg13[%swap3A_72, %swap3A_73] {strides = array<i32>} : memref<80x128xf32, #tpu.memory_space<vmem>>, vector<16xf32>,
      tpu.vector_store %arg13[%swap3A_72, %swap3A_73], %broadcast_in_dim3A_5 {strides = array<i32>} : memref<80x128xf32, #tpu.memory_space<vmem>>, vector<16xf32>,
      %scan3A_75 = arith.constant 0 : i32
      scf.yield %scan3A_75 : i32
    }
    %scan3A_11 = arith.constant 80 : i32
    %broadcast_in_dim3A_12 = arith.constant 0.000000e+00 : f32
    %broadcast_in_dim3A_13 = vector.broadcast %broadcast_in_dim3A_12 : f32 to vector<16xf32>
    %scan3A_14 = arith.constant 0 : i32
    %scan3A_15 = arith.constant 0 : i32
    %scan3A_16 = arith.constant 80 : i32
    %scan3A_17 = arith.addi %scan3A_15, %scan3A_16 : i32
    %scan3A_18 = arith.constant 1 : i32
    %scan3A_19 = scf.for %scan3A_50 = %scan3A_15 to %scan3A_17 step %scan3A_18 iter_args(%scan3A_51 = %scan3A_14) -> (i32)  : i32 {
      %swap3A = arith.index_cast %scan3A_50 : i32 to index
      %swap3A_52 = arith.constant 0 : index
      %swap3A_53 = tpu.vector_load %arg14[%swap3A, %swap3A_52] {strides = array<i32>} : memref<80x128xf32, #tpu.memory_space<vmem>>, vector<16xf32>,
      tpu.vector_store %arg14[%swap3A, %swap3A_52], %broadcast_in_dim3A_13 {strides = array<i32>} : memref<80x128xf32, #tpu.memory_space<vmem>>, vector<16xf32>,
      %swap3A_54 = arith.index_cast %scan3A_50 : i32 to index
      %swap3A_55 = arith.constant 16 : index
      %swap3A_56 = tpu.vector_load %arg14[%swap3A_54, %swap3A_55] {strides = array<i32>} : memref<80x128xf32, #tpu.memory_space<vmem>>, vector<16xf32>,
      tpu.vector_store %arg14[%swap3A_54, %swap3A_55], %broadcast_in_dim3A_13 {strides = array<i32>} : memref<80x128xf32, #tpu.memory_space<vmem>>, vector<16xf32>,
      %swap3A_57 = arith.index_cast %scan3A_50 : i32 to index
      %swap3A_58 = arith.constant 32 : index
      %swap3A_59 = tpu.vector_load %arg14[%swap3A_57, %swap3A_58] {strides = array<i32>} : memref<80x128xf32, #tpu.memory_space<vmem>>, vector<16xf32>,
      tpu.vector_store %arg14[%swap3A_57, %swap3A_58], %broadcast_in_dim3A_13 {strides = array<i32>} : memref<80x128xf32, #tpu.memory_space<vmem>>, vector<16xf32>,
      %swap3A_60 = arith.index_cast %scan3A_50 : i32 to index
      %swap3A_61 = arith.constant 48 : index
      %swap3A_62 = tpu.vector_load %arg14[%swap3A_60, %swap3A_61] {strides = array<i32>} : memref<80x128xf32, #tpu.memory_space<vmem>>, vector<16xf32>,
      tpu.vector_store %arg14[%swap3A_60, %swap3A_61], %broadcast_in_dim3A_13 {strides = array<i32>} : memref<80x128xf32, #tpu.memory_space<vmem>>, vector<16xf32>,
      %swap3A_63 = arith.index_cast %scan3A_50 : i32 to index
      %swap3A_64 = arith.constant 64 : index
      %swap3A_65 = tpu.vector_load %arg14[%swap3A_63, %swap3A_64] {strides = array<i32>} : memref<80x128xf32, #tpu.memory_space<vmem>>, vector<16xf32>,
      tpu.vector_store %arg14[%swap3A_63, %swap3A_64], %broadcast_in_dim3A_13 {strides = array<i32>} : memref<80x128xf32, #tpu.memory_space<vmem>>, vector<16xf32>,
      %swap3A_66 = arith.index_cast %scan3A_50 : i32 to index
      %swap3A_67 = arith.constant 80 : index
      %swap3A_68 = tpu.vector_load %arg14[%swap3A_66, %swap3A_67] {strides = array<i32>} : memref<80x128xf32, #tpu.memory_space<vmem>>, vector<16xf32>,
      tpu.vector_store %arg14[%swap3A_66, %swap3A_67], %broadcast_in_dim3A_13 {strides = array<i32>} : memref<80x128xf32, #tpu.memory_space<vmem>>, vector<16xf32>,
      %swap3A_69 = arith.index_cast %scan3A_50 : i32 to index
      %swap3A_70 = arith.constant 96 : index
      %swap3A_71 = tpu.vector_load %arg14[%swap3A_69, %swap3A_70] {strides = array<i32>} : memref<80x128xf32, #tpu.memory_space<vmem>>, vector<16xf32>,
      tpu.vector_store %arg14[%swap3A_69, %swap3A_70], %broadcast_in_dim3A_13 {strides = array<i32>} : memref<80x128xf32, #tpu.memory_space<vmem>>, vector<16xf32>,
      %swap3A_72 = arith.index_cast %scan3A_50 : i32 to index
      %swap3A_73 = arith.constant 112 : index
      %swap3A_74 = tpu.vector_load %arg14[%swap3A_72, %swap3A_73] {strides = array<i32>} : memref<80x128xf32, #tpu.memory_space<vmem>>, vector<16xf32>,
      tpu.vector_store %arg14[%swap3A_72, %swap3A_73], %broadcast_in_dim3A_13 {strides = array<i32>} : memref<80x128xf32, #tpu.memory_space<vmem>>, vector<16xf32>,
      %scan3A_75 = arith.constant 0 : i32
      scf.yield %scan3A_75 : i32
    }
    %scan3A_20 = arith.constant 80 : i32
    %scan3A_21 = arith.constant 0 : i32
    %scan3A_22 = arith.constant 0 : i32
    %scan3A_23 = arith.constant 10 : i32
    %scan3A_24 = arith.addi %scan3A_22, %scan3A_23 : i32
    %scan3A_25 = arith.constant 1 : i32
    %scan3A_26 = scf.for %scan3A_50 = %scan3A_22 to %scan3A_24 step %scan3A_25 iter_args(%scan3A_51 = %scan3A_21) -> (i32)  : i32 {
      %mul3A_52 = arith.constant 64 : i32
      %mul3A_53 = arith.muli %scan3A_50, %mul3A_52 : i32
      %add3A_54 = arith.addi %mul3A_2, %mul3A_53 : i32
      "tpu.region"() ({
        %run_scoped3A = tpu.sem_alloc : memref<!tpu.dma_semaphore, #tpu.memory_space<semaphore_mem>>
        %dma_start3A = arith.constant 0 : i32
        %dma_start3A_56 = arith.constant 0 : i32
        %dma_start3A_57 = tpu.memref_slice %arg13[%dma_start3A, %dma_start3A_56] : memref<80x128xf32, #tpu.memory_space<vmem>> -> memref<64x128xf32, #tpu.memory_space<vmem>>
        %dma_start3A_58 = arith.constant 0 : i32
        %dma_start3A_59 = tpu.memref_slice %arg8[%add3A_54, %dma_start3A_58] : memref<10240x128xf32, #tpu.memory_space<vmem_shared>> -> memref<64x128xf32, #tpu.memory_space<vmem_shared>>
        %dma_start3A_60 = arith.constant 0 : i32
        %dma_start3A_61 = tpu.memref_slice %arg8[%add3A_54, %dma_start3A_60] : memref<10240x128xf32, #tpu.memory_space<vmem_shared>> -> memref<64x128xf32, #tpu.memory_space<vmem_shared>>
        %dma_start3A_62 = arith.constant 0 : i32
        %dma_start3A_63 = arith.constant 0 : i32
        %dma_start3A_64 = tpu.memref_slice %arg13[%dma_start3A_62, %dma_start3A_63] : memref<80x128xf32, #tpu.memory_space<vmem>> -> memref<64x128xf32, #tpu.memory_space<vmem>>
        tpu.enqueue_dma source(%dma_start3A_64 : memref<64x128xf32, #tpu.memory_space<vmem>>) target(%dma_start3A_61 : memref<64x128xf32, #tpu.memory_space<vmem_shared>>) target_semaphore(%run_scoped3A : memref<!tpu.dma_semaphore, #tpu.memory_space<semaphore_mem>>)
        %dma_wait3A = arith.constant 0 : i32
        %dma_wait3A_65 = arith.constant 0 : i32
        %dma_wait3A_66 = tpu.memref_slice %arg13[%dma_wait3A, %dma_wait3A_65] : memref<80x128xf32, #tpu.memory_space<vmem>> -> memref<64x128xf32, #tpu.memory_space<vmem>>
        %dma_wait3A_67 = arith.constant 0 : i32
        %dma_wait3A_68 = tpu.memref_slice %arg8[%add3A_54, %dma_wait3A_67] : memref<10240x128xf32, #tpu.memory_space<vmem_shared>> -> memref<64x128xf32, #tpu.memory_space<vmem_shared>>
        %dma_wait3A_69 = arith.constant 0 : i32
        %dma_wait3A_70 = tpu.memref_slice %arg8[%add3A_54, %dma_wait3A_69] : memref<10240x128xf32, #tpu.memory_space<vmem_shared>> -> memref<64x128xf32, #tpu.memory_space<vmem_shared>>
        %dma_wait3A_71 = arith.constant 0 : i32
        %dma_wait3A_72 = arith.constant 0 : i32
        %dma_wait3A_73 = tpu.memref_slice %arg13[%dma_wait3A_71, %dma_wait3A_72] : memref<80x128xf32, #tpu.memory_space<vmem>> -> memref<64x128xf32, #tpu.memory_space<vmem>>
        tpu.wait_dma2 semaphore(%run_scoped3A : memref<!tpu.dma_semaphore, #tpu.memory_space<semaphore_mem>>) src(%dma_wait3A_73 : memref<64x128xf32, #tpu.memory_space<vmem>>) dst(%dma_wait3A_70 : memref<64x128xf32, #tpu.memory_space<vmem_shared>>)
        tpu.yield
      }) : () -> ()
      %scan3A_55 = arith.constant 0 : i32
      scf.yield %scan3A_55 : i32
    }
    %scan3A_27 = arith.constant 10 : i32
    %barrier3A = arith.constant 0 : index
    tpu.barrier barrier_id(%barrier3A)
    %scan3A_28 = arith.constant 0 : i32
    %scan3A_29 = arith.constant 0 : i32
    %scan3A_30 = arith.constant 10 : i32
    %scan3A_31 = arith.addi %scan3A_29, %scan3A_30 : i32
    %scan3A_32 = arith.constant 1 : i32
    %scan3A_33 = scf.for %scan3A_50 = %scan3A_29 to %scan3A_31 step %scan3A_32 iter_args(%scan3A_51 = %scan3A_28) -> (i32)  : i32 {
      "tpu.region"() ({
        %run_scoped3A = tpu.sem_alloc : memref<!tpu.dma_semaphore, #tpu.memory_space<semaphore_mem>>
        %dma_start3A_103 = arith.constant 0 : i32
        %dma_start3A_104 = arith.constant 0 : i32
        %dma_start3A_105 = tpu.memref_slice %arg3[%add3A, %scan3A_50, %dma_start3A_103, %dma_start3A_104] : memref<32x10x16x64xi32, #tpu.memory_space<hbm>> -> memref<1x1x16x64xi32, #tpu.memory_space<hbm>>
        %dma_start3A_106 = tpu.memref_squeeze %dma_start3A_105 : memref<1x1x16x64xi32, #tpu.memory_space<hbm>> -> memref<16x64xi32, #tpu.memory_space<hbm>>
        %dma_start3A_107 = arith.constant 0 : i32
        %dma_start3A_108 = arith.constant 0 : i32
        %dma_start3A_109 = tpu.memref_slice %arg3[%add3A, %scan3A_50, %dma_start3A_107, %dma_start3A_108] : memref<32x10x16x64xi32, #tpu.memory_space<hbm>> -> memref<1x1x16x64xi32, #tpu.memory_space<hbm>>
        %dma_start3A_110 = tpu.memref_squeeze %dma_start3A_109 : memref<1x1x16x64xi32, #tpu.memory_space<hbm>> -> memref<16x64xi32, #tpu.memory_space<hbm>>
        tpu.enqueue_dma source(%dma_start3A_110 : memref<16x64xi32, #tpu.memory_space<hbm>>) target(%arg9 : memref<16x64xi32, #tpu.memory_space<vmem>>) target_semaphore(%run_scoped3A : memref<!tpu.dma_semaphore, #tpu.memory_space<semaphore_mem>>)
        %dma_wait3A_111 = arith.constant 0 : i32
        %dma_wait3A_112 = arith.constant 0 : i32
        %dma_wait3A_113 = tpu.memref_slice %arg3[%add3A, %scan3A_50, %dma_wait3A_111, %dma_wait3A_112] : memref<32x10x16x64xi32, #tpu.memory_space<hbm>> -> memref<1x1x16x64xi32, #tpu.memory_space<hbm>>
        %dma_wait3A_114 = tpu.memref_squeeze %dma_wait3A_113 : memref<1x1x16x64xi32, #tpu.memory_space<hbm>> -> memref<16x64xi32, #tpu.memory_space<hbm>>
        %dma_wait3A_115 = arith.constant 0 : i32
        %dma_wait3A_116 = arith.constant 0 : i32
        %dma_wait3A_117 = tpu.memref_slice %arg3[%add3A, %scan3A_50, %dma_wait3A_115, %dma_wait3A_116] : memref<32x10x16x64xi32, #tpu.memory_space<hbm>> -> memref<1x1x16x64xi32, #tpu.memory_space<hbm>>
        %dma_wait3A_118 = tpu.memref_squeeze %dma_wait3A_117 : memref<1x1x16x64xi32, #tpu.memory_space<hbm>> -> memref<16x64xi32, #tpu.memory_space<hbm>>
        tpu.wait_dma2 semaphore(%run_scoped3A : memref<!tpu.dma_semaphore, #tpu.memory_space<semaphore_mem>>) src(%dma_wait3A_118 : memref<16x64xi32, #tpu.memory_space<hbm>>) dst(%arg9 : memref<16x64xi32, #tpu.memory_space<vmem>>)
        tpu.yield
      }) : () -> ()
      "tpu.region"() ({
        %run_scoped3A = tpu.sem_alloc : memref<!tpu.dma_semaphore, #tpu.memory_space<semaphore_mem>>
        %dma_start3A_103 = arith.constant 0 : i32
        %dma_start3A_104 = arith.constant 0 : i32
        %dma_start3A_105 = tpu.memref_slice %arg4[%add3A, %scan3A_50, %dma_start3A_103, %dma_start3A_104] : memref<32x10x16x64xi32, #tpu.memory_space<hbm>> -> memref<1x1x16x64xi32, #tpu.memory_space<hbm>>
        %dma_start3A_106 = tpu.memref_squeeze %dma_start3A_105 : memref<1x1x16x64xi32, #tpu.memory_space<hbm>> -> memref<16x64xi32, #tpu.memory_space<hbm>>
        %dma_start3A_107 = arith.constant 0 : i32
        %dma_start3A_108 = arith.constant 0 : i32
        %dma_start3A_109 = tpu.memref_slice %arg4[%add3A, %scan3A_50, %dma_start3A_107, %dma_start3A_108] : memref<32x10x16x64xi32, #tpu.memory_space<hbm>> -> memref<1x1x16x64xi32, #tpu.memory_space<hbm>>
        %dma_start3A_110 = tpu.memref_squeeze %dma_start3A_109 : memref<1x1x16x64xi32, #tpu.memory_space<hbm>> -> memref<16x64xi32, #tpu.memory_space<hbm>>
        tpu.enqueue_dma source(%dma_start3A_110 : memref<16x64xi32, #tpu.memory_space<hbm>>) target(%arg10 : memref<16x64xi32, #tpu.memory_space<vmem>>) target_semaphore(%run_scoped3A : memref<!tpu.dma_semaphore, #tpu.memory_space<semaphore_mem>>)
        %dma_wait3A_111 = arith.constant 0 : i32
        %dma_wait3A_112 = arith.constant 0 : i32
        %dma_wait3A_113 = tpu.memref_slice %arg4[%add3A, %scan3A_50, %dma_wait3A_111, %dma_wait3A_112] : memref<32x10x16x64xi32, #tpu.memory_space<hbm>> -> memref<1x1x16x64xi32, #tpu.memory_space<hbm>>
        %dma_wait3A_114 = tpu.memref_squeeze %dma_wait3A_113 : memref<1x1x16x64xi32, #tpu.memory_space<hbm>> -> memref<16x64xi32, #tpu.memory_space<hbm>>
        %dma_wait3A_115 = arith.constant 0 : i32
        %dma_wait3A_116 = arith.constant 0 : i32
        %dma_wait3A_117 = tpu.memref_slice %arg4[%add3A, %scan3A_50, %dma_wait3A_115, %dma_wait3A_116] : memref<32x10x16x64xi32, #tpu.memory_space<hbm>> -> memref<1x1x16x64xi32, #tpu.memory_space<hbm>>
        %dma_wait3A_118 = tpu.memref_squeeze %dma_wait3A_117 : memref<1x1x16x64xi32, #tpu.memory_space<hbm>> -> memref<16x64xi32, #tpu.memory_space<hbm>>
        tpu.wait_dma2 semaphore(%run_scoped3A : memref<!tpu.dma_semaphore, #tpu.memory_space<semaphore_mem>>) src(%dma_wait3A_118 : memref<16x64xi32, #tpu.memory_space<hbm>>) dst(%arg10 : memref<16x64xi32, #tpu.memory_space<vmem>>)
        tpu.yield
      }) : () -> ()
      %dma_start3A = arith.constant 0 : i32
      %dma_start3A_52 = arith.constant 0 : i32
      %dma_start3A_53 = arith.constant 0 : i32
      %dma_start3A_54 = arith.constant 0 : i32
      %dma_start3A_55 = arith.constant 0 : i32
      %dma_start3A_56 = tpu.memref_slice %arg11[%dma_start3A_52, %dma_start3A_54, %dma_start3A_55] : memref<2x64x128xbf16, #tpu.memory_space<vmem>> -> memref<1x64x128xbf16, #tpu.memory_space<vmem>>
      %dma_start3A_57 = tpu.memref_squeeze %dma_start3A_56 : memref<1x64x128xbf16, #tpu.memory_space<vmem>> -> memref<64x128xbf16, #tpu.memory_space<vmem>>
      %dma_start3A_58 = arith.constant 0 : i32
      %dma_start3A_59 = tpu.memref_slice %arg10[%dma_start3A, %dma_start3A_58] : memref<16x64xi32, #tpu.memory_space<vmem>> -> memref<1x64xi32, #tpu.memory_space<vmem>>
      %dma_start3A_60 = tpu.memref_squeeze %dma_start3A_59 : memref<1x64xi32, #tpu.memory_space<vmem>> -> memref<64xi32, #tpu.memory_space<vmem>>
      %dma_start3A_61 = arith.constant 0 : i32
      %dma_start3A_62 = arith.constant 0 : i32
      %dma_start3A_63 = tpu.memref_slice %arg2[%dma_start3A_61, %dma_start3A_62] : memref<10000x128xbf16, #tpu.memory_space<hbm>> -> memref<10000x128xbf16, #tpu.memory_space<hbm>>
      %dma_start3A_64 = tpu.memref_slice %arg15[%dma_start3A_53] : memref<2x!tpu.dma_semaphore, #tpu.memory_space<semaphore_mem>> -> memref<1x!tpu.dma_semaphore, #tpu.memory_space<semaphore_mem>>
      %dma_start3A_65 = tpu.memref_squeeze %dma_start3A_64 : memref<1x!tpu.dma_semaphore, #tpu.memory_space<semaphore_mem>> -> memref<!tpu.dma_semaphore, #tpu.memory_space<semaphore_mem>>
      tpu.enqueue_indirect_dma source(%dma_start3A_63 : memref<10000x128xbf16, #tpu.memory_space<hbm>>) target(%dma_start3A_57 : memref<64x128xbf16, #tpu.memory_space<vmem>>) offsets(%dma_start3A_60 : memref<64xi32, #tpu.memory_space<vmem>>) semaphore(%dma_start3A_65 : memref<!tpu.dma_semaphore, #tpu.memory_space<semaphore_mem>>)
      %scan3A_66 = arith.constant 0 : i32
      %scan3A_67 = arith.constant 0 : i32
      %scan3A_68 = arith.constant 16 : i32
      %scan3A_69 = arith.addi %scan3A_67, %scan3A_68 : i32
      %scan3A_70 = arith.constant 1 : i32
      %scan3A_71 = scf.for %scan3A_103 = %scan3A_67 to %scan3A_69 step %scan3A_70 iter_args(%scan3A_104 = %scan3A_66) -> (i32)  : i32 {
        %and3A = arith.constant 1 : i32
        %and3A_105 = arith.andi %scan3A_103, %and3A : i32
        %and3A_106 = arith.constant 1 : i32
        %and3A_107 = arith.andi %scan3A_103, %and3A_106 : i32
        %add3A_108 = arith.constant 1 : i32
        %add3A_109 = arith.addi %scan3A_103, %add3A_108 : i32
        %lt3A = arith.constant 16 : i32
        %lt3A_110 = arith.cmpi slt, %add3A_109, %lt3A : i32
        %convert_element_type3A = arith.extui %lt3A_110 : i1 to i32
        %cond3A = arith.constant 0 : i32
        %cond3A_111 = arith.cmpi ne, %convert_element_type3A, %cond3A : i32
        scf.if %cond3A_111 {
          %sub3A = arith.constant 1 : i32
          %sub3A_213 = arith.subi %sub3A, %and3A_105 : i32
          %add3A_214 = arith.constant 1 : i32
          %add3A_215 = arith.addi %scan3A_103, %add3A_214 : i32
          %dma_start3A_216 = arith.constant 0 : i32
          %dma_start3A_217 = arith.constant 0 : i32
          %dma_start3A_218 = tpu.memref_slice %arg11[%sub3A_213, %dma_start3A_216, %dma_start3A_217] : memref<2x64x128xbf16, #tpu.memory_space<vmem>> -> memref<1x64x128xbf16, #tpu.memory_space<vmem>>
          %dma_start3A_219 = tpu.memref_squeeze %dma_start3A_218 : memref<1x64x128xbf16, #tpu.memory_space<vmem>> -> memref<64x128xbf16, #tpu.memory_space<vmem>>
          %dma_start3A_220 = arith.constant 0 : i32
          %dma_start3A_221 = tpu.memref_slice %arg10[%add3A_215, %dma_start3A_220] : memref<16x64xi32, #tpu.memory_space<vmem>> -> memref<1x64xi32, #tpu.memory_space<vmem>>
          %dma_start3A_222 = tpu.memref_squeeze %dma_start3A_221 : memref<1x64xi32, #tpu.memory_space<vmem>> -> memref<64xi32, #tpu.memory_space<vmem>>
          %dma_start3A_223 = arith.constant 0 : i32
          %dma_start3A_224 = arith.constant 0 : i32
          %dma_start3A_225 = tpu.memref_slice %arg2[%dma_start3A_223, %dma_start3A_224] : memref<10000x128xbf16, #tpu.memory_space<hbm>> -> memref<10000x128xbf16, #tpu.memory_space<hbm>>
          %dma_start3A_226 = tpu.memref_slice %arg15[%sub3A_213] : memref<2x!tpu.dma_semaphore, #tpu.memory_space<semaphore_mem>> -> memref<1x!tpu.dma_semaphore, #tpu.memory_space<semaphore_mem>>
          %dma_start3A_227 = tpu.memref_squeeze %dma_start3A_226 : memref<1x!tpu.dma_semaphore, #tpu.memory_space<semaphore_mem>> -> memref<!tpu.dma_semaphore, #tpu.memory_space<semaphore_mem>>
          tpu.enqueue_indirect_dma source(%dma_start3A_225 : memref<10000x128xbf16, #tpu.memory_space<hbm>>) target(%dma_start3A_219 : memref<64x128xbf16, #tpu.memory_space<vmem>>) offsets(%dma_start3A_222 : memref<64xi32, #tpu.memory_space<vmem>>) semaphore(%dma_start3A_227 : memref<!tpu.dma_semaphore, #tpu.memory_space<semaphore_mem>>)
        } else {
        }
        %dma_wait3A_112 = arith.constant 0 : i32
        %dma_wait3A_113 = arith.constant 0 : i32
        %dma_wait3A_114 = tpu.memref_slice %arg11[%and3A_105, %dma_wait3A_112, %dma_wait3A_113] : memref<2x64x128xbf16, #tpu.memory_space<vmem>> -> memref<1x64x128xbf16, #tpu.memory_space<vmem>>
        %dma_wait3A_115 = tpu.memref_squeeze %dma_wait3A_114 : memref<1x64x128xbf16, #tpu.memory_space<vmem>> -> memref<64x128xbf16, #tpu.memory_space<vmem>>
        %dma_wait3A_116 = arith.constant 0 : i32
        %dma_wait3A_117 = tpu.memref_slice %arg10[%scan3A_103, %dma_wait3A_116] : memref<16x64xi32, #tpu.memory_space<vmem>> -> memref<1x64xi32, #tpu.memory_space<vmem>>
        %dma_wait3A_118 = tpu.memref_squeeze %dma_wait3A_117 : memref<1x64xi32, #tpu.memory_space<vmem>> -> memref<64xi32, #tpu.memory_space<vmem>>
        %dma_wait3A_119 = arith.constant 0 : i32
        %dma_wait3A_120 = arith.constant 0 : i32
        %dma_wait3A_121 = tpu.memref_slice %arg2[%dma_wait3A_119, %dma_wait3A_120] : memref<10000x128xbf16, #tpu.memory_space<hbm>> -> memref<10000x128xbf16, #tpu.memory_space<hbm>>
        %dma_wait3A_122 = tpu.memref_slice %arg15[%and3A_105] : memref<2x!tpu.dma_semaphore, #tpu.memory_space<semaphore_mem>> -> memref<1x!tpu.dma_semaphore, #tpu.memory_space<semaphore_mem>>
        %dma_wait3A_123 = tpu.memref_squeeze %dma_wait3A_122 : memref<1x!tpu.dma_semaphore, #tpu.memory_space<semaphore_mem>> -> memref<!tpu.dma_semaphore, #tpu.memory_space<semaphore_mem>>
        tpu.wait_indirect_dma semaphore(%dma_wait3A_123 : memref<!tpu.dma_semaphore, #tpu.memory_space<semaphore_mem>>) src(%dma_wait3A_121 : memref<10000x128xbf16, #tpu.memory_space<hbm>>) dst(%dma_wait3A_115 : memref<64x128xbf16, #tpu.memory_space<vmem>>)
        %ge3A = arith.constant 2 : i32
        %ge3A_124 = arith.cmpi sge, %scan3A_103, %ge3A : i32
        %convert_element_type3A_125 = arith.extui %ge3A_124 : i1 to i32
        %cond3A_126 = arith.constant 0 : i32
        %cond3A_127 = arith.cmpi ne, %convert_element_type3A_125, %cond3A_126 : i32
        scf.if %cond3A_127 {
          %dma_wait3A_213 = arith.constant 0 : i32
          %dma_wait3A_214 = arith.constant 0 : i32
          %dma_wait3A_215 = tpu.memref_slice %arg12[%and3A_107, %dma_wait3A_213, %dma_wait3A_214] : memref<2x64x128xf32, #tpu.memory_space<vmem>> -> memref<1x64x128xf32, #tpu.memory_space<vmem>>
          %dma_wait3A_216 = tpu.memref_squeeze %dma_wait3A_215 : memref<1x64x128xf32, #tpu.memory_space<vmem>> -> memref<64x128xf32, #tpu.memory_space<vmem>>
          %dma_wait3A_217 = arith.constant 0 : i32
          %dma_wait3A_218 = tpu.memref_slice %arg9[%scan3A_103, %dma_wait3A_217] : memref<16x64xi32, #tpu.memory_space<vmem>> -> memref<1x64xi32, #tpu.memory_space<vmem>>
          %dma_wait3A_219 = tpu.memref_squeeze %dma_wait3A_218 : memref<1x64xi32, #tpu.memory_space<vmem>> -> memref<64xi32, #tpu.memory_space<vmem>>
          %dma_wait3A_220 = arith.constant 0 : i32
          %dma_wait3A_221 = arith.constant 0 : i32
          %dma_wait3A_222 = tpu.memref_slice %arg8[%dma_wait3A_220, %dma_wait3A_221] : memref<10240x128xf32, #tpu.memory_space<vmem_shared>> -> memref<10240x128xf32, #tpu.memory_space<vmem_shared>>
          %dma_wait3A_223 = tpu.memref_slice %arg16[%and3A_107] : memref<2x!tpu.dma_semaphore, #tpu.memory_space<semaphore_mem>> -> memref<1x!tpu.dma_semaphore, #tpu.memory_space<semaphore_mem>>
          %dma_wait3A_224 = tpu.memref_squeeze %dma_wait3A_223 : memref<1x!tpu.dma_semaphore, #tpu.memory_space<semaphore_mem>> -> memref<!tpu.dma_semaphore, #tpu.memory_space<semaphore_mem>>
          tpu.wait_indirect_dma semaphore(%dma_wait3A_224 : memref<!tpu.dma_semaphore, #tpu.memory_space<semaphore_mem>>) src(%dma_wait3A_216 : memref<64x128xf32, #tpu.memory_space<vmem>>) dst(%dma_wait3A_222 : memref<10240x128xf32, #tpu.memory_space<vmem_shared>>)
        } else {
        }
        %parallel_loop3A = arith.constant 0 : i32
        %parallel_loop3A_128 = arith.constant 64 : i32
        %parallel_loop3A_129 = arith.constant 1 : i32
        scf.for %parallel_loop3A_213 = %parallel_loop3A to %parallel_loop3A_128 step %parallel_loop3A_129  : i32 {
          %parallel_loop3A_214 = arith.index_cast %and3A_105 : i32 to index
          %parallel_loop3A_215 = arith.index_cast %parallel_loop3A_213 : i32 to index
          %parallel_loop3A_216 = arith.constant 0 : index
          %parallel_loop3A_217 = tpu.vector_load %arg11[%parallel_loop3A_214, %parallel_loop3A_215, %parallel_loop3A_216] {strides = array<i32>} : memref<2x64x128xbf16, #tpu.memory_space<vmem>>, vector<32xbf16>,
          %parallel_loop3A_218 = tpu.unpack_subelements %parallel_loop3A_217, 0 {pack_format = #tpu.pack_format<interleaved>} : vector<32xbf16> -> vector<16xf32>
          %parallel_loop3A_219 = tpu.unpack_subelements %parallel_loop3A_217, 1 {pack_format = #tpu.pack_format<interleaved>} : vector<32xbf16> -> vector<16xf32>
          %parallel_loop3A_220 = arith.index_cast %and3A_107 : i32 to index
          %parallel_loop3A_221 = arith.index_cast %parallel_loop3A_213 : i32 to index
          %parallel_loop3A_222 = arith.constant 0 : index
          %parallel_loop3A_223 = tpu.vector_load %arg12[%parallel_loop3A_220, %parallel_loop3A_221, %parallel_loop3A_222] {strides = array<i32>} : memref<2x64x128xf32, #tpu.memory_space<vmem>>, vector<16xf32>,
          tpu.vector_store %arg12[%parallel_loop3A_220, %parallel_loop3A_221, %parallel_loop3A_222], %parallel_loop3A_218 {strides = array<i32>} : memref<2x64x128xf32, #tpu.memory_space<vmem>>, vector<16xf32>,
          %parallel_loop3A_224 = arith.index_cast %and3A_107 : i32 to index
          %parallel_loop3A_225 = arith.index_cast %parallel_loop3A_213 : i32 to index
          %parallel_loop3A_226 = arith.constant 16 : index
          %parallel_loop3A_227 = tpu.vector_load %arg12[%parallel_loop3A_224, %parallel_loop3A_225, %parallel_loop3A_226] {strides = array<i32>} : memref<2x64x128xf32, #tpu.memory_space<vmem>>, vector<16xf32>,
          tpu.vector_store %arg12[%parallel_loop3A_224, %parallel_loop3A_225, %parallel_loop3A_226], %parallel_loop3A_219 {strides = array<i32>} : memref<2x64x128xf32, #tpu.memory_space<vmem>>, vector<16xf32>,
          %parallel_loop3A_228 = arith.index_cast %and3A_105 : i32 to index
          %parallel_loop3A_229 = arith.index_cast %parallel_loop3A_213 : i32 to index
          %parallel_loop3A_230 = arith.constant 32 : index
          %parallel_loop3A_231 = tpu.vector_load %arg11[%parallel_loop3A_228, %parallel_loop3A_229, %parallel_loop3A_230] {strides = array<i32>} : memref<2x64x128xbf16, #tpu.memory_space<vmem>>, vector<32xbf16>,
          %parallel_loop3A_232 = tpu.unpack_subelements %parallel_loop3A_231, 0 {pack_format = #tpu.pack_format<interleaved>} : vector<32xbf16> -> vector<16xf32>
          %parallel_loop3A_233 = tpu.unpack_subelements %parallel_loop3A_231, 1 {pack_format = #tpu.pack_format<interleaved>} : vector<32xbf16> -> vector<16xf32>
          %parallel_loop3A_234 = arith.index_cast %and3A_107 : i32 to index
          %parallel_loop3A_235 = arith.index_cast %parallel_loop3A_213 : i32 to index
          %parallel_loop3A_236 = arith.constant 32 : index
          %parallel_loop3A_237 = tpu.vector_load %arg12[%parallel_loop3A_234, %parallel_loop3A_235, %parallel_loop3A_236] {strides = array<i32>} : memref<2x64x128xf32, #tpu.memory_space<vmem>>, vector<16xf32>,
          tpu.vector_store %arg12[%parallel_loop3A_234, %parallel_loop3A_235, %parallel_loop3A_236], %parallel_loop3A_232 {strides = array<i32>} : memref<2x64x128xf32, #tpu.memory_space<vmem>>, vector<16xf32>,
          %parallel_loop3A_238 = arith.index_cast %and3A_107 : i32 to index
          %parallel_loop3A_239 = arith.index_cast %parallel_loop3A_213 : i32 to index
          %parallel_loop3A_240 = arith.constant 48 : index
          %parallel_loop3A_241 = tpu.vector_load %arg12[%parallel_loop3A_238, %parallel_loop3A_239, %parallel_loop3A_240] {strides = array<i32>} : memref<2x64x128xf32, #tpu.memory_space<vmem>>, vector<16xf32>,
          tpu.vector_store %arg12[%parallel_loop3A_238, %parallel_loop3A_239, %parallel_loop3A_240], %parallel_loop3A_233 {strides = array<i32>} : memref<2x64x128xf32, #tpu.memory_space<vmem>>, vector<16xf32>,
          %parallel_loop3A_242 = arith.index_cast %and3A_105 : i32 to index
          %parallel_loop3A_243 = arith.index_cast %parallel_loop3A_213 : i32 to index
          %parallel_loop3A_244 = arith.constant 64 : index
          %parallel_loop3A_245 = tpu.vector_load %arg11[%parallel_loop3A_242, %parallel_loop3A_243, %parallel_loop3A_244] {strides = array<i32>} : memref<2x64x128xbf16, #tpu.memory_space<vmem>>, vector<32xbf16>,
          %parallel_loop3A_246 = tpu.unpack_subelements %parallel_loop3A_245, 0 {pack_format = #tpu.pack_format<interleaved>} : vector<32xbf16> -> vector<16xf32>
          %parallel_loop3A_247 = tpu.unpack_subelements %parallel_loop3A_245, 1 {pack_format = #tpu.pack_format<interleaved>} : vector<32xbf16> -> vector<16xf32>
          %parallel_loop3A_248 = arith.index_cast %and3A_107 : i32 to index
          %parallel_loop3A_249 = arith.index_cast %parallel_loop3A_213 : i32 to index
          %parallel_loop3A_250 = arith.constant 64 : index
          %parallel_loop3A_251 = tpu.vector_load %arg12[%parallel_loop3A_248, %parallel_loop3A_249, %parallel_loop3A_250] {strides = array<i32>} : memref<2x64x128xf32, #tpu.memory_space<vmem>>, vector<16xf32>,
          tpu.vector_store %arg12[%parallel_loop3A_248, %parallel_loop3A_249, %parallel_loop3A_250], %parallel_loop3A_246 {strides = array<i32>} : memref<2x64x128xf32, #tpu.memory_space<vmem>>, vector<16xf32>,
          %parallel_loop3A_252 = arith.index_cast %and3A_107 : i32 to index
          %parallel_loop3A_253 = arith.index_cast %parallel_loop3A_213 : i32 to index
          %parallel_loop3A_254 = arith.constant 80 : index
          %parallel_loop3A_255 = tpu.vector_load %arg12[%parallel_loop3A_252, %parallel_loop3A_253, %parallel_loop3A_254] {strides = array<i32>} : memref<2x64x128xf32, #tpu.memory_space<vmem>>, vector<16xf32>,
          tpu.vector_store %arg12[%parallel_loop3A_252, %parallel_loop3A_253, %parallel_loop3A_254], %parallel_loop3A_247 {strides = array<i32>} : memref<2x64x128xf32, #tpu.memory_space<vmem>>, vector<16xf32>,
          %parallel_loop3A_256 = arith.index_cast %and3A_105 : i32 to index
          %parallel_loop3A_257 = arith.index_cast %parallel_loop3A_213 : i32 to index
          %parallel_loop3A_258 = arith.constant 96 : index
          %parallel_loop3A_259 = tpu.vector_load %arg11[%parallel_loop3A_256, %parallel_loop3A_257, %parallel_loop3A_258] {strides = array<i32>} : memref<2x64x128xbf16, #tpu.memory_space<vmem>>, vector<32xbf16>,
          %parallel_loop3A_260 = tpu.unpack_subelements %parallel_loop3A_259, 0 {pack_format = #tpu.pack_format<interleaved>} : vector<32xbf16> -> vector<16xf32>
          %parallel_loop3A_261 = tpu.unpack_subelements %parallel_loop3A_259, 1 {pack_format = #tpu.pack_format<interleaved>} : vector<32xbf16> -> vector<16xf32>
          %parallel_loop3A_262 = arith.index_cast %and3A_107 : i32 to index
          %parallel_loop3A_263 = arith.index_cast %parallel_loop3A_213 : i32 to index
          %parallel_loop3A_264 = arith.constant 96 : index
          %parallel_loop3A_265 = tpu.vector_load %arg12[%parallel_loop3A_262, %parallel_loop3A_263, %parallel_loop3A_264] {strides = array<i32>} : memref<2x64x128xf32, #tpu.memory_space<vmem>>, vector<16xf32>,
          tpu.vector_store %arg12[%parallel_loop3A_262, %parallel_loop3A_263, %parallel_loop3A_264], %parallel_loop3A_260 {strides = array<i32>} : memref<2x64x128xf32, #tpu.memory_space<vmem>>, vector<16xf32>,
          %parallel_loop3A_266 = arith.index_cast %and3A_107 : i32 to index
          %parallel_loop3A_267 = arith.index_cast %parallel_loop3A_213 : i32 to index
          %parallel_loop3A_268 = arith.constant 112 : index
          %parallel_loop3A_269 = tpu.vector_load %arg12[%parallel_loop3A_266, %parallel_loop3A_267, %parallel_loop3A_268] {strides = array<i32>} : memref<2x64x128xf32, #tpu.memory_space<vmem>>, vector<16xf32>,
          tpu.vector_store %arg12[%parallel_loop3A_266, %parallel_loop3A_267, %parallel_loop3A_268], %parallel_loop3A_261 {strides = array<i32>} : memref<2x64x128xf32, #tpu.memory_space<vmem>>, vector<16xf32>,
        } {sc.loop_unroll_factor = 16 : i64, sc.parallel_access}
        %dma_start3A_130 = arith.constant 0 : i32
        %dma_start3A_131 = arith.constant 0 : i32
        %dma_start3A_132 = tpu.memref_slice %arg12[%and3A_107, %dma_start3A_130, %dma_start3A_131] : memref<2x64x128xf32, #tpu.memory_space<vmem>> -> memref<1x64x128xf32, #tpu.memory_space<vmem>>
        %dma_start3A_133 = tpu.memref_squeeze %dma_start3A_132 : memref<1x64x128xf32, #tpu.memory_space<vmem>> -> memref<64x128xf32, #tpu.memory_space<vmem>>
        %dma_start3A_134 = arith.constant 0 : i32
        %dma_start3A_135 = tpu.memref_slice %arg9[%scan3A_103, %dma_start3A_134] : memref<16x64xi32, #tpu.memory_space<vmem>> -> memref<1x64xi32, #tpu.memory_space<vmem>>
        %dma_start3A_136 = tpu.memref_squeeze %dma_start3A_135 : memref<1x64xi32, #tpu.memory_space<vmem>> -> memref<64xi32, #tpu.memory_space<vmem>>
        %dma_start3A_137 = arith.constant 0 : i32
        %dma_start3A_138 = arith.constant 0 : i32
        %dma_start3A_139 = tpu.memref_slice %arg8[%dma_start3A_137, %dma_start3A_138] : memref<10240x128xf32, #tpu.memory_space<vmem_shared>> -> memref<10240x128xf32, #tpu.memory_space<vmem_shared>>
        %dma_start3A_140 = tpu.memref_slice %arg16[%and3A_107] : memref<2x!tpu.dma_semaphore, #tpu.memory_space<semaphore_mem>> -> memref<1x!tpu.dma_semaphore, #tpu.memory_space<semaphore_mem>>
        %dma_start3A_141 = tpu.memref_squeeze %dma_start3A_140 : memref<1x!tpu.dma_semaphore, #tpu.memory_space<semaphore_mem>> -> memref<!tpu.dma_semaphore, #tpu.memory_space<semaphore_mem>>
        tpu.enqueue_indirect_dma source(%dma_start3A_133 : memref<64x128xf32, #tpu.memory_space<vmem>>) target(%dma_start3A_139 : memref<10240x128xf32, #tpu.memory_space<vmem_shared>>) offsets(%dma_start3A_136 : memref<64xi32, #tpu.memory_space<vmem>>) semaphore(%dma_start3A_141 : memref<!tpu.dma_semaphore, #tpu.memory_space<semaphore_mem>>) {add = true}
        %get3A = arith.index_cast %scan3A_103 : i32 to index
        %get3A_142 = arith.constant 0 : index
        %get3A_143 = tpu.vector_load %arg9[%get3A, %get3A_142] {strides = array<i32>} : memref<16x64xi32, #tpu.memory_space<vmem>>, vector<16xi32>,
        %get3A_144 = arith.index_cast %scan3A_103 : i32 to index
        %get3A_145 = arith.constant 0 : index
        %get3A_146 = tpu.vector_load %arg10[%get3A_144, %get3A_145] {strides = array<i32>} : memref<16x64xi32, #tpu.memory_space<vmem>>, vector<16xi32>,
        %shift_right_arithmetic3A = arith.constant 7 : i32
        %shift_right_arithmetic3A_147 = vector.broadcast %shift_right_arithmetic3A : i32 to vector<16xi32>
        %shift_right_arithmetic3A_148 = arith.shrsi %get3A_143, %shift_right_arithmetic3A_147 : vector<16xi32>
        %and3A_149 = arith.constant 127 : i32
        %and3A_150 = vector.broadcast %and3A_149 : i32 to vector<16xi32>
        %and3A_151 = arith.andi %get3A_143, %and3A_150 : vector<16xi32>
        tpu.vector_store_idx %arg13[%shift_right_arithmetic3A_148, %and3A_151], %broadcast_in_dim3A_3 {add = true} : memref<80x128xf32, #tpu.memory_space<vmem>>[vector<16xi32>, vector<16xi32>], vector<16xf32>,
        %shift_right_arithmetic3A_152 = arith.constant 7 : i32
        %shift_right_arithmetic3A_153 = vector.broadcast %shift_right_arithmetic3A_152 : i32 to vector<16xi32>
        %shift_right_arithmetic3A_154 = arith.shrsi %get3A_146, %shift_right_arithmetic3A_153 : vector<16xi32>
        %and3A_155 = arith.constant 127 : i32
        %and3A_156 = vector.broadcast %and3A_155 : i32 to vector<16xi32>
        %and3A_157 = arith.andi %get3A_146, %and3A_156 : vector<16xi32>
        tpu.vector_store_idx %arg14[%shift_right_arithmetic3A_154, %and3A_157], %broadcast_in_dim3A_3 {add = true} : memref<80x128xf32, #tpu.memory_space<vmem>>[vector<16xi32>, vector<16xi32>], vector<16xf32>,
        %get3A_158 = arith.index_cast %scan3A_103 : i32 to index
        %get3A_159 = arith.constant 16 : index
        %get3A_160 = tpu.vector_load %arg9[%get3A_158, %get3A_159] {strides = array<i32>} : memref<16x64xi32, #tpu.memory_space<vmem>>, vector<16xi32>,
        %get3A_161 = arith.index_cast %scan3A_103 : i32 to index
        %get3A_162 = arith.constant 16 : index
        %get3A_163 = tpu.vector_load %arg10[%get3A_161, %get3A_162] {strides = array<i32>} : memref<16x64xi32, #tpu.memory_space<vmem>>, vector<16xi32>,
        %shift_right_arithmetic3A_164 = arith.constant 7 : i32
        %shift_right_arithmetic3A_165 = vector.broadcast %shift_right_arithmetic3A_164 : i32 to vector<16xi32>
        %shift_right_arithmetic3A_166 = arith.shrsi %get3A_160, %shift_right_arithmetic3A_165 : vector<16xi32>
        %and3A_167 = arith.constant 127 : i32
        %and3A_168 = vector.broadcast %and3A_167 : i32 to vector<16xi32>
        %and3A_169 = arith.andi %get3A_160, %and3A_168 : vector<16xi32>
        tpu.vector_store_idx %arg13[%shift_right_arithmetic3A_166, %and3A_169], %broadcast_in_dim3A_3 {add = true} : memref<80x128xf32, #tpu.memory_space<vmem>>[vector<16xi32>, vector<16xi32>], vector<16xf32>,
        %shift_right_arithmetic3A_170 = arith.constant 7 : i32
        %shift_right_arithmetic3A_171 = vector.broadcast %shift_right_arithmetic3A_170 : i32 to vector<16xi32>
        %shift_right_arithmetic3A_172 = arith.shrsi %get3A_163, %shift_right_arithmetic3A_171 : vector<16xi32>
        %and3A_173 = arith.constant 127 : i32
        %and3A_174 = vector.broadcast %and3A_173 : i32 to vector<16xi32>
        %and3A_175 = arith.andi %get3A_163, %and3A_174 : vector<16xi32>
        tpu.vector_store_idx %arg14[%shift_right_arithmetic3A_172, %and3A_175], %broadcast_in_dim3A_3 {add = true} : memref<80x128xf32, #tpu.memory_space<vmem>>[vector<16xi32>, vector<16xi32>], vector<16xf32>,
        %get3A_176 = arith.index_cast %scan3A_103 : i32 to index
        %get3A_177 = arith.constant 32 : index
        %get3A_178 = tpu.vector_load %arg9[%get3A_176, %get3A_177] {strides = array<i32>} : memref<16x64xi32, #tpu.memory_space<vmem>>, vector<16xi32>,
        %get3A_179 = arith.index_cast %scan3A_103 : i32 to index
        %get3A_180 = arith.constant 32 : index
        %get3A_181 = tpu.vector_load %arg10[%get3A_179, %get3A_180] {strides = array<i32>} : memref<16x64xi32, #tpu.memory_space<vmem>>, vector<16xi32>,
        %shift_right_arithmetic3A_182 = arith.constant 7 : i32
        %shift_right_arithmetic3A_183 = vector.broadcast %shift_right_arithmetic3A_182 : i32 to vector<16xi32>
        %shift_right_arithmetic3A_184 = arith.shrsi %get3A_178, %shift_right_arithmetic3A_183 : vector<16xi32>
        %and3A_185 = arith.constant 127 : i32
        %and3A_186 = vector.broadcast %and3A_185 : i32 to vector<16xi32>
        %and3A_187 = arith.andi %get3A_178, %and3A_186 : vector<16xi32>
        tpu.vector_store_idx %arg13[%shift_right_arithmetic3A_184, %and3A_187], %broadcast_in_dim3A_3 {add = true} : memref<80x128xf32, #tpu.memory_space<vmem>>[vector<16xi32>, vector<16xi32>], vector<16xf32>,
        %shift_right_arithmetic3A_188 = arith.constant 7 : i32
        %shift_right_arithmetic3A_189 = vector.broadcast %shift_right_arithmetic3A_188 : i32 to vector<16xi32>
        %shift_right_arithmetic3A_190 = arith.shrsi %get3A_181, %shift_right_arithmetic3A_189 : vector<16xi32>
        %and3A_191 = arith.constant 127 : i32
        %and3A_192 = vector.broadcast %and3A_191 : i32 to vector<16xi32>
        %and3A_193 = arith.andi %get3A_181, %and3A_192 : vector<16xi32>
        tpu.vector_store_idx %arg14[%shift_right_arithmetic3A_190, %and3A_193], %broadcast_in_dim3A_3 {add = true} : memref<80x128xf32, #tpu.memory_space<vmem>>[vector<16xi32>, vector<16xi32>], vector<16xf32>,
        %get3A_194 = arith.index_cast %scan3A_103 : i32 to index
        %get3A_195 = arith.constant 48 : index
        %get3A_196 = tpu.vector_load %arg9[%get3A_194, %get3A_195] {strides = array<i32>} : memref<16x64xi32, #tpu.memory_space<vmem>>, vector<16xi32>,
        %get3A_197 = arith.index_cast %scan3A_103 : i32 to index
        %get3A_198 = arith.constant 48 : index
        %get3A_199 = tpu.vector_load %arg10[%get3A_197, %get3A_198] {strides = array<i32>} : memref<16x64xi32, #tpu.memory_space<vmem>>, vector<16xi32>,
        %shift_right_arithmetic3A_200 = arith.constant 7 : i32
        %shift_right_arithmetic3A_201 = vector.broadcast %shift_right_arithmetic3A_200 : i32 to vector<16xi32>
        %shift_right_arithmetic3A_202 = arith.shrsi %get3A_196, %shift_right_arithmetic3A_201 : vector<16xi32>
        %and3A_203 = arith.constant 127 : i32
        %and3A_204 = vector.broadcast %and3A_203 : i32 to vector<16xi32>
        %and3A_205 = arith.andi %get3A_196, %and3A_204 : vector<16xi32>
        tpu.vector_store_idx %arg13[%shift_right_arithmetic3A_202, %and3A_205], %broadcast_in_dim3A_3 {add = true} : memref<80x128xf32, #tpu.memory_space<vmem>>[vector<16xi32>, vector<16xi32>], vector<16xf32>,
        %shift_right_arithmetic3A_206 = arith.constant 7 : i32
        %shift_right_arithmetic3A_207 = vector.broadcast %shift_right_arithmetic3A_206 : i32 to vector<16xi32>
        %shift_right_arithmetic3A_208 = arith.shrsi %get3A_199, %shift_right_arithmetic3A_207 : vector<16xi32>
        %and3A_209 = arith.constant 127 : i32
        %and3A_210 = vector.broadcast %and3A_209 : i32 to vector<16xi32>
        %and3A_211 = arith.andi %get3A_199, %and3A_210 : vector<16xi32>
        tpu.vector_store_idx %arg14[%shift_right_arithmetic3A_208, %and3A_211], %broadcast_in_dim3A_3 {add = true} : memref<80x128xf32, #tpu.memory_space<vmem>>[vector<16xi32>, vector<16xi32>], vector<16xf32>,
        %scan3A_212 = arith.constant 0 : i32
        scf.yield %scan3A_212 : i32
      }
      %scan3A_72 = arith.constant 16 : i32
      %dma_wait3A = arith.constant 0 : i32
      %dma_wait3A_73 = arith.constant 14 : i32
      %dma_wait3A_74 = arith.constant 0 : i32
      %dma_wait3A_75 = arith.constant 0 : i32
      %dma_wait3A_76 = arith.constant 0 : i32
      %dma_wait3A_77 = tpu.memref_slice %arg12[%dma_wait3A, %dma_wait3A_75, %dma_wait3A_76] : memref<2x64x128xf32, #tpu.memory_space<vmem>> -> memref<1x64x128xf32, #tpu.memory_space<vmem>>
      %dma_wait3A_78 = tpu.memref_squeeze %dma_wait3A_77 : memref<1x64x128xf32, #tpu.memory_space<vmem>> -> memref<64x128xf32, #tpu.memory_space<vmem>>
      %dma_wait3A_79 = arith.constant 0 : i32
      %dma_wait3A_80 = tpu.memref_slice %arg9[%dma_wait3A_73, %dma_wait3A_79] : memref<16x64xi32, #tpu.memory_space<vmem>> -> memref<1x64xi32, #tpu.memory_space<vmem>>
      %dma_wait3A_81 = tpu.memref_squeeze %dma_wait3A_80 : memref<1x64xi32, #tpu.memory_space<vmem>> -> memref<64xi32, #tpu.memory_space<vmem>>
      %dma_wait3A_82 = arith.constant 0 : i32
      %dma_wait3A_83 = arith.constant 0 : i32
      %dma_wait3A_84 = tpu.memref_slice %arg8[%dma_wait3A_82, %dma_wait3A_83] : memref<10240x128xf32, #tpu.memory_space<vmem_shared>> -> memref<10240x128xf32, #tpu.memory_space<vmem_shared>>
      %dma_wait3A_85 = tpu.memref_slice %arg16[%dma_wait3A_74] : memref<2x!tpu.dma_semaphore, #tpu.memory_space<semaphore_mem>> -> memref<1x!tpu.dma_semaphore, #tpu.memory_space<semaphore_mem>>
      %dma_wait3A_86 = tpu.memref_squeeze %dma_wait3A_85 : memref<1x!tpu.dma_semaphore, #tpu.memory_space<semaphore_mem>> -> memref<!tpu.dma_semaphore, #tpu.memory_space<semaphore_mem>>
      tpu.wait_indirect_dma semaphore(%dma_wait3A_86 : memref<!tpu.dma_semaphore, #tpu.memory_space<semaphore_mem>>) src(%dma_wait3A_78 : memref<64x128xf32, #tpu.memory_space<vmem>>) dst(%dma_wait3A_84 : memref<10240x128xf32, #tpu.memory_space<vmem_shared>>)
      %dma_wait3A_87 = arith.constant 1 : i32
      %dma_wait3A_88 = arith.constant 15 : i32
      %dma_wait3A_89 = arith.constant 1 : i32
      %dma_wait3A_90 = arith.constant 0 : i32
      %dma_wait3A_91 = arith.constant 0 : i32
      %dma_wait3A_92 = tpu.memref_slice %arg12[%dma_wait3A_87, %dma_wait3A_90, %dma_wait3A_91] : memref<2x64x128xf32, #tpu.memory_space<vmem>> -> memref<1x64x128xf32, #tpu.memory_space<vmem>>
      %dma_wait3A_93 = tpu.memref_squeeze %dma_wait3A_92 : memref<1x64x128xf32, #tpu.memory_space<vmem>> -> memref<64x128xf32, #tpu.memory_space<vmem>>
      %dma_wait3A_94 = arith.constant 0 : i32
      %dma_wait3A_95 = tpu.memref_slice %arg9[%dma_wait3A_88, %dma_wait3A_94] : memref<16x64xi32, #tpu.memory_space<vmem>> -> memref<1x64xi32, #tpu.memory_space<vmem>>
      %dma_wait3A_96 = tpu.memref_squeeze %dma_wait3A_95 : memref<1x64xi32, #tpu.memory_space<vmem>> -> memref<64xi32, #tpu.memory_space<vmem>>
      %dma_wait3A_97 = arith.constant 0 : i32
      %dma_wait3A_98 = arith.constant 0 : i32
      %dma_wait3A_99 = tpu.memref_slice %arg8[%dma_wait3A_97, %dma_wait3A_98] : memref<10240x128xf32, #tpu.memory_space<vmem_shared>> -> memref<10240x128xf32, #tpu.memory_space<vmem_shared>>
      %dma_wait3A_100 = tpu.memref_slice %arg16[%dma_wait3A_89] : memref<2x!tpu.dma_semaphore, #tpu.memory_space<semaphore_mem>> -> memref<1x!tpu.dma_semaphore, #tpu.memory_space<semaphore_mem>>
      %dma_wait3A_101 = tpu.memref_squeeze %dma_wait3A_100 : memref<1x!tpu.dma_semaphore, #tpu.memory_space<semaphore_mem>> -> memref<!tpu.dma_semaphore, #tpu.memory_space<semaphore_mem>>
      tpu.wait_indirect_dma semaphore(%dma_wait3A_101 : memref<!tpu.dma_semaphore, #tpu.memory_space<semaphore_mem>>) src(%dma_wait3A_93 : memref<64x128xf32, #tpu.memory_space<vmem>>) dst(%dma_wait3A_99 : memref<10240x128xf32, #tpu.memory_space<vmem_shared>>)
      %scan3A_102 = arith.constant 0 : i32
      scf.yield %scan3A_102 : i32
    }
    %scan3A_34 = arith.constant 10 : i32
    %scan3A_35 = arith.constant 0 : i32
    %scan3A_36 = arith.constant 0 : i32
    %scan3A_37 = arith.constant 8 : i32
    %scan3A_38 = arith.addi %scan3A_36, %scan3A_37 : i32
    %scan3A_39 = arith.constant 1 : i32
    %scan3A_40 = scf.for %scan3A_50 = %scan3A_36 to %scan3A_38 step %scan3A_39 iter_args(%scan3A_51 = %scan3A_35) -> (i32)  : i32 {
      %mul3A_52 = arith.constant 10 : i32
      %mul3A_53 = arith.muli %scan3A_50, %mul3A_52 : i32
      %mul3A_54 = arith.constant 10 : i32
      %mul3A_55 = arith.muli %scan3A_50, %mul3A_54 : i32
      "tpu.region"() ({
        %run_scoped3A = tpu.sem_alloc : memref<!tpu.dma_semaphore, #tpu.memory_space<semaphore_mem>>
        %dma_start3A = arith.constant 0 : i32
        %dma_start3A_61 = tpu.memref_slice %arg13[%mul3A_53, %dma_start3A] : memref<80x128xf32, #tpu.memory_space<vmem>> -> memref<10x128xf32, #tpu.memory_space<vmem>>
        %dma_start3A_62 = arith.constant 0 : i32
        %dma_start3A_63 = tpu.memref_slice %arg6[%arg0, %arg1, %mul3A_55, %dma_start3A_62] : memref<2x16x80x128xf32, #tpu.memory_space<hbm>> -> memref<1x1x10x128xf32, #tpu.memory_space<hbm>>
        %dma_start3A_64 = tpu.memref_squeeze %dma_start3A_63 : memref<1x1x10x128xf32, #tpu.memory_space<hbm>> -> memref<10x128xf32, #tpu.memory_space<hbm>>
        %dma_start3A_65 = arith.constant 0 : i32
        %dma_start3A_66 = tpu.memref_slice %arg6[%arg0, %arg1, %mul3A_55, %dma_start3A_65] : memref<2x16x80x128xf32, #tpu.memory_space<hbm>> -> memref<1x1x10x128xf32, #tpu.memory_space<hbm>>
        %dma_start3A_67 = tpu.memref_squeeze %dma_start3A_66 : memref<1x1x10x128xf32, #tpu.memory_space<hbm>> -> memref<10x128xf32, #tpu.memory_space<hbm>>
        %dma_start3A_68 = arith.constant 0 : i32
        %dma_start3A_69 = tpu.memref_slice %arg13[%mul3A_53, %dma_start3A_68] : memref<80x128xf32, #tpu.memory_space<vmem>> -> memref<10x128xf32, #tpu.memory_space<vmem>>
        tpu.enqueue_dma source(%dma_start3A_69 : memref<10x128xf32, #tpu.memory_space<vmem>>) target(%dma_start3A_67 : memref<10x128xf32, #tpu.memory_space<hbm>>) target_semaphore(%run_scoped3A : memref<!tpu.dma_semaphore, #tpu.memory_space<semaphore_mem>>)
        %dma_wait3A = arith.constant 0 : i32
        %dma_wait3A_70 = tpu.memref_slice %arg13[%mul3A_53, %dma_wait3A] : memref<80x128xf32, #tpu.memory_space<vmem>> -> memref<10x128xf32, #tpu.memory_space<vmem>>
        %dma_wait3A_71 = arith.constant 0 : i32
        %dma_wait3A_72 = tpu.memref_slice %arg6[%arg0, %arg1, %mul3A_55, %dma_wait3A_71] : memref<2x16x80x128xf32, #tpu.memory_space<hbm>> -> memref<1x1x10x128xf32, #tpu.memory_space<hbm>>
        %dma_wait3A_73 = tpu.memref_squeeze %dma_wait3A_72 : memref<1x1x10x128xf32, #tpu.memory_space<hbm>> -> memref<10x128xf32, #tpu.memory_space<hbm>>
        %dma_wait3A_74 = arith.constant 0 : i32
        %dma_wait3A_75 = tpu.memref_slice %arg6[%arg0, %arg1, %mul3A_55, %dma_wait3A_74] : memref<2x16x80x128xf32, #tpu.memory_space<hbm>> -> memref<1x1x10x128xf32, #tpu.memory_space<hbm>>
        %dma_wait3A_76 = tpu.memref_squeeze %dma_wait3A_75 : memref<1x1x10x128xf32, #tpu.memory_space<hbm>> -> memref<10x128xf32, #tpu.memory_space<hbm>>
        %dma_wait3A_77 = arith.constant 0 : i32
        %dma_wait3A_78 = tpu.memref_slice %arg13[%mul3A_53, %dma_wait3A_77] : memref<80x128xf32, #tpu.memory_space<vmem>> -> memref<10x128xf32, #tpu.memory_space<vmem>>
        tpu.wait_dma2 semaphore(%run_scoped3A : memref<!tpu.dma_semaphore, #tpu.memory_space<semaphore_mem>>) src(%dma_wait3A_78 : memref<10x128xf32, #tpu.memory_space<vmem>>) dst(%dma_wait3A_76 : memref<10x128xf32, #tpu.memory_space<hbm>>)
        tpu.yield
      }) : () -> ()
      %mul3A_56 = arith.constant 10 : i32
      %mul3A_57 = arith.muli %scan3A_50, %mul3A_56 : i32
      %mul3A_58 = arith.constant 10 : i32
      %mul3A_59 = arith.muli %scan3A_50, %mul3A_58 : i32
      "tpu.region"() ({
        %run_scoped3A = tpu.sem_alloc : memref<!tpu.dma_semaphore, #tpu.memory_space<semaphore_mem>>
        %dma_start3A = arith.constant 0 : i32
        %dma_start3A_61 = tpu.memref_slice %arg14[%mul3A_57, %dma_start3A] : memref<80x128xf32, #tpu.memory_space<vmem>> -> memref<10x128xf32, #tpu.memory_space<vmem>>
        %dma_start3A_62 = arith.constant 0 : i32
        %dma_start3A_63 = tpu.memref_slice %arg7[%arg0, %arg1, %mul3A_59, %dma_start3A_62] : memref<2x16x80x128xf32, #tpu.memory_space<hbm>> -> memref<1x1x10x128xf32, #tpu.memory_space<hbm>>
        %dma_start3A_64 = tpu.memref_squeeze %dma_start3A_63 : memref<1x1x10x128xf32, #tpu.memory_space<hbm>> -> memref<10x128xf32, #tpu.memory_space<hbm>>
        %dma_start3A_65 = arith.constant 0 : i32
        %dma_start3A_66 = tpu.memref_slice %arg7[%arg0, %arg1, %mul3A_59, %dma_start3A_65] : memref<2x16x80x128xf32, #tpu.memory_space<hbm>> -> memref<1x1x10x128xf32, #tpu.memory_space<hbm>>
        %dma_start3A_67 = tpu.memref_squeeze %dma_start3A_66 : memref<1x1x10x128xf32, #tpu.memory_space<hbm>> -> memref<10x128xf32, #tpu.memory_space<hbm>>
        %dma_start3A_68 = arith.constant 0 : i32
        %dma_start3A_69 = tpu.memref_slice %arg14[%mul3A_57, %dma_start3A_68] : memref<80x128xf32, #tpu.memory_space<vmem>> -> memref<10x128xf32, #tpu.memory_space<vmem>>
        tpu.enqueue_dma source(%dma_start3A_69 : memref<10x128xf32, #tpu.memory_space<vmem>>) target(%dma_start3A_67 : memref<10x128xf32, #tpu.memory_space<hbm>>) target_semaphore(%run_scoped3A : memref<!tpu.dma_semaphore, #tpu.memory_space<semaphore_mem>>)
        %dma_wait3A = arith.constant 0 : i32
        %dma_wait3A_70 = tpu.memref_slice %arg14[%mul3A_57, %dma_wait3A] : memref<80x128xf32, #tpu.memory_space<vmem>> -> memref<10x128xf32, #tpu.memory_space<vmem>>
        %dma_wait3A_71 = arith.constant 0 : i32
        %dma_wait3A_72 = tpu.memref_slice %arg7[%arg0, %arg1, %mul3A_59, %dma_wait3A_71] : memref<2x16x80x128xf32, #tpu.memory_space<hbm>> -> memref<1x1x10x128xf32, #tpu.memory_space<hbm>>
        %dma_wait3A_73 = tpu.memref_squeeze %dma_wait3A_72 : memref<1x1x10x128xf32, #tpu.memory_space<hbm>> -> memref<10x128xf32, #tpu.memory_space<hbm>>
        %dma_wait3A_74 = arith.constant 0 : i32
        %dma_wait3A_75 = tpu.memref_slice %arg7[%arg0, %arg1, %mul3A_59, %dma_wait3A_74] : memref<2x16x80x128xf32, #tpu.memory_space<hbm>> -> memref<1x1x10x128xf32, #tpu.memory_space<hbm>>
        %dma_wait3A_76 = tpu.memref_squeeze %dma_wait3A_75 : memref<1x1x10x128xf32, #tpu.memory_space<hbm>> -> memref<10x128xf32, #tpu.memory_space<hbm>>
        %dma_wait3A_77 = arith.constant 0 : i32
        %dma_wait3A_78 = tpu.memref_slice %arg14[%mul3A_57, %dma_wait3A_77] : memref<80x128xf32, #tpu.memory_space<vmem>> -> memref<10x128xf32, #tpu.memory_space<vmem>>
        tpu.wait_dma2 semaphore(%run_scoped3A : memref<!tpu.dma_semaphore, #tpu.memory_space<semaphore_mem>>) src(%dma_wait3A_78 : memref<10x128xf32, #tpu.memory_space<vmem>>) dst(%dma_wait3A_76 : memref<10x128xf32, #tpu.memory_space<hbm>>)
        tpu.yield
      }) : () -> ()
      %scan3A_60 = arith.constant 0 : i32
      scf.yield %scan3A_60 : i32
    }
    %scan3A_41 = arith.constant 8 : i32
    %barrier3A_42 = arith.constant 0 : index
    tpu.barrier barrier_id(%barrier3A_42)
    %scan3A_43 = arith.constant 0 : i32
    %scan3A_44 = arith.constant 0 : i32
    %scan3A_45 = arith.constant 10 : i32
    %scan3A_46 = arith.addi %scan3A_44, %scan3A_45 : i32
    %scan3A_47 = arith.constant 1 : i32
    %scan3A_48 = scf.for %scan3A_50 = %scan3A_44 to %scan3A_46 step %scan3A_47 iter_args(%scan3A_51 = %scan3A_43) -> (i32)  : i32 {
      %mul3A_52 = arith.constant 64 : i32
      %mul3A_53 = arith.muli %scan3A_50, %mul3A_52 : i32
      %add3A_54 = arith.addi %mul3A_2, %mul3A_53 : i32
      %run_scoped3A = arith.constant 0 : i32
      "tpu.region"() ({
        %run_scoped3A_57 = tpu.sem_alloc : memref<!tpu.dma_semaphore, #tpu.memory_space<semaphore_mem>>
        %dma_start3A = arith.constant 0 : i32
        %dma_start3A_58 = arith.constant 0 : i32
        %dma_start3A_59 = tpu.memref_slice %arg12[%run_scoped3A, %dma_start3A, %dma_start3A_58] : memref<2x64x128xf32, #tpu.memory_space<vmem>> -> memref<1x64x128xf32, #tpu.memory_space<vmem>>
        %dma_start3A_60 = tpu.memref_squeeze %dma_start3A_59 : memref<1x64x128xf32, #tpu.memory_space<vmem>> -> memref<64x128xf32, #tpu.memory_space<vmem>>
        %dma_start3A_61 = arith.constant 0 : i32
        %dma_start3A_62 = tpu.memref_slice %arg8[%add3A_54, %dma_start3A_61] : memref<10240x128xf32, #tpu.memory_space<vmem_shared>> -> memref<64x128xf32, #tpu.memory_space<vmem_shared>>
        %dma_start3A_63 = arith.constant 0 : i32
        %dma_start3A_64 = arith.constant 0 : i32
        %dma_start3A_65 = tpu.memref_slice %arg12[%run_scoped3A, %dma_start3A_63, %dma_start3A_64] : memref<2x64x128xf32, #tpu.memory_space<vmem>> -> memref<1x64x128xf32, #tpu.memory_space<vmem>>
        %dma_start3A_66 = tpu.memref_squeeze %dma_start3A_65 : memref<1x64x128xf32, #tpu.memory_space<vmem>> -> memref<64x128xf32, #tpu.memory_space<vmem>>
        %dma_start3A_67 = arith.constant 0 : i32
        %dma_start3A_68 = tpu.memref_slice %arg8[%add3A_54, %dma_start3A_67] : memref<10240x128xf32, #tpu.memory_space<vmem_shared>> -> memref<64x128xf32, #tpu.memory_space<vmem_shared>>
        tpu.enqueue_dma source(%dma_start3A_68 : memref<64x128xf32, #tpu.memory_space<vmem_shared>>) target(%dma_start3A_66 : memref<64x128xf32, #tpu.memory_space<vmem>>) target_semaphore(%run_scoped3A_57 : memref<!tpu.dma_semaphore, #tpu.memory_space<semaphore_mem>>)
        %dma_wait3A = arith.constant 0 : i32
        %dma_wait3A_69 = arith.constant 0 : i32
        %dma_wait3A_70 = tpu.memref_slice %arg12[%run_scoped3A, %dma_wait3A, %dma_wait3A_69] : memref<2x64x128xf32, #tpu.memory_space<vmem>> -> memref<1x64x128xf32, #tpu.memory_space<vmem>>
        %dma_wait3A_71 = tpu.memref_squeeze %dma_wait3A_70 : memref<1x64x128xf32, #tpu.memory_space<vmem>> -> memref<64x128xf32, #tpu.memory_space<vmem>>
        %dma_wait3A_72 = arith.constant 0 : i32
        %dma_wait3A_73 = tpu.memref_slice %arg8[%add3A_54, %dma_wait3A_72] : memref<10240x128xf32, #tpu.memory_space<vmem_shared>> -> memref<64x128xf32, #tpu.memory_space<vmem_shared>>
        %dma_wait3A_74 = arith.constant 0 : i32
        %dma_wait3A_75 = arith.constant 0 : i32
        %dma_wait3A_76 = tpu.memref_slice %arg12[%run_scoped3A, %dma_wait3A_74, %dma_wait3A_75] : memref<2x64x128xf32, #tpu.memory_space<vmem>> -> memref<1x64x128xf32, #tpu.memory_space<vmem>>
        %dma_wait3A_77 = tpu.memref_squeeze %dma_wait3A_76 : memref<1x64x128xf32, #tpu.memory_space<vmem>> -> memref<64x128xf32, #tpu.memory_space<vmem>>
        %dma_wait3A_78 = arith.constant 0 : i32
        %dma_wait3A_79 = tpu.memref_slice %arg8[%add3A_54, %dma_wait3A_78] : memref<10240x128xf32, #tpu.memory_space<vmem_shared>> -> memref<64x128xf32, #tpu.memory_space<vmem_shared>>
        tpu.wait_dma2 semaphore(%run_scoped3A_57 : memref<!tpu.dma_semaphore, #tpu.memory_space<semaphore_mem>>) src(%dma_wait3A_79 : memref<64x128xf32, #tpu.memory_space<vmem_shared>>) dst(%dma_wait3A_77 : memref<64x128xf32, #tpu.memory_space<vmem>>)
        tpu.yield
      }) : () -> ()
      %run_scoped3A_55 = arith.constant 0 : i32
      "tpu.region"() ({
        %run_scoped3A_57 = tpu.sem_alloc : memref<!tpu.dma_semaphore, #tpu.memory_space<semaphore_mem>>
        %dma_start3A = arith.constant 0 : i32
        %dma_start3A_58 = arith.constant 0 : i32
        %dma_start3A_59 = tpu.memref_slice %arg12[%run_scoped3A_55, %dma_start3A, %dma_start3A_58] : memref<2x64x128xf32, #tpu.memory_space<vmem>> -> memref<1x64x128xf32, #tpu.memory_space<vmem>>
        %dma_start3A_60 = tpu.memref_squeeze %dma_start3A_59 : memref<1x64x128xf32, #tpu.memory_space<vmem>> -> memref<64x128xf32, #tpu.memory_space<vmem>>
        %dma_start3A_61 = arith.constant 0 : i32
        %dma_start3A_62 = tpu.memref_slice %arg5[%arg0, %add3A_54, %dma_start3A_61] : memref<2x10240x128xf32, #tpu.memory_space<hbm>> -> memref<1x64x128xf32, #tpu.memory_space<hbm>>
        %dma_start3A_63 = tpu.memref_squeeze %dma_start3A_62 : memref<1x64x128xf32, #tpu.memory_space<hbm>> -> memref<64x128xf32, #tpu.memory_space<hbm>>
        %dma_start3A_64 = arith.constant 0 : i32
        %dma_start3A_65 = tpu.memref_slice %arg5[%arg0, %add3A_54, %dma_start3A_64] : memref<2x10240x128xf32, #tpu.memory_space<hbm>> -> memref<1x64x128xf32, #tpu.memory_space<hbm>>
        %dma_start3A_66 = tpu.memref_squeeze %dma_start3A_65 : memref<1x64x128xf32, #tpu.memory_space<hbm>> -> memref<64x128xf32, #tpu.memory_space<hbm>>
        %dma_start3A_67 = arith.constant 0 : i32
        %dma_start3A_68 = arith.constant 0 : i32
        %dma_start3A_69 = tpu.memref_slice %arg12[%run_scoped3A_55, %dma_start3A_67, %dma_start3A_68] : memref<2x64x128xf32, #tpu.memory_space<vmem>> -> memref<1x64x128xf32, #tpu.memory_space<vmem>>
        %dma_start3A_70 = tpu.memref_squeeze %dma_start3A_69 : memref<1x64x128xf32, #tpu.memory_space<vmem>> -> memref<64x128xf32, #tpu.memory_space<vmem>>
        tpu.enqueue_dma source(%dma_start3A_70 : memref<64x128xf32, #tpu.memory_space<vmem>>) target(%dma_start3A_66 : memref<64x128xf32, #tpu.memory_space<hbm>>) target_semaphore(%run_scoped3A_57 : memref<!tpu.dma_semaphore, #tpu.memory_space<semaphore_mem>>)
        %dma_wait3A = arith.constant 0 : i32
        %dma_wait3A_71 = arith.constant 0 : i32
        %dma_wait3A_72 = tpu.memref_slice %arg12[%run_scoped3A_55, %dma_wait3A, %dma_wait3A_71] : memref<2x64x128xf32, #tpu.memory_space<vmem>> -> memref<1x64x128xf32, #tpu.memory_space<vmem>>
        %dma_wait3A_73 = tpu.memref_squeeze %dma_wait3A_72 : memref<1x64x128xf32, #tpu.memory_space<vmem>> -> memref<64x128xf32, #tpu.memory_space<vmem>>
        %dma_wait3A_74 = arith.constant 0 : i32
        %dma_wait3A_75 = tpu.memref_slice %arg5[%arg0, %add3A_54, %dma_wait3A_74] : memref<2x10240x128xf32, #tpu.memory_space<hbm>> -> memref<1x64x128xf32, #tpu.memory_space<hbm>>
        %dma_wait3A_76 = tpu.memref_squeeze %dma_wait3A_75 : memref<1x64x128xf32, #tpu.memory_space<hbm>> -> memref<64x128xf32, #tpu.memory_space<hbm>>
        %dma_wait3A_77 = arith.constant 0 : i32
        %dma_wait3A_78 = tpu.memref_slice %arg5[%arg0, %add3A_54, %dma_wait3A_77] : memref<2x10240x128xf32, #tpu.memory_space<hbm>> -> memref<1x64x128xf32, #tpu.memory_space<hbm>>
        %dma_wait3A_79 = tpu.memref_squeeze %dma_wait3A_78 : memref<1x64x128xf32, #tpu.memory_space<hbm>> -> memref<64x128xf32, #tpu.memory_space<hbm>>
        %dma_wait3A_80 = arith.constant 0 : i32
        %dma_wait3A_81 = arith.constant 0 : i32
        %dma_wait3A_82 = tpu.memref_slice %arg12[%run_scoped3A_55, %dma_wait3A_80, %dma_wait3A_81] : memref<2x64x128xf32, #tpu.memory_space<vmem>> -> memref<1x64x128xf32, #tpu.memory_space<vmem>>
        %dma_wait3A_83 = tpu.memref_squeeze %dma_wait3A_82 : memref<1x64x128xf32, #tpu.memory_space<vmem>> -> memref<64x128xf32, #tpu.memory_space<vmem>>
        tpu.wait_dma2 semaphore(%run_scoped3A_57 : memref<!tpu.dma_semaphore, #tpu.memory_space<semaphore_mem>>) src(%dma_wait3A_83 : memref<64x128xf32, #tpu.memory_space<vmem>>) dst(%dma_wait3A_79 : memref<64x128xf32, #tpu.memory_space<hbm>>)
        tpu.yield
      }) : () -> ()
      %scan3A_56 = arith.constant 0 : i32
      scf.yield %scan3A_56 : i32
    }
    %scan3A_49 = arith.constant 10 : i32
    return
  }
}

module attributes {stable_mosaic.version = 14 : i64} {
  func.func @_dense_body(%arg0: i32, %arg1: memref<1000x128xf32, #tpu.memory_space<vmem>>, %arg2: memref<1x1000x128xf32, #tpu.memory_space<vmem>>, %arg3: memref<1x1000x128xf32, #tpu.memory_space<vmem>>, %arg4: memref<1000x32xf32, #tpu.memory_space<vmem>>, %arg5: memref<1000x32xf32, #tpu.memory_space<vmem>>, %arg6: memref<128x128xf32, #tpu.memory_space<vmem>>, %arg7: memref<1x128xf32, #tpu.memory_space<vmem>>, %arg8: memref<1x128xf32, #tpu.memory_space<vmem>>, %arg9: memref<1x128xf32, #tpu.memory_space<vmem>>, %arg10: memref<1x128xf32, #tpu.memory_space<vmem>>, %arg11: memref<1x128xf32, #tpu.memory_space<vmem>>, %arg12: memref<1x2xf32, #tpu.memory_space<vmem>>, %arg13: memref<128x128xf32, #tpu.memory_space<vmem>>, %arg14: memref<64x128xf32, #tpu.memory_space<vmem>>, %arg15: memref<64x128xf32, #tpu.memory_space<vmem>>, %arg16: memref<2x128xf32, #tpu.memory_space<vmem>>, %arg17: memref<1000x2xf32, #tpu.memory_space<vmem>>, %arg18: memref<1000x1xf32, #tpu.memory_space<vmem>>) attributes {dimension_semantics = [#tpu.dimension_semantics<arbitrary>], iteration_bounds = array<i64: 10>, scalar_prefetch = 0 : i64, scratch_operands = 0 : i64, tpu.core_type = #tpu.core_type<tc>, window_params = [{transform_indices = @transform_0, window_bounds = array<i64: 1000, 128>}, {transform_indices = @transform_1, window_bounds = array<i64: 1, 1000, 128>}, {transform_indices = @transform_2, window_bounds = array<i64: 1, 1000, 128>}, {transform_indices = @transform_3, window_bounds = array<i64: 1000, 32>}, {transform_indices = @transform_4, window_bounds = array<i64: 1000, 32>}, {pipeline_mode = #tpu.pipeline_mode<synchronous>, transform_indices = @transform_5, window_bounds = array<i64: 128, 128>}, {pipeline_mode = #tpu.pipeline_mode<synchronous>, transform_indices = @transform_6, window_bounds = array<i64: 1, 128>}, {pipeline_mode = #tpu.pipeline_mode<synchronous>, transform_indices = @transform_7, window_bounds = array<i64: 1, 128>}, {pipeline_mode = #tpu.pipeline_mode<synchronous>, transform_indices = @transform_8, window_bounds = array<i64: 1, 128>}, {pipeline_mode = #tpu.pipeline_mode<synchronous>, transform_indices = @transform_9, window_bounds = array<i64: 1, 128>}, {pipeline_mode = #tpu.pipeline_mode<synchronous>, transform_indices = @transform_10, window_bounds = array<i64: 1, 128>}, {pipeline_mode = #tpu.pipeline_mode<synchronous>, transform_indices = @transform_11, window_bounds = array<i64: 1, 2>}, {pipeline_mode = #tpu.pipeline_mode<synchronous>, transform_indices = @transform_12, window_bounds = array<i64: 128, 128>}, {pipeline_mode = #tpu.pipeline_mode<synchronous>, transform_indices = @transform_13, window_bounds = array<i64: 64, 128>}, {pipeline_mode = #tpu.pipeline_mode<synchronous>, transform_indices = @transform_14, window_bounds = array<i64: 64, 128>}, {pipeline_mode = #tpu.pipeline_mode<synchronous>, transform_indices = @transform_15, window_bounds = array<i64: 2, 128>}, {transform_indices = @transform_16, window_bounds = array<i64: 1000, 2>}, {transform_indices = @transform_17, window_bounds = array<i64: 1000, 1>}]} {
    %get3A = arith.constant 0 : index
    %get3A_0 = arith.constant 0 : index
    %get3A_1 = vector.load %arg7[%get3A, %get3A_0] : memref<1x128xf32, #tpu.memory_space<vmem>>, vector<1x128xf32>
    %logistic3A = arith.negf %get3A_1 : vector<1x128xf32>
    %logistic3A_2 = math.exp %logistic3A : vector<1x128xf32>
    %logistic3A_3 = arith.constant 1.000000e+00 : f32
    %logistic3A_4 = vector.broadcast %logistic3A_3 : f32 to vector<1x128xf32>
    %logistic3A_5 = arith.addf %logistic3A_4, %logistic3A_2 : vector<1x128xf32>
    %logistic3A_6 = arith.divf %logistic3A_4, %logistic3A_5 : vector<1x128xf32>
    %get3A_7 = arith.constant 0 : index
    %get3A_8 = arith.constant 0 : index
    %get3A_9 = vector.load %arg1[%get3A_7, %get3A_8] : memref<1000x128xf32, #tpu.memory_space<vmem>>, vector<1000x128xf32>
    %mul3A = vector.broadcast %logistic3A_6 : vector<1x128xf32> to vector<1000x128xf32>
    %mul3A_10 = arith.mulf %get3A_9, %mul3A : vector<1000x128xf32>
    %get3A_11 = arith.constant 0 : index
    %get3A_12 = arith.constant 0 : index
    %get3A_13 = vector.load %arg4[%get3A_11, %get3A_12] : memref<1000x32xf32, #tpu.memory_space<vmem>>, vector<1000x32xf32>
    %reduce_sum3A = arith.constant dense<0.000000e+00> : vector<1000xf32>
    %reduce_sum3A_14 = vector.multi_reduction <add>, %get3A_13, %reduce_sum3A [1] : vector<1000x32xf32> to vector<1000xf32>
    %broadcast_in_dim3A = vector.shape_cast %reduce_sum3A_14 : vector<1000xf32> to vector<1000x1xf32>
    %get3A_15 = arith.constant 0 : index
    %get3A_16 = arith.constant 0 : index
    %get3A_17 = vector.load %arg5[%get3A_15, %get3A_16] : memref<1000x32xf32, #tpu.memory_space<vmem>>, vector<1000x32xf32>
    %reduce_sum3A_18 = arith.constant dense<0.000000e+00> : vector<1000xf32>
    %reduce_sum3A_19 = vector.multi_reduction <add>, %get3A_17, %reduce_sum3A_18 [1] : vector<1000x32xf32> to vector<1000xf32>
    %broadcast_in_dim3A_20 = vector.shape_cast %reduce_sum3A_19 : vector<1000xf32> to vector<1000x1xf32>
    %iota3A = tpu.iota {dimensions = array<i32: 0>} : vector<1000x1xi32>
    %mul3A_21 = arith.constant 1000 : i32
    %mul3A_22 = arith.muli %arg0, %mul3A_21 : i32
    %add3A = vector.broadcast %mul3A_22 : i32 to vector<1000x1xi32>
    %add3A_23 = arith.addi %iota3A, %add3A : vector<1000x1xi32>
    %eq3A = arith.constant 0 : i32
    %eq3A_24 = vector.broadcast %eq3A : i32 to vector<1000x1xi32>
    %eq3A_25 = arith.cmpi eq, %add3A_23, %eq3A_24 : vector<1000x1xi32>
    %jit3A = arith.constant 7.680000e+03 : f32
    %jit3A_26 = arith.constant 0.000000e+00 : f32
    %broadcast_in_dim3A_27 = vector.broadcast %jit3A : f32 to vector<1000x1xf32>
    %broadcast_in_dim3A_28 = vector.broadcast %jit3A_26 : f32 to vector<1000x1xf32>
    %select_n3A = arith.select %eq3A_25, %broadcast_in_dim3A_27, %broadcast_in_dim3A_28 : vector<1000x1xi1>, vector<1000x1xf32>
    %sub3A = arith.subf %broadcast_in_dim3A_20, %select_n3A : vector<1000x1xf32>
    %get3A_29 = arith.constant 0 : index
    %get3A_30 = arith.constant 0 : index
    %get3A_31 = arith.constant 0 : index
    %get3A_32 = vector.load %arg2[%get3A_29, %get3A_30, %get3A_31] : memref<1x1000x128xf32, #tpu.memory_space<vmem>>, vector<1x1000x128xf32>
    %get3A_33 = vector.shape_cast %get3A_32 : vector<1x1000x128xf32> to vector<1000x128xf32>
    %get3A_34 = arith.constant 0 : index
    %get3A_35 = arith.constant 0 : index
    %get3A_36 = arith.constant 0 : index
    %get3A_37 = vector.load %arg3[%get3A_34, %get3A_35, %get3A_36] : memref<1x1000x128xf32, #tpu.memory_space<vmem>>, vector<1x1000x128xf32>
    %get3A_38 = vector.shape_cast %get3A_37 : vector<1x1000x128xf32> to vector<1000x128xf32>
    %add3A_39 = arith.addf %get3A_33, %get3A_38 : vector<1000x128xf32>
    %get3A_40 = arith.constant 0 : index
    %get3A_41 = arith.constant 0 : index
    %get3A_42 = vector.load %arg6[%get3A_40, %get3A_41] : memref<128x128xf32, #tpu.memory_space<vmem>>, vector<128x128xf32>
    %dot_general3A = arith.constant dense<0.000000e+00> : vector<1000x128xf32>
    %dot_general3A_43 = tpu.matmul %add3A_39, %get3A_42, %dot_general3A {dimension_numbers = #tpu.dot_dimension_numbers<[1], [0], [0], [1], [0, 0, 1, 1], [], []>, transpose_lhs_hint = false} : vector<1000x128xf32>, vector<128x128xf32>, vector<1000x128xf32> -> vector<1000x128xf32>
    %mul3A_44 = vector.broadcast %logistic3A_6 : vector<1x128xf32> to vector<1000x128xf32>
    %mul3A_45 = arith.mulf %dot_general3A_43, %mul3A_44 : vector<1000x128xf32>
    %max3A = arith.constant 1.000000e+00 : f32
    %max3A_46 = vector.broadcast %max3A : f32 to vector<1000x1xf32>
    %max3A_47 = arith.maximumf %broadcast_in_dim3A, %max3A_46 : vector<1000x1xf32>
    %div3A = vector.broadcast %max3A_47 : vector<1000x1xf32> to vector<1000x128xf32>
    %div3A_48 = arith.divf %mul3A_45, %div3A : vector<1000x128xf32>
    %mul3A_49 = arith.mulf %mul3A_10, %mul3A_10 : vector<1000x128xf32>
    %reduce_sum3A_50 = arith.constant dense<0.000000e+00> : vector<1000xf32>
    %reduce_sum3A_51 = vector.multi_reduction <add>, %mul3A_49, %reduce_sum3A_50 [1] : vector<1000x128xf32> to vector<1000xf32>
    %broadcast_in_dim3A_52 = vector.shape_cast %reduce_sum3A_51 : vector<1000xf32> to vector<1000x1xf32>
    %max3A_53 = arith.constant 1.000000e-24 : f32
    %max3A_54 = vector.broadcast %max3A_53 : f32 to vector<1000x1xf32>
    %max3A_55 = arith.maximumf %broadcast_in_dim3A_52, %max3A_54 : vector<1000x1xf32>
    %rsqrt3A = math.rsqrt %max3A_55 : vector<1000x1xf32>
    %mul3A_56 = vector.broadcast %rsqrt3A : vector<1000x1xf32> to vector<1000x128xf32>
    %mul3A_57 = arith.mulf %mul3A_10, %mul3A_56 : vector<1000x128xf32>
    %mul3A_58 = arith.mulf %div3A_48, %div3A_48 : vector<1000x128xf32>
    %reduce_sum3A_59 = arith.constant dense<0.000000e+00> : vector<1000xf32>
    %reduce_sum3A_60 = vector.multi_reduction <add>, %mul3A_58, %reduce_sum3A_59 [1] : vector<1000x128xf32> to vector<1000xf32>
    %broadcast_in_dim3A_61 = vector.shape_cast %reduce_sum3A_60 : vector<1000xf32> to vector<1000x1xf32>
    %max3A_62 = arith.constant 1.000000e-24 : f32
    %max3A_63 = vector.broadcast %max3A_62 : f32 to vector<1000x1xf32>
    %max3A_64 = arith.maximumf %broadcast_in_dim3A_61, %max3A_63 : vector<1000x1xf32>
    %rsqrt3A_65 = math.rsqrt %max3A_64 : vector<1000x1xf32>
    %mul3A_66 = vector.broadcast %rsqrt3A_65 : vector<1000x1xf32> to vector<1000x128xf32>
    %mul3A_67 = arith.mulf %div3A_48, %mul3A_66 : vector<1000x128xf32>
    %mul3A_68 = arith.mulf %mul3A_57, %mul3A_67 : vector<1000x128xf32>
    %reduce_sum3A_69 = arith.constant dense<0.000000e+00> : vector<1000xf32>
    %reduce_sum3A_70 = vector.multi_reduction <add>, %mul3A_68, %reduce_sum3A_69 [1] : vector<1000x128xf32> to vector<1000xf32>
    %broadcast_in_dim3A_71 = vector.shape_cast %reduce_sum3A_70 : vector<1000xf32> to vector<1000x1xf32>
    %sub3A_72 = arith.constant 1.000000e+00 : f32
    %sub3A_73 = vector.broadcast %sub3A_72 : f32 to vector<1000x1xf32>
    %sub3A_74 = arith.subf %sub3A_73, %broadcast_in_dim3A_71 : vector<1000x1xf32>
    %mul3A_75 = arith.mulf %broadcast_in_dim3A, %sub3A_74 : vector<1000x1xf32>
    %mul3A_76 = arith.constant 1.000000e-01 : f32
    %mul3A_77 = vector.broadcast %mul3A_76 : f32 to vector<1000x1xf32>
    %mul3A_78 = arith.mulf %mul3A_75, %mul3A_77 : vector<1000x1xf32>
    %sub3A_79 = arith.constant 5.000000e-01 : f32
    %sub3A_80 = vector.broadcast %sub3A_79 : f32 to vector<1000x1xf32>
    %sub3A_81 = arith.subf %mul3A_78, %sub3A_80 : vector<1000x1xf32>
    %logistic3A_82 = arith.negf %sub3A_81 : vector<1000x1xf32>
    %logistic3A_83 = math.exp %logistic3A_82 : vector<1000x1xf32>
    %logistic3A_84 = arith.constant 1.000000e+00 : f32
    %logistic3A_85 = vector.broadcast %logistic3A_84 : f32 to vector<1000x1xf32>
    %logistic3A_86 = arith.addf %logistic3A_85, %logistic3A_83 : vector<1000x1xf32>
    %logistic3A_87 = arith.divf %logistic3A_85, %logistic3A_86 : vector<1000x1xf32>
    %get3A_88 = arith.constant 0 : index
    %get3A_89 = arith.constant 0 : index
    %get3A_90 = vector.load %arg12[%get3A_88, %get3A_89] : memref<1x2xf32, #tpu.memory_space<vmem>>, vector<1x1xf32>
    %get3A_91 = vector.extract %get3A_90[0, 0] : f32 from vector<1x1xf32>
    %mul3A_92 = vector.broadcast %get3A_91 : f32 to vector<1000x1xf32>
    %mul3A_93 = arith.mulf %mul3A_92, %logistic3A_87 : vector<1000x1xf32>
    %get3A_94 = arith.constant 0 : index
    %get3A_95 = arith.constant 1 : index
    %get3A_96 = vector.load %arg12[%get3A_94, %get3A_95] : memref<1x2xf32, #tpu.memory_space<vmem>>, vector<1x1xf32>
    %get3A_97 = vector.extract %get3A_96[0, 0] : f32 from vector<1x1xf32>
    %add3A_98 = vector.broadcast %get3A_97 : f32 to vector<1000x1xf32>
    %add3A_99 = arith.addf %mul3A_93, %add3A_98 : vector<1000x1xf32>
    %logistic3A_100 = arith.negf %add3A_99 : vector<1000x1xf32>
    %logistic3A_101 = math.exp %logistic3A_100 : vector<1000x1xf32>
    %logistic3A_102 = arith.constant 1.000000e+00 : f32
    %logistic3A_103 = vector.broadcast %logistic3A_102 : f32 to vector<1000x1xf32>
    %logistic3A_104 = arith.addf %logistic3A_103, %logistic3A_101 : vector<1000x1xf32>
    %logistic3A_105 = arith.divf %logistic3A_103, %logistic3A_104 : vector<1000x1xf32>
    %add3A_106 = arith.addf %mul3A_10, %div3A_48 : vector<1000x128xf32>
    %get3A_107 = arith.constant 0 : index
    %get3A_108 = arith.constant 0 : index
    %get3A_109 = vector.load %arg13[%get3A_107, %get3A_108] : memref<128x128xf32, #tpu.memory_space<vmem>>, vector<128x128xf32>
    %dot_general3A_110 = arith.constant dense<0.000000e+00> : vector<1000x128xf32>
    %dot_general3A_111 = tpu.matmul %add3A_106, %get3A_109, %dot_general3A_110 {dimension_numbers = #tpu.dot_dimension_numbers<[1], [1], [0], [0], [0, 0, 1, 0], [], []>, transpose_lhs_hint = false} : vector<1000x128xf32>, vector<128x128xf32>, vector<1000x128xf32> -> vector<1000x128xf32>
    %mul3A_112 = arith.constant 5.000000e-01 : f32
    %mul3A_113 = vector.broadcast %mul3A_112 : f32 to vector<1000x128xf32>
    %mul3A_114 = arith.mulf %mul3A_113, %dot_general3A_111 : vector<1000x128xf32>
    %get3A_115 = arith.constant 0 : index
    %get3A_116 = arith.constant 0 : index
    %get3A_117 = vector.load %arg8[%get3A_115, %get3A_116] : memref<1x128xf32, #tpu.memory_space<vmem>>, vector<1x128xf32>
    %add3A_118 = vector.broadcast %get3A_117 : vector<1x128xf32> to vector<1000x128xf32>
    %add3A_119 = arith.addf %mul3A_114, %add3A_118 : vector<1000x128xf32>
    %get3A_120 = arith.constant 0 : index
    %get3A_121 = arith.constant 0 : index
    %get3A_122 = vector.load %arg14[%get3A_120, %get3A_121] : memref<64x128xf32, #tpu.memory_space<vmem>>, vector<64x128xf32>
    %dot_general3A_123 = arith.constant dense<0.000000e+00> : vector<1000x64xf32>
    %dot_general3A_124 = tpu.matmul %mul3A_10, %get3A_122, %dot_general3A_123 {dimension_numbers = #tpu.dot_dimension_numbers<[1], [1], [0], [0], [0, 0, 1, 0], [], []>, transpose_lhs_hint = false} : vector<1000x128xf32>, vector<64x128xf32>, vector<1000x64xf32> -> vector<1000x64xf32>
    %get3A_125 = arith.constant 0 : index
    %get3A_126 = arith.constant 0 : index
    %get3A_127 = vector.load %arg15[%get3A_125, %get3A_126] : memref<64x128xf32, #tpu.memory_space<vmem>>, vector<64x128xf32>
    %dot_general3A_128 = arith.constant dense<0.000000e+00> : vector<1000x64xf32>
    %dot_general3A_129 = tpu.matmul %div3A_48, %get3A_127, %dot_general3A_128 {dimension_numbers = #tpu.dot_dimension_numbers<[1], [1], [0], [0], [0, 0, 1, 0], [], []>, transpose_lhs_hint = false} : vector<1000x128xf32>, vector<64x128xf32>, vector<1000x64xf32> -> vector<1000x64xf32>
    %concatenate3A = tpu.concatenate %dot_general3A_124, %dot_general3A_129 in 1 : vector<1000x64xf32>, vector<1000x64xf32> -> vector<1000x128xf32>
    %get3A_130 = arith.constant 0 : index
    %get3A_131 = arith.constant 0 : index
    %get3A_132 = vector.load %arg9[%get3A_130, %get3A_131] : memref<1x128xf32, #tpu.memory_space<vmem>>, vector<1x128xf32>
    %add3A_133 = vector.broadcast %get3A_132 : vector<1x128xf32> to vector<1000x128xf32>
    %add3A_134 = arith.addf %concatenate3A, %add3A_133 : vector<1000x128xf32>
    %sub3A_135 = arith.subf %add3A_134, %add3A_119 : vector<1000x128xf32>
    %mul3A_136 = vector.broadcast %logistic3A_105 : vector<1000x1xf32> to vector<1000x128xf32>
    %mul3A_137 = arith.mulf %mul3A_136, %sub3A_135 : vector<1000x128xf32>
    %add3A_138 = arith.addf %add3A_119, %mul3A_137 : vector<1000x128xf32>
    %get3A_139 = arith.constant 0 : index
    %get3A_140 = arith.constant 0 : index
    %get3A_141 = vector.load %arg10[%get3A_139, %get3A_140] : memref<1x128xf32, #tpu.memory_space<vmem>>, vector<1x128xf32>
    %sqrt3A = arith.constant 1.000010e+00 : f32
    %sqrt3A_142 = math.sqrt %sqrt3A : f32
    %div3A_143 = arith.constant 1.000000e+00 : f32
    %div3A_144 = arith.divf %div3A_143, %sqrt3A_142 : f32
    %mul3A_145 = vector.broadcast %div3A_144 : f32 to vector<1x128xf32>
    %mul3A_146 = arith.mulf %get3A_141, %mul3A_145 : vector<1x128xf32>
    %mul3A_147 = vector.broadcast %mul3A_146 : vector<1x128xf32> to vector<1000x128xf32>
    %mul3A_148 = arith.mulf %add3A_138, %mul3A_147 : vector<1000x128xf32>
    %get3A_149 = arith.constant 0 : index
    %get3A_150 = arith.constant 0 : index
    %get3A_151 = vector.load %arg11[%get3A_149, %get3A_150] : memref<1x128xf32, #tpu.memory_space<vmem>>, vector<1x128xf32>
    %add3A_152 = vector.broadcast %get3A_151 : vector<1x128xf32> to vector<1000x128xf32>
    %add3A_153 = arith.addf %mul3A_148, %add3A_152 : vector<1000x128xf32>
    %max3A_154 = arith.constant 0.000000e+00 : f32
    %max3A_155 = vector.broadcast %max3A_154 : f32 to vector<1000x128xf32>
    %max3A_156 = arith.maximumf %add3A_153, %max3A_155 : vector<1000x128xf32>
    %get3A_157 = arith.constant 0 : index
    %get3A_158 = arith.constant 0 : index
    %get3A_159 = vector.load %arg16[%get3A_157, %get3A_158] : memref<2x128xf32, #tpu.memory_space<vmem>>, vector<2x128xf32>
    %dot_general3A_160 = arith.constant dense<0.000000e+00> : vector<1000x2xf32>
    %dot_general3A_161 = tpu.matmul %max3A_156, %get3A_159, %dot_general3A_160 {dimension_numbers = #tpu.dot_dimension_numbers<[1], [1], [0], [0], [0, 0, 1, 0], [], []>, transpose_lhs_hint = false} : vector<1000x128xf32>, vector<2x128xf32>, vector<1000x2xf32> -> vector<1000x2xf32>
    %add3A_162 = arith.constant 1.000000e+00 : f32
    %add3A_163 = vector.broadcast %add3A_162 : f32 to vector<1000x1xf32>
    %add3A_164 = arith.addf %sub3A, %add3A_163 : vector<1000x1xf32>
    %rsqrt3A_165 = math.rsqrt %add3A_164 : vector<1000x1xf32>
    %mul3A_166 = vector.broadcast %rsqrt3A_165 : vector<1000x1xf32> to vector<1000x2xf32>
    %mul3A_167 = arith.mulf %mul3A_166, %dot_general3A_161 : vector<1000x2xf32>
    %swap3A = arith.constant 0 : index
    %swap3A_168 = arith.constant 0 : index
    %swap3A_169 = vector.load %arg17[%swap3A, %swap3A_168] : memref<1000x2xf32, #tpu.memory_space<vmem>>, vector<1000x2xf32>
    tpu.vector_store %arg17[%swap3A, %swap3A_168], %mul3A_167 {strides = array<i32>} : memref<1000x2xf32, #tpu.memory_space<vmem>>, vector<1000x2xf32>,
    %swap3A_170 = arith.constant 0 : index
    %swap3A_171 = arith.constant 0 : index
    %swap3A_172 = vector.load %arg18[%swap3A_170, %swap3A_171] : memref<1000x1xf32, #tpu.memory_space<vmem>>, vector<1000x1xf32>
    tpu.vector_store %arg18[%swap3A_170, %swap3A_171], %rsqrt3A_165 {strides = array<i32>} : memref<1000x1xf32, #tpu.memory_space<vmem>>, vector<1000x1xf32>,
    return
  }
  func.func @transform_0(%arg0: i32) -> (i32, i32) {
    %c0_i32 = arith.constant 0 : i32
    %c0_i32_0 = arith.constant 0 : i32
    return %arg0, %c0_i32 : i32, i32
  }
  func.func @transform_1(%arg0: i32) -> (i32, i32, i32) {
    %c0_i32 = arith.constant 0 : i32
    %c0_i32_0 = arith.constant 0 : i32
    %c0_i32_1 = arith.constant 0 : i32
    return %c0_i32, %arg0, %c0_i32_0 : i32, i32, i32
  }
  func.func @transform_2(%arg0: i32) -> (i32, i32, i32) {
    %c1_i32 = arith.constant 1 : i32
    %c0_i32 = arith.constant 0 : i32
    %c0_i32_0 = arith.constant 0 : i32
    return %c1_i32, %arg0, %c0_i32 : i32, i32, i32
  }
  func.func @transform_3(%arg0: i32) -> (i32, i32) {
    %c0_i32 = arith.constant 0 : i32
    %c0_i32_0 = arith.constant 0 : i32
    return %arg0, %c0_i32 : i32, i32
  }
  func.func @transform_4(%arg0: i32) -> (i32, i32) {
    %c0_i32 = arith.constant 0 : i32
    %c0_i32_0 = arith.constant 0 : i32
    return %arg0, %c0_i32 : i32, i32
  }
  func.func @transform_5(%arg0: i32) -> (i32, i32) {
    %c0_i32 = arith.constant 0 : i32
    %c0_i32_0 = arith.constant 0 : i32
    %c0_i32_1 = arith.constant 0 : i32
    return %c0_i32, %c0_i32_0 : i32, i32
  }
  func.func @transform_6(%arg0: i32) -> (i32, i32) {
    %c0_i32 = arith.constant 0 : i32
    %c0_i32_0 = arith.constant 0 : i32
    %c0_i32_1 = arith.constant 0 : i32
    return %c0_i32, %c0_i32_0 : i32, i32
  }
  func.func @transform_7(%arg0: i32) -> (i32, i32) {
    %c0_i32 = arith.constant 0 : i32
    %c0_i32_0 = arith.constant 0 : i32
    %c0_i32_1 = arith.constant 0 : i32
    return %c0_i32, %c0_i32_0 : i32, i32
  }
  func.func @transform_8(%arg0: i32) -> (i32, i32) {
    %c0_i32 = arith.constant 0 : i32
    %c0_i32_0 = arith.constant 0 : i32
    %c0_i32_1 = arith.constant 0 : i32
    return %c0_i32, %c0_i32_0 : i32, i32
  }
  func.func @transform_9(%arg0: i32) -> (i32, i32) {
    %c0_i32 = arith.constant 0 : i32
    %c0_i32_0 = arith.constant 0 : i32
    %c0_i32_1 = arith.constant 0 : i32
    return %c0_i32, %c0_i32_0 : i32, i32
  }
  func.func @transform_10(%arg0: i32) -> (i32, i32) {
    %c0_i32 = arith.constant 0 : i32
    %c0_i32_0 = arith.constant 0 : i32
    %c0_i32_1 = arith.constant 0 : i32
    return %c0_i32, %c0_i32_0 : i32, i32
  }
  func.func @transform_11(%arg0: i32) -> (i32, i32) {
    %c0_i32 = arith.constant 0 : i32
    %c0_i32_0 = arith.constant 0 : i32
    %c0_i32_1 = arith.constant 0 : i32
    return %c0_i32, %c0_i32_0 : i32, i32
  }
  func.func @transform_12(%arg0: i32) -> (i32, i32) {
    %c0_i32 = arith.constant 0 : i32
    %c0_i32_0 = arith.constant 0 : i32
    %c0_i32_1 = arith.constant 0 : i32
    return %c0_i32, %c0_i32_0 : i32, i32
  }
  func.func @transform_13(%arg0: i32) -> (i32, i32) {
    %c0_i32 = arith.constant 0 : i32
    %c0_i32_0 = arith.constant 0 : i32
    %c0_i32_1 = arith.constant 0 : i32
    return %c0_i32, %c0_i32_0 : i32, i32
  }
  func.func @transform_14(%arg0: i32) -> (i32, i32) {
    %c0_i32 = arith.constant 0 : i32
    %c0_i32_0 = arith.constant 0 : i32
    %c0_i32_1 = arith.constant 0 : i32
    return %c0_i32, %c0_i32_0 : i32, i32
  }
  func.func @transform_15(%arg0: i32) -> (i32, i32) {
    %c0_i32 = arith.constant 0 : i32
    %c0_i32_0 = arith.constant 0 : i32
    %c0_i32_1 = arith.constant 0 : i32
    return %c0_i32, %c0_i32_0 : i32, i32
  }
  func.func @transform_16(%arg0: i32) -> (i32, i32) {
    %c0_i32 = arith.constant 0 : i32
    %c0_i32_0 = arith.constant 0 : i32
    return %arg0, %c0_i32 : i32, i32
  }
  func.func @transform_17(%arg0: i32) -> (i32, i32) {
    %c0_i32 = arith.constant 0 : i32
    %c0_i32_0 = arith.constant 0 : i32
    return %arg0, %c0_i32 : i32, i32
  }
}

</mosaic_0001>

<sc_bundles>
// kernel: kernel.5.cloned.1.call-start
scs
__scs_entry_jumppad:
0x0: {  	(pc) =	sbr.rel $0x88, $3  }
0x1: {  	(tag) =	ssettag $0x0;
	lr =	simm.s32 $0x1  }
0x2: {  	[smem:$0x3F92] =	sst lr;
	_ =	strace $0xD0000000  }
0x3: {  	_ = 	snop  }
0x4: {  	_ = 	snop  }
0x5: {  	_ = 	snop  }
0x6: {  	_ = 	snop  }
0x7: {  	_ = 	snop  }
__scs_overlays_trampoline_lowered:
0x8: {  	[smem:$0x3FA1] =	sst s0  }
0x9: {  	[smem:$0x3FA2] =	sst s1  }
0xa: {  	[smem:$0x3FA3] =	sst s2  }
0xb: {  	[smem:$0x3FA4] =	sst s3  }
0xc: {  	[smem:$0x3FA5] =	sst s4  }
0xd: {  	[smem:$0x3FA6] =	sst s5  }
0xe: {  	[smem:$0x3FA7] =	sst s6  }
0xf: {  	[smem:$0x3FA8] =	sst s7  }
0x10: {  	[smem:$0x3FA9] =	sst s8  }
0x11: {  	[smem:$0x3FAA] =	sst s9;
	s0 =	simm.s32 @!p0 $0x0  }
0x12: {  	s1 =	sld [smem:$0x3F90];
	s0 =	simm.s32 @p0 $0x1  }
0x13: {  	[smem:$0x3FAB] =	sst s0;
	s0 =	simm.s32 @!p1 $0x0  }
0x14: {  	s2 =	sld [smem:$0x3F8F];
	s0 =	simm.s32 @p1 $0x1  }
0x15: {  	[smem:$0x3FAC] =	sst s0;
	s0 =	simm.s32 @!p2 $0x0  }
0x16: {  	s3 =	sld [smem:$0x3FDB];
	s0 =	simm.s32 @p2 $0x1  }
0x17: {  	s4 =	simm.s32 $0x1BF5;
	[smem:$0x3FAE] =	sst s0  }
0x18: {  	s0 =	sld [smem:$0x3F91];
	_ =	swait.ge [sflag:s4], $0x0  }
0x19: {  	s7 =	sld [smem:$0x3F92]  }
0x1a: {  	s8 =	sadd.s32 $0xFFFFE003, lr  }
0x1b: {  	s9 =	sadd.s32 $0xFFFFFEF7, lr;
	s5 =	simm.s32 $0xFFFFFFFF;
	p2 =	slt.u32 s8, $0xFFFFF086  }
0x1c: {  	p1 =	slt.u32 s9, $0xF7A;
	s5 =	simm.s32 @!p2 $0x0  }
0x1d: {  	s5 =	simm.s32 @p1 $0x1;
	p0 =	seq.s32 s7, s2  }
0x1e: {  	s7 =	smul.u32 @!p0 $0xF7A, s2;
	p2 =	seq.s32 @!p0 s5, $0x0  }
0x1f: {  	s9 =	smul.u32 $0xF7A, s1;
	s8 =	simm.s32 @!p0 $0x1BF5;
	p2 =	por !p2, p0  }
0x20: {  	[sflag:s8] =	ssyncset.s32 @!p0 $0xFFFFF086;
	s6 =	sadd.s32 @!p0 s3, s7;
	s7 =	simm.s32 @!p0 $0x108  }
0x21: {  	s3 =	sadd.s32 s3, s9;
	s6 =	sadd.s32 @!p0 $0x88, s6;
	s7 =	simm.s32 @p2 $0x1082  }
0x22: {  	[simem:s7], [sflag:s8] =	dma.local @!p0 [hbm:s6], $0xF7A  }
0x23: {  	s9 =	sor.u32 $0xD0000000, s2;
	s6 =	simm.s32 $0x108;
	_ =	swait.ge @!p0 [sflag:s8], $0x0  }
0x24: {  	s3 =	sadd.s32 $0x88, s3;
	s6 =	simm.s32 @!p1 $0x1082;
	[sflag:s4] =	ssyncset.s32 $0xFFFFF086  }
0x25: {  	[simem:s6], [sflag:s4] =	dma.local [hbm:s3], $0xF7A  }
0x26: {  	[smem:$0x3F92] =	sst s1;
	(tag) =	ssettag s2;
	_ =	strace s9  }
0x27: {  	s1 =	sld [smem:$0x3FA2]  }
0x28: {  	s2 =	sld [smem:$0x3FA3]  }
0x29: {  	s4 =	sld [smem:$0x3FA5]  }
0x2a: {  	p0 =	seq.s32 s5, $0x0;
	s5 =	sld [smem:$0x3FA6]  }
0x2b: {  	s6 =	sld [smem:$0x3FA7]  }
0x2c: {  	s7 =	sld [smem:$0x3FA8]  }
0x2d: {  	s3 =	simm.s32 $0x108;
	s8 =	sld [smem:$0x3FA9]  }
0x2e: {  	s3 =	simm.s32 @!p0 $0x1082;
	s9 =	sld [smem:$0x3FAA]  }
0x2f: {  	lr =	sadd.s32 s0, s3;
	s0 =	sld [smem:$0x3FA1]  }
0x30: {  	s3 =	sld [smem:$0x3FA4]  }
0x31: {  	[smem:$0x3FAD] =	sst s10  }
0x32: {  	s10 =	sld [smem:$0x3FAB];
	_ =	sdelay $0x3  }
0x33: {  	p0 =	seq.s32 s10, $0x1;
	s10 =	sld [smem:$0x3FAD];
	_ =	sdelay $0x3  }
0x34: {  	[smem:$0x3FAD] =	sst s10  }
0x35: {  	s10 =	sld [smem:$0x3FAC];
	_ =	sdelay $0x3  }
0x36: {  	p1 =	seq.s32 s10, $0x1;
	s10 =	sld [smem:$0x3FAD];
	_ =	sdelay $0x3  }
0x37: {  	[smem:$0x3FAD] =	sst s10  }
0x38: {  	s10 =	sld [smem:$0x3FAE]  }
0x39: {  	_ = 	snop;
	(pc) =	sbr.ind lr, $3  }
0x3a: {  	_ = 	snop  }
0x3b: {  	_ = 	snop  }
0x3c: {  	p2 =	seq.s32 s10, $0x1;
	s10 =	sld [smem:$0x3FAD]  }
0x3d: {  	_ =	shalt  }
0x3e: {  	_ =	shalt  }
0x3f: {  	_ =	shalt  }
0x40: {  	_ =	shalt  }
0x41: {  	_ =	shalt  }
0x42: {  	_ =	shalt  }
0x43: {  	_ =	shalt  }
0x44: {  	_ =	shalt  }
0x45: {  	_ =	shalt  }
0x46: {  	_ =	shalt  }
0x47: {  	_ =	shalt  }
0x48: {  	_ =	shalt  }
0x49: {  	_ =	shalt  }
0x4a: {  	_ =	shalt  }
0x4b: {  	_ =	shalt  }
0x4c: {  	_ =	shalt  }
0x4d: {  	_ =	shalt  }
0x4e: {  	_ =	shalt  }
0x4f: {  	_ =	shalt  }
0x50: {  	_ =	shalt  }
0x51: {  	_ =	shalt  }
0x52: {  	_ =	shalt  }
0x53: {  	_ =	shalt  }
0x54: {  	_ =	shalt  }
0x55: {  	_ =	shalt  }
0x56: {  	_ =	shalt  }
0x57: {  	_ =	shalt  }
0x58: {  	_ =	shalt  }
0x59: {  	_ =	shalt  }
0x5a: {  	_ =	shalt  }
0x5b: {  	_ =	shalt  }
0x5c: {  	_ =	shalt  }
0x5d: {  	_ =	shalt  }
0x5e: {  	_ =	shalt  }
0x5f: {  	_ =	shalt  }
0x60: {  	_ =	shalt  }
0x61: {  	_ =	shalt  }
0x62: {  	_ =	shalt  }
0x63: {  	_ =	shalt  }
0x64: {  	_ =	shalt  }
0x65: {  	_ =	shalt  }
0x66: {  	_ =	shalt  }
0x67: {  	_ =	shalt  }
0x68: {  	_ =	shalt  }
0x69: {  	_ =	shalt  }
0x6a: {  	_ =	shalt  }
0x6b: {  	_ =	shalt  }
0x6c: {  	_ =	shalt  }
0x6d: {  	_ =	shalt  }
0x6e: {  	_ =	shalt  }
0x6f: {  	_ =	shalt  }
0x70: {  	_ =	shalt  }
0x71: {  	_ =	shalt  }
0x72: {  	_ =	shalt  }
0x73: {  	_ =	shalt  }
0x74: {  	_ =	shalt  }
0x75: {  	_ =	shalt  }
0x76: {  	_ =	shalt  }
0x77: {  	_ =	shalt  }
0x78: {  	_ =	shalt  }
0x79: {  	_ =	shalt  }
0x7a: {  	_ =	shalt  }
0x7b: {  	_ =	shalt  }
0x7c: {  	_ =	shalt  }
0x7d: {  	_ =	shalt  }
0x7e: {  	_ =	shalt  }
0x7f: {  	_ =	shalt  }
0x80: {  	_ =	shalt  }
0x81: {  	_ =	shalt  }
0x82: {  	_ =	shalt  }
0x83: {  	_ =	shalt  }
0x84: {  	_ =	shalt  }
0x85: {  	_ =	shalt  }
0x86: {  	_ =	shalt  }
0x87: {  	_ =	shalt  }
.Lfunc_end0:
.L_simem_size_0:
called_computation_lowered:
.L_overlay_start_0:
0x88: {  	s2 =	sld [smem:$0x3FD9]  }
0x89: {  	s3 =	sld [smem:$0x3FFE];
	_ =	sdelay $0x1  }
0x8a: {  	s1 =	srdreg.scid  }
0x8b: {  	s0 =	sand.u32 $0x1, s1  }
0x8c: {  	s16 =	sshll.u32 s0, $0xA;
	s2 =	sadd.s32 s3, s2  }
0x8d: {  	s2 =	sadd.s32 s2, s16  }
0x8e: {  	[smem:$0x3FB9] =	sst s2  }
0x8f: {  	_ = 	snop  }
0x90: {  	(tm) =	ssettm $0x1  }
0x91: {  	s17 =	sld [smem:$0x3FFB];
	_ =	sdelay $0x3  }
0x92: {  	_ =	strace s17  }
0x93: {  	s2 =	sld [smem:$0x3FFC];
	_ =	sdelay $0x3  }
0x94: {  	_ =	strace s2  }
0x95: {  	s2 =	sld [smem:$0x3FFD];
	_ =	sdelay $0x3  }
0x96: {  	_ =	strace s2  }
0x97: {  	_ =	strace $0x8FFFFFFF  }
0x98: {  	s18 =	sld [smem:$0x3FDB];
	_ =	sdelay $0x1  }
0x99: {  	s19 =	simm.s32 $_scs_section_size  }
0x9a: {  	s4 =	simm.s32 $_size__tile_overlayer_lowered;
	s5 =	simm.s32 $_tile_overlayer_lowered  }
0x9b: {  	s22 =	simm.s32 $0x1BFF;
	s21 =	sshll.u32 s5, $0x1;
	s2 =	sadd.s32 s19, s18  }
0x9c: {  	s6 =	simm.s32 $0x0;
	s20 =	sshll.u32 s4, $0x1;
	s4 =	sadd.s32 s21, s2  }
0x9d: {  	[timem:s6], [sflag:s22] =	dma.local [hbm:s4], s20  }
0x9e: {  	_ =	swait.ge [sflag:s22], s20  }
0x9f: {  	s3 =	ssub.s32 $0x0, s20;
	[sflag:s22] =	ssyncset.done $0x0  }
0xa0: {  	[sflag:s22] =	ssyncadd.s32 s3;
	_ =	sdelay $0x1  }
0xa1: {  	s23 =	simm.s32 $0x1B8B  }
0xa2: {  	_ =	swait.ge [sflag:s23], $0x1  }
0xa3: {  	[sflag:s23] =	ssyncset.done $0x0  }
0xa4: {  	s25 =	simm.s32 $0x1B8E;
	s24 =	sld [smem:$0x3FFE];
	[sflag:s23] =	ssyncadd.s32 $0xFFFFFFFF  }
0xa5: {  	s26 =	simm.s32 $execute0_lowered;
	[smem:$0x3FD2] =	sst s25  }
0xa6: {  	s4 =	sshll.u32 s26, $0x1;
	_ =	strace $0x80000046;
	[dreg:$0x1] =	wrdreg $0xFFFFFFFF  }
0xa7: {  	s28 =	simm.s32 $_size_execute0_lowered;
	s2 =	sadd.s32 s2, s4;
	[dreg:$0x0] =	wrdreg $0x0  }
0xa8: {  	s4 =	sshll.u32 s28, $0x1;
	[dreg:$0x2] =	wrdreg s2  }
0xa9: {  	[dreg:$0x3] =	wrdreg s4  }
0xaa: {  	[dreg:$0x4] =	wrdreg $0xC0  }
0xab: {  	_ =	task [dreg:s6], $0x5FFFF  }
0xac: {  	[dreg:$0x1] =	wrdreg $0xFFFFFFFF  }
0xad: {  	[dreg:$0x0] =	wrdreg $0x60  }
0xae: {  	[dreg:$0x2] =	wrdreg s24  }
0xaf: {  	[dreg:$0x3] =	wrdreg $0x0  }
0xb0: {  	[dreg:$0x4] =	wrdreg $0x9  }
0xb1: {  	_ =	task.clear_ibuf [dreg:s6], $0x5FFFF;
	_ =	strace $0x90000046  }
0xb2: {  	s29 =	simm.s32 $0x9;
	_ =	strace $0x80000048  }
0xb3: {  	_ =	swait.ge [sflag:s29], $0x1  }
0xb4: {  	[sflag:s29] =	ssyncadd.s32 $0xFFFFFFFF  }
0xb5: {  	_ =	strace $0x90000048  }
0xb6: {  	_ =	sfence  }
0xb7: {  	s30 =	sld [smem:$0x0];
	_ =	sdelay $0x2  }
0xb8: {  	s31 =	sshll.u32 s1, $0xD;
	s1 =	sshrl.u32 s1, $0x2  }
0xb9: {  	s3 =	sand.u32 $0x4000, s31;
	s1 =	sadd.s32 s1, s30  }
0xba: {  	s0 =	sor.u32 s3, s0;
	s1 =	sshll.u32 s1, $0x11  }
0xbb: {  	s0 =	sor.u32 s1, s0  }
0xbc: {  	s0 =	sadd.s32 $0x8F2B, s0  }
0xbd: {  	[sflag:s0] =	ssyncadd.remote.s32 $0x1  }
0xbe: {  	_ =	sfence.sel $0xFFFF  }
0xbf: {  	[dreg:$0x0] =	wrdreg $0xFFFFFFFF;
	(pc) =	sbr.abs _section_cstart, $3  }
0xc0: {  	[dreg:$0x1] =	wrdreg $0xFFFFFFFF  }
0xc1: {  	_ =	task.clear_ibuf [dreg:s6], $0x2FFFF;
	_ =	strace $0x9FFFFFFF  }
0xc2: {  	(tm) =	ssettm $0x7FFFFFFF  }
0xc3: {  	_ =	shalt  }
tec
execute0_lowered:
.L_overlay_start_1:
0x0: {  	(tag) =	ssettag $0x1  }
0x1: {  	s1 =	srdreg.scid;
	s17 =	stileid.u32  }
0x2: {  	s2 =	sand.u32 $0x1, s1;
	s5 =	smul.u32 $0x2800, s17  }
0x3: {  	s0 =	rddreg [dreg:$0x0];
	s3 =	smul.u32 $0x28000, s2  }
0x4: {  	s28 =	rddreg [dreg:$0x1];
	s1 =	simm.s32 $0x0;
	s6 =	sadd.s32 $0x29C00, s0  }
0x5: {  	s8 =	sadd.s32 $0x33C00, s0;
	s4 =	ssub.s32 $0x2, s2;
	s3 =	sadd.s32 s5, s3  }
0x6: {  	s11 =	sshll.u32 s17, $0x1;
	s7 =	sshrl.u32 s4, $0x1;
	s9 =	sshrl.u32 s3, $0x3  }
0x7: {  	[smem:$0x7FF] =	sst s1;
	s4 =	ssub.s32 s4, s7;
	s10 =	sadd.s32 s6, s9  }
0x8: {  	s12 =	sor.u32 $0xA0, s9;
	s13 =	sadd.s32 s8, s9;
	[dreg:$0x3] =	wrdreg s10  }
0x9: {  	s3 =	sor.u32 s2, s11;
	[dreg:$0x4] =	wrdreg s13;
	s14 =	sadd.s32 s6, s12  }
0xa: {  	s15 =	sadd.s32 $0x140, s9;
	s7 =	sadd.s32 s8, s12;
	[dreg:$0x5] =	wrdreg s14  }
0xb: {  	s16 =	sadd.s32 $0x1E0, s9;
	s11 =	sadd.s32 s6, s15;
	[dreg:$0x6] =	wrdreg s7  }
0xc: {  	s18 =	sadd.s32 s6, s16;
	[dreg:$0x7] =	wrdreg s11  }
0xd: {  	s20 =	sadd.s32 $0x280, s9;
	s19 =	sadd.s32 s8, s16;
	[dreg:$0x9] =	wrdreg s18  }
0xe: {  	s21 =	sadd.s32 $0x320, s9;
	s22 =	sadd.s32 s6, s20;
	[dreg:$0xa] =	wrdreg s19  }
0xf: {  	s23 =	sadd.s32 s6, s21;
	[dreg:$0xb] =	wrdreg s22  }
0x10: {  	s25 =	sadd.s32 $0x3C0, s9;
	s24 =	sadd.s32 s8, s21;
	[dreg:$0xd] =	wrdreg s23  }
0x11: {  	s9 =	sadd.s32 $0x460, s9;
	s26 =	sadd.s32 s6, s25;
	[dreg:$0xe] =	wrdreg s24  }
0x12: {  	s5 =	smul.u32 $0x14000, s17;
	s6 =	sadd.s32 s6, s9;
	[dreg:$0xf] =	wrdreg s26  }
0x13: {  	s2 =	smul.u32 $0x140000, s2;
	s10 =	sadd.s32 s8, s9;
	[dreg:$0x11] =	wrdreg s6  }
0x14: {  	s9 =	sadd.s32 $0x4000, s5;
	s7 =	sadd.s32 s8, s15;
	[dreg:$0x12] =	wrdreg s10  }
0x15: {  	s11 =	sadd.s32 s2, s5;
	s14 =	sadd.s32 s2, s9;
	s10 =	sadd.s32 $0x6000, s5  }
0x16: {  	[dreg:$0x8] =	wrdreg s7;
	s7 =	sadd.s32 s8, s20;
	s6 =	sshrl.u32 s11, $0x3  }
0x17: {  	s15 =	sadd.s32 s2, s10;
	s20 =	sadd.s32 $0xA000, s5;
	[dreg:$0xc] =	wrdreg s7  }
0x18: {  	s7 =	sadd.s32 s8, s25;
	s8 =	sadd.s32 $0x3DC00, s0;
	s16 =	sshrl.u32 s15, $0x3  }
0x19: {  	s21 =	sadd.s32 s2, s20;
	[dreg:$0x10] =	wrdreg s7;
	s7 =	sor.u32 $0x2000, s5  }
0x1a: {  	s15 =	sadd.s32 $0xE000, s5;
	s25 =	sadd.s32 $0x10000, s5;
	s12 =	sadd.s32 s2, s7  }
0x1b: {  	s6 =	sadd.s32 s8, s6;
	s23 =	sadd.s32 s2, s15;
	s13 =	sshrl.u32 s12, $0x3  }
0x1c: {  	s26 =	sadd.s32 s2, s25;
	[dreg:$0x13] =	wrdreg s6;
	s6 =	sadd.s32 s8, s13  }
0x1d: {  	s12 =	sadd.s32 $0x8000, s5;
	[dreg:$0x14] =	wrdreg s6;
	s6 =	sshrl.u32 s14, $0x3  }
0x1e: {  	s24 =	sshrl.u32 s23, $0x3;
	s18 =	sadd.s32 s2, s12;
	s6 =	sadd.s32 s8, s6  }
0x1f: {  	s19 =	sshrl.u32 s18, $0x3;
	[dreg:$0x15] =	wrdreg s6;
	s6 =	sadd.s32 s8, s16  }
0x20: {  	s13 =	sadd.s32 $0xC000, s5;
	[dreg:$0x16] =	wrdreg s6;
	s6 =	sadd.s32 s8, s19  }
0x21: {  	s14 =	sadd.s32 s2, s13;
	[dreg:$0x17] =	wrdreg s6;
	s6 =	sshrl.u32 s21, $0x3  }
0x22: {  	s22 =	sshrl.u32 s14, $0x3;
	s16 =	sadd.s32 $0x12000, s5;
	s6 =	sadd.s32 s8, s6  }
0x23: {  	s2 =	sadd.s32 s2, s16;
	[dreg:$0x18] =	wrdreg s6;
	s6 =	sadd.s32 s8, s22  }
0x24: {  	s2 =	sshrl.u32 s2, $0x3;
	[dreg:$0x19] =	wrdreg s6;
	s6 =	sadd.s32 s8, s24  }
0x25: {  	s2 =	sadd.s32 s8, s2;
	[dreg:$0x1a] =	wrdreg s6;
	s6 =	sshrl.u32 s26, $0x3  }
0x26: {  	[dreg:$0x1c] =	wrdreg s2;
	s6 =	sadd.s32 s8, s6  }
0x27: {  	s5 =	sadd.s32 s5, s28;
	[dreg:$0x1b] =	wrdreg s6  }
0x28: {  	s4 =	smax.u32 s4, $0x1;
	_ =	strace $0x80000047;
	[dreg:$0x1d] =	wrdreg s5  }
0x29: {  	s29 =	simm.s32 $0x14000;
	s7 =	sadd.s32 s7, s28;
	[dreg:$0x1e] =	wrdreg s4  }
0x2a: {  	s30 =	simm.s32 $0x14400;
	s8 =	sadd.s32 s9, s28;
	[dreg:$0x1f] =	wrdreg s7  }
0x2b: {  	s31 =	sadd.s32 $0x2200, s0;
	s9 =	sadd.s32 s10, s28;
	[smem:$0x7F1] =	sst s8  }
0x2c: {  	s17 =	smul.u32 $0x50000, s17;
	s10 =	sadd.s32 s12, s28;
	[smem:$0x7F2] =	sst s9  }
0x2d: {  	s3 =	smul.u32 $0x2800, s3;
	s12 =	sadd.s32 s20, s28;
	[smem:$0x7F3] =	sst s10  }
0x2e: {  	s6 =	sshrl.u32 s17, $0x2;
	s17 =	sadd.s32 s13, s28;
	[smem:$0x7F4] =	sst s12  }
0x2f: {  	s18 =	sadd.s32 s15, s28;
	s19 =	sadd.s32 s25, s28;
	[smem:$0x7F5] =	sst s17  }
0x30: {  	s26 =	sadd.s32 $0x15C00, s0;
	s0 =	sadd.s32 $0x1FC00, s0;
	[smem:$0x7F6] =	sst s18  }
0x31: {  	s20 =	sadd.s32 s16, s28;
	s2 =	sadd.s32 s6, s28;
	[smem:$0x7F7] =	sst s19  }
0x32: {  	[smem:$0x7F8] =	sst s20;
	s4 =	simm.s32 $0x40;
	s5 =	simm.s32 $0x14800  }
0x33: {  	s6 =	simm.s32 $0x1D000;
	s7 =	simm.s32 $0x3;
	s21 =	sadd.s32 $0x2000, s2  }
0x34: {  	s8 =	simm.s32 $0x4;
	s22 =	sadd.s32 $0x4000, s2;
	[smem:$0x7F9] =	sst s21  }
0x35: {  	s9 =	simm.s32 $0x16800;
	s23 =	sadd.s32 $0x6000, s2;
	[smem:$0x7FA] =	sst s22  }
0x36: {  	s10 =	simm.s32 $0x0;
	s24 =	sadd.s32 $0x8000, s2;
	[smem:$0x7FB] =	sst s23  }
0x37: {  	s25 =	sadd.s32 $0xA000, s2;
	s20 =	sadd.s32 $0xC000, s2;
	[smem:$0x7FC] =	sst s24  }
0x38: {  	[smem:$0x7FD] =	sst s25;
	s21 =	sadd.s32 $0xE000, s2;
	s22 =	sadd.s32 $0x10000, s2  }
0x39: {  	v0 =	vimm.f32 $0.0e+00;
	v1 =	vimm.f32 $1.000000000e+00;
	s23 =	sadd.s32 $0x12000, s2;
	s24 =	simm.s32 $0x1A800;
	s25 =	simm.s32 $0x5  }
.LBB2_1:
0x3a: {  	s11 =	simm.s32 $0x0;
	s12 =	simm.s32 $0x200  }
.LBB2_2:
0x3b: {  	p0 =	sne.s32 s12, $0x9E00;
	[tilespmem:s11+$0x1A870] =	vst v0  }
0x3c: {  	[tilespmem:s11+$0x1A800] =	vst v0  }
0x3d: {  	[tilespmem:s11+$0x1A810] =	vst v0  }
.Ltmp0:
0x3e: {  	[tilespmem:s11+$0x1A820] =	vst v0;
	(pc) =	sbr.rel @p0 .LBB2_2-.Ltmp0, $4  }
0x3f: {  	[tilespmem:s11+$0x1A830] =	vst v0  }
0x40: {  	[tilespmem:s11+$0x1A840] =	vst v0  }
0x41: {  	[tilespmem:s11+$0x1A850] =	vst v0  }
0x42: {  	[tilespmem:s11+$0x1A860] =	vst v0;
	s11 =	sshra.s32 s12, $0x2;
	s12 =	sadd.s32 $0x200, s12  }
0x43: {  	[tilespmem:s11+$0x1A870] =	vst v0  }
0x44: {  	[tilespmem:s11+$0x1A800] =	vst v0  }
0x45: {  	[tilespmem:s11+$0x1A810] =	vst v0  }
0x46: {  	[tilespmem:s11+$0x1A820] =	vst v0  }
0x47: {  	[tilespmem:s11+$0x1A830] =	vst v0  }
0x48: {  	[tilespmem:s11+$0x1A840] =	vst v0  }
0x49: {  	[tilespmem:s11+$0x1A850] =	vst v0  }
0x4a: {  	[tilespmem:s11+$0x1A860] =	vst v0;
	s11 =	simm.s32 $0x0;
	s12 =	simm.s32 $0x200  }
.LBB2_4:
0x4b: {  	p0 =	sne.s32 s12, $0x9E00;
	[tilespmem:s11+$0x1D070] =	vst v0  }
0x4c: {  	[tilespmem:s11+$0x1D000] =	vst v0  }
0x4d: {  	[tilespmem:s11+$0x1D010] =	vst v0  }
.Ltmp1:
0x4e: {  	[tilespmem:s11+$0x1D020] =	vst v0;
	(pc) =	sbr.rel @p0 .LBB2_4-.Ltmp1, $4  }
0x4f: {  	[tilespmem:s11+$0x1D030] =	vst v0  }
0x50: {  	[tilespmem:s11+$0x1D040] =	vst v0  }
0x51: {  	[tilespmem:s11+$0x1D050] =	vst v0  }
0x52: {  	[tilespmem:s11+$0x1D060] =	vst v0;
	s11 =	sshra.s32 s12, $0x2;
	s12 =	sadd.s32 $0x200, s12  }
0x53: {  	[tilespmem:s11+$0x1D070] =	vst v0  }
0x54: {  	[tilespmem:s11+$0x1D000] =	vst v0  }
0x55: {  	[tilespmem:s11+$0x1D010] =	vst v0  }
0x56: {  	[tilespmem:s11+$0x1D020] =	vst v0  }
0x57: {  	[tilespmem:s11+$0x1D030] =	vst v0  }
0x58: {  	[tilespmem:s11+$0x1D040] =	vst v0  }
0x59: {  	[tilespmem:s11+$0x1D050] =	vst v0  }
0x5a: {  	[tilespmem:s11+$0x1D060] =	vst v0  }
0x5b: {  	[spmem:s2] =	stream.linear.scatter [tilespmem:s24], [sflag:$0x5], $0x2000, $0x38;
	[tilespmem:$0x1F800] =	vst v63  }
0x5c: {  	_ =	swait.ge [sflag:s25], $0x2000  }
0x5d: {  	s15 =	sld [smem:$0x7F9]  }
0x5e: {  	[sflag:s25] =	ssyncset.done $0x0  }
0x5f: {  	[sflag:s25] =	ssyncadd.s32 $0xFFFFE000  }
0x60: {  	[spmem:s15] =	stream.linear.scatter [tilespmem:s24], [sflag:$0x5], $0x2000, $0x38;
	[tilespmem:$0x1F800] =	vst v63  }
0x61: {  	_ =	swait.ge [sflag:s25], $0x2000  }
0x62: {  	s16 =	sld [smem:$0x7FA]  }
0x63: {  	[sflag:s25] =	ssyncset.done $0x0  }
0x64: {  	[sflag:s25] =	ssyncadd.s32 $0xFFFFE000  }
0x65: {  	[spmem:s16] =	stream.linear.scatter [tilespmem:s24], [sflag:$0x5], $0x2000, $0x38;
	[tilespmem:$0x1F800] =	vst v63  }
0x66: {  	_ =	swait.ge [sflag:s25], $0x2000  }
0x67: {  	s17 =	sld [smem:$0x7FB]  }
0x68: {  	[sflag:s25] =	ssyncset.done $0x0  }
0x69: {  	[sflag:s25] =	ssyncadd.s32 $0xFFFFE000  }
0x6a: {  	[spmem:s17] =	stream.linear.scatter [tilespmem:s24], [sflag:$0x5], $0x2000, $0x38;
	[tilespmem:$0x1F800] =	vst v63  }
0x6b: {  	_ =	swait.ge [sflag:s25], $0x2000  }
0x6c: {  	s18 =	sld [smem:$0x7FC]  }
0x6d: {  	[sflag:s25] =	ssyncset.done $0x0  }
0x6e: {  	[sflag:s25] =	ssyncadd.s32 $0xFFFFE000  }
0x6f: {  	[spmem:s18] =	stream.linear.scatter [tilespmem:s24], [sflag:$0x5], $0x2000, $0x38;
	[tilespmem:$0x1F800] =	vst v63  }
0x70: {  	_ =	swait.ge [sflag:s25], $0x2000  }
0x71: {  	s19 =	sld [smem:$0x7FD]  }
0x72: {  	[sflag:s25] =	ssyncset.done $0x0  }
0x73: {  	[sflag:s25] =	ssyncadd.s32 $0xFFFFE000  }
0x74: {  	[spmem:s19] =	stream.linear.scatter [tilespmem:s24], [sflag:$0x5], $0x2000, $0x38;
	[tilespmem:$0x1F800] =	vst v63  }
0x75: {  	_ =	swait.ge [sflag:s25], $0x2000  }
0x76: {  	[sflag:s25] =	ssyncset.done $0x0  }
0x77: {  	[sflag:s25] =	ssyncadd.s32 $0xFFFFE000  }
0x78: {  	[spmem:s20] =	stream.linear.scatter [tilespmem:s24], [sflag:$0x5], $0x2000, $0x38;
	[tilespmem:$0x1F800] =	vst v63  }
0x79: {  	_ =	swait.ge [sflag:s25], $0x2000  }
0x7a: {  	[sflag:s25] =	ssyncset.done $0x0  }
0x7b: {  	[sflag:s25] =	ssyncadd.s32 $0xFFFFE000  }
0x7c: {  	[spmem:s21] =	stream.linear.scatter [tilespmem:s24], [sflag:$0x5], $0x2000, $0x38;
	[tilespmem:$0x1F800] =	vst v63  }
0x7d: {  	_ =	swait.ge [sflag:s25], $0x2000  }
0x7e: {  	[sflag:s25] =	ssyncset.done $0x0  }
0x7f: {  	[sflag:s25] =	ssyncadd.s32 $0xFFFFE000  }
0x80: {  	[spmem:s22] =	stream.linear.scatter [tilespmem:s24], [sflag:$0x5], $0x2000, $0x38;
	[tilespmem:$0x1F800] =	vst v63  }
0x81: {  	_ =	swait.ge [sflag:s25], $0x2000  }
0x82: {  	[sflag:s25] =	ssyncset.done $0x0  }
0x83: {  	[sflag:s25] =	ssyncadd.s32 $0xFFFFE000  }
0x84: {  	[spmem:s23] =	stream.linear.scatter [tilespmem:s24], [sflag:$0x5], $0x2000, $0x38;
	[tilespmem:$0x1F800] =	vst v63  }
0x85: {  	_ =	swait.ge [sflag:s25], $0x2000  }
0x86: {  	[sflag:s25] =	ssyncset.done $0x0  }
0x87: {  	[sflag:s25] =	ssyncadd.s32 $0xFFFFE000  }
0x88: {  	s11 =	simm.s32 $0x0;
	s12 =	simm.s32 $0x0;
	[bflag:$0x0] =	sbarrier.arrive $0xFFFF  }
.LBB2_6:
0x89: {  	s13 =	sshll.u32 s12, $0xA  }
0x8a: {  	s13 =	sadd.s32 s3, s13  }
0x8b: {  	s13 =	sshrl.u32 s13, $0x3  }
0x8c: {  	s14 =	sadd.s32 s26, s13  }
0x8d: {  	[tilespmem:s29], [sflag:$0x5] =	stream.linear.gather [hbm4b:s14+s11], $0x400, $0x38;
	[tilespmem:$0x1F800] =	vst v63  }
0x8e: {  	_ =	swait.ge [sflag:s25], $0x400  }
0x8f: {  	[sflag:s25] =	ssyncset.done $0x0  }
0x90: {  	s13 =	sadd.s32 s0, s13;
	[sflag:s25] =	ssyncadd.s32 $0xFFFFFC00  }
0x91: {  	[tilespmem:s30], [sflag:$0x5] =	stream.linear.gather [hbm4b:s13+s11], $0x400, $0x38;
	[tilespmem:$0x1F800] =	vst v63  }
0x92: {  	_ =	swait.ge [sflag:s25], $0x400  }
0x93: {  	[sflag:s25] =	ssyncset.done $0x0  }
0x94: {  	p0 =	por $0x0, $0x0;
	s13 =	simm.s32 $0x0;
	[sflag:s25] =	ssyncadd.s32 $0xFFFFFC00  }
0x95: {  	[tilespmem:s5], [sflag:$0x1] =	stream.indirect.gather [hbm4b:s31+s4], $0x40, s30, s4, $0xb8;
	[tilespmem:$0x1F800] =	vst v63  }
.LBB2_7:
0x96: {  	s15 =	sand.u32 $0x1, s13;
	p1 =	seq.s32 s13, $0xF;
	s14 =	sadd.s32 $0x1, s13  }
0x97: {  	s16 =	sxor.u32 @!p1 $0x1, s15;
	s18 =	sshll.u32 @!p1 s14, $0x6  }
0x98: {  	s19 =	simm.s32 @!p1 $0x40;
	s17 =	sshll.u32 @!p1 s16, $0xC;
	s18 =	sand.u32 @!p1 $0x3FFFFFC0, s18  }
0x99: {  	s16 =	sadd.s32 @!p1 $0x1, s16;
	s17 =	sor.u32 @!p1 $0x14800, s17;
	s18 =	sadd.s32 @!p1 $0x14400, s18  }
0x9a: {  	[tilespmem:s17], [sflag:s16] =	stream.indirect.gather @!p1 [hbm4b:s31+s19], $0x40, s18, s19, $0xb8;
	[tilespmem:$0x1F800] =	vst v63  }
0x9b: {  	s18 =	sadd.s32 $0x1, s15  }
0x9c: {  	_ =	swait.ge [sflag:s18], $0x1000  }
0x9d: {  	p1 =	slt.u32 s13, $0x2;
	[sflag:s18] =	ssyncset.done $0x0  }
0x9e: {  	s17 =	simm.s32 $0x1;
	s16 =	sadd.s32 @!p1 $0x3, s15;
	[sflag:s18] =	ssyncadd.s32 $0xFFFFF000  }
0x9f: {  	s17 =	simm.s32 @!p0 $0x0;
	_ =	swait.ge @!p1 [sflag:s16], $0x2000  }
0xa0: {  	s19 =	sshll.u32 s17, $0xC;
	[sflag:s16] =	ssyncset.done @!p1 $0x0  }
0xa1: {  	s18 =	sor.u32 $0x14A00, s19;
	[sflag:s16] =	ssyncadd.s32 @!p1 $0xFFFFE000  }
0xa2: {  	v2 =	vld [tilespmem:s18+$0x1C0];
	_ =	sdelay $0x1  }
0xa3: {  	v3 =	vld [tilespmem:s18+$0xFFFFFE40];
	_ =	sdelay $0x1  }
0xa4: {  	s19 =	sshll.u32 s17, $0xD;
	v4 =	vld [tilespmem:s18+$0xFFFFFE80]  }
0xa5: {  	s16 =	sadd.s32 $0x16C00, s19;
	v5 =	vunpack.i.l.bf16.f32 v2  }
0xa6: {  	v6 =	vld [tilespmem:s18+$0xFFFFFEC0];
	v2 =	vunpack.i.u.bf16.f32 v2;
	[tilespmem:s16+$0x380] =	vst v5  }
0xa7: {  	v5 =	vunpack.i.l.bf16.f32 v3;
	[tilespmem:s16+$0x390] =	vst v2  }
0xa8: {  	v2 =	vunpack.i.u.bf16.f32 v3;
	[tilespmem:s16+$0xFFFFFC80] =	vst v5;
	v3 =	vld [tilespmem:s18+$0x1D0]  }
0xa9: {  	v5 =	vunpack.i.l.bf16.f32 v4;
	[tilespmem:s16+$0xFFFFFC90] =	vst v2  }
0xaa: {  	v2 =	vld [tilespmem:s18+$0xFFFFFF00];
	v4 =	vunpack.i.u.bf16.f32 v4;
	[tilespmem:s16+$0xFFFFFD00] =	vst v5  }
0xab: {  	v5 =	vunpack.i.l.bf16.f32 v6;
	[tilespmem:s16+$0xFFFFFD10] =	vst v4  }
0xac: {  	v4 =	vld [tilespmem:s18+$0xFFFFFF40];
	v6 =	vunpack.i.u.bf16.f32 v6;
	[tilespmem:s16+$0xFFFFFD80] =	vst v5  }
0xad: {  	[tilespmem:s16+$0xFFFFFD90] =	vst v6;
	v5 =	vunpack.i.l.bf16.f32 v3  }
0xae: {  	v6 =	vld [tilespmem:s18+$0xFFFFFF80];
	v3 =	vunpack.i.u.bf16.f32 v3;
	[tilespmem:s16+$0x3A0] =	vst v5  }
0xaf: {  	v5 =	vunpack.i.l.bf16.f32 v2;
	[tilespmem:s16+$0x3B0] =	vst v3  }
0xb0: {  	v7 =	vld [tilespmem:s18+$0xFFFFFFC0];
	v2 =	vunpack.i.u.bf16.f32 v2;
	[tilespmem:s16+$0xFFFFFE00] =	vst v5  }
0xb1: {  	v3 =	vld [tilespmem:s18+$0x1E0];
	v5 =	vunpack.i.l.bf16.f32 v4;
	[tilespmem:s16+$0xFFFFFE10] =	vst v2  }
0xb2: {  	v2 =	vunpack.i.u.bf16.f32 v4;
	[tilespmem:s16+$0xFFFFFE80] =	vst v5  }
0xb3: {  	v4 =	vld [tilespmem:s18+$0xFFFFFE00];
	v5 =	vunpack.i.l.bf16.f32 v6;
	[tilespmem:s16+$0xFFFFFE90] =	vst v2  }
0xb4: {  	v2 =	vunpack.i.u.bf16.f32 v6;
	[tilespmem:s16+$0xFFFFFF00] =	vst v5  }
0xb5: {  	v6 =	vunpack.i.l.bf16.f32 v7;
	[tilespmem:s16+$0xFFFFFF10] =	vst v2  }
0xb6: {  	v5 =	vld [tilespmem:s18+$0x0];
	[tilespmem:s16+$0xFFFFFF80] =	vst v6;
	v2 =	vunpack.i.l.bf16.f32 v3  }
0xb7: {  	v3 =	vunpack.i.u.bf16.f32 v3;
	[tilespmem:s16+$0x3C0] =	vst v2  }
0xb8: {  	v2 =	vunpack.i.l.bf16.f32 v4;
	[tilespmem:s16+$0x3D0] =	vst v3;
	v3 =	vunpack.i.u.bf16.f32 v4;
	v4 =	vld [tilespmem:s18+$0x40]  }
0xb9: {  	[tilespmem:s16+$0xFFFFFC00] =	vst v2;
	v2 =	vld [tilespmem:s18+$0x1F0]  }
0xba: {  	[tilespmem:s16+$0xFFFFFC10] =	vst v3;
	v3 =	vunpack.i.u.bf16.f32 v7  }
0xbb: {  	v6 =	vld [tilespmem:s18+$0x80];
	v7 =	vunpack.i.l.bf16.f32 v5;
	[tilespmem:s16+$0xFFFFFF90] =	vst v3  }
0xbc: {  	v3 =	vunpack.i.u.bf16.f32 v5;
	[tilespmem:s16+$0x0] =	vst v7  }
0xbd: {  	v5 =	vld [tilespmem:s18+$0xC0];
	[tilespmem:s16+$0x10] =	vst v3;
	v7 =	vunpack.i.l.bf16.f32 v4  }
0xbe: {  	v3 =	vunpack.i.u.bf16.f32 v2;
	[tilespmem:s16+$0x80] =	vst v7  }
0xbf: {  	v4 =	vunpack.i.u.bf16.f32 v4;
	[tilespmem:s16+$0x3F0] =	vst v3;
	v3 =	vld [tilespmem:s18+$0x100]  }
0xc0: {  	v7 =	vunpack.i.l.bf16.f32 v6;
	[tilespmem:s16+$0x90] =	vst v4  }
0xc1: {  	v4 =	vld [tilespmem:s18+$0x140];
	v6 =	vunpack.i.u.bf16.f32 v6;
	[tilespmem:s16+$0x100] =	vst v7  }
0xc2: {  	v7 =	vunpack.i.l.bf16.f32 v5;
	[tilespmem:s16+$0x110] =	vst v6  }
0xc3: {  	v6 =	vld [tilespmem:s18+$0x180];
	v5 =	vunpack.i.u.bf16.f32 v5;
	[tilespmem:s16+$0x180] =	vst v7  }
0xc4: {  	[tilespmem:s16+$0x190] =	vst v5;
	v7 =	vunpack.i.l.bf16.f32 v3  }
0xc5: {  	v5 =	vld [tilespmem:s18+$0xFFFFFE10];
	v3 =	vunpack.i.u.bf16.f32 v3;
	[tilespmem:s16+$0x200] =	vst v7  }
0xc6: {  	v7 =	vunpack.i.l.bf16.f32 v4;
	[tilespmem:s16+$0x210] =	vst v3  }
0xc7: {  	v3 =	vld [tilespmem:s18+$0xFFFFFE50];
	v4 =	vunpack.i.u.bf16.f32 v4;
	[tilespmem:s16+$0x280] =	vst v7  }
0xc8: {  	v7 =	vunpack.i.l.bf16.f32 v6;
	[tilespmem:s16+$0x290] =	vst v4  }
0xc9: {  	v4 =	vld [tilespmem:s18+$0xFFFFFE90];
	v6 =	vunpack.i.u.bf16.f32 v6;
	[tilespmem:s16+$0x300] =	vst v7  }
0xca: {  	v7 =	vunpack.i.l.bf16.f32 v5;
	[tilespmem:s16+$0x310] =	vst v6  }
0xcb: {  	v6 =	vld [tilespmem:s18+$0xFFFFFED0];
	v5 =	vunpack.i.u.bf16.f32 v5;
	[tilespmem:s16+$0xFFFFFC20] =	vst v7  }
0xcc: {  	[tilespmem:s16+$0xFFFFFC30] =	vst v5;
	v7 =	vunpack.i.l.bf16.f32 v3  }
0xcd: {  	v5 =	vld [tilespmem:s18+$0xFFFFFF10];
	v3 =	vunpack.i.u.bf16.f32 v3;
	[tilespmem:s16+$0xFFFFFCA0] =	vst v7  }
0xce: {  	v7 =	vunpack.i.l.bf16.f32 v4;
	[tilespmem:s16+$0xFFFFFCB0] =	vst v3  }
0xcf: {  	v3 =	vld [tilespmem:s18+$0xFFFFFF50];
	v4 =	vunpack.i.u.bf16.f32 v4;
	[tilespmem:s16+$0xFFFFFD20] =	vst v7  }
0xd0: {  	v7 =	vunpack.i.l.bf16.f32 v6;
	[tilespmem:s16+$0xFFFFFD30] =	vst v4  }
0xd1: {  	v4 =	vld [tilespmem:s18+$0xFFFFFF90];
	v6 =	vunpack.i.u.bf16.f32 v6;
	[tilespmem:s16+$0xFFFFFDA0] =	vst v7  }
0xd2: {  	v7 =	vunpack.i.l.bf16.f32 v5;
	[tilespmem:s16+$0xFFFFFDB0] =	vst v6  }
0xd3: {  	v5 =	vunpack.i.u.bf16.f32 v5;
	v6 =	vld [tilespmem:s18+$0xFFFFFFD0];
	[tilespmem:s16+$0xFFFFFE20] =	vst v7  }
0xd4: {  	[tilespmem:s16+$0xFFFFFE30] =	vst v5;
	v7 =	vunpack.i.l.bf16.f32 v3  }
0xd5: {  	v5 =	vld [tilespmem:s18+$0x10];
	v3 =	vunpack.i.u.bf16.f32 v3;
	[tilespmem:s16+$0xFFFFFEA0] =	vst v7  }
0xd6: {  	v7 =	vunpack.i.l.bf16.f32 v4;
	[tilespmem:s16+$0xFFFFFEB0] =	vst v3  }
0xd7: {  	v3 =	vunpack.i.u.bf16.f32 v4;
	v4 =	vld [tilespmem:s18+$0x50];
	[tilespmem:s16+$0xFFFFFF20] =	vst v7  }
0xd8: {  	v7 =	vunpack.i.l.bf16.f32 v6;
	[tilespmem:s16+$0xFFFFFF30] =	vst v3  }
0xd9: {  	v3 =	vunpack.i.u.bf16.f32 v6;
	v6 =	vld [tilespmem:s18+$0x90];
	[tilespmem:s16+$0xFFFFFFA0] =	vst v7  }
0xda: {  	v7 =	vunpack.i.l.bf16.f32 v5;
	[tilespmem:s16+$0xFFFFFFB0] =	vst v3  }
0xdb: {  	v3 =	vunpack.i.u.bf16.f32 v5;
	v5 =	vld [tilespmem:s18+$0xD0];
	[tilespmem:s16+$0x20] =	vst v7  }
0xdc: {  	[tilespmem:s16+$0x30] =	vst v3;
	v7 =	vunpack.i.l.bf16.f32 v4  }
0xdd: {  	v3 =	vunpack.i.u.bf16.f32 v4;
	v4 =	vld [tilespmem:s18+$0x110];
	[tilespmem:s16+$0xA0] =	vst v7  }
0xde: {  	v7 =	vunpack.i.l.bf16.f32 v6;
	[tilespmem:s16+$0xB0] =	vst v3  }
0xdf: {  	v3 =	vunpack.i.u.bf16.f32 v6;
	v6 =	vld [tilespmem:s18+$0x150];
	[tilespmem:s16+$0x120] =	vst v7  }
0xe0: {  	v7 =	vunpack.i.l.bf16.f32 v5;
	[tilespmem:s16+$0x130] =	vst v3  }
0xe1: {  	v3 =	vunpack.i.u.bf16.f32 v5;
	v5 =	vld [tilespmem:s18+$0x190];
	[tilespmem:s16+$0x1A0] =	vst v7  }
0xe2: {  	[tilespmem:s16+$0x1B0] =	vst v3;
	v7 =	vunpack.i.l.bf16.f32 v4  }
0xe3: {  	v3 =	vunpack.i.u.bf16.f32 v4;
	v4 =	vld [tilespmem:s18+$0xFFFFFE20];
	[tilespmem:s16+$0x220] =	vst v7  }
0xe4: {  	v7 =	vunpack.i.l.bf16.f32 v6;
	[tilespmem:s16+$0x230] =	vst v3  }
0xe5: {  	v3 =	vunpack.i.u.bf16.f32 v6;
	v6 =	vld [tilespmem:s18+$0xFFFFFE60];
	[tilespmem:s16+$0x2A0] =	vst v7  }
0xe6: {  	v7 =	vunpack.i.l.bf16.f32 v5;
	[tilespmem:s16+$0x2B0] =	vst v3  }
0xe7: {  	v3 =	vunpack.i.u.bf16.f32 v5;
	v5 =	vld [tilespmem:s18+$0xFFFFFEA0];
	[tilespmem:s16+$0x320] =	vst v7  }
0xe8: {  	[tilespmem:s16+$0x330] =	vst v3;
	v7 =	vunpack.i.l.bf16.f32 v4  }
0xe9: {  	v3 =	vunpack.i.u.bf16.f32 v4;
	v4 =	vld [tilespmem:s18+$0xFFFFFEE0];
	[tilespmem:s16+$0xFFFFFC40] =	vst v7  }
0xea: {  	v7 =	vunpack.i.l.bf16.f32 v6;
	[tilespmem:s16+$0xFFFFFC50] =	vst v3  }
0xeb: {  	v3 =	vunpack.i.u.bf16.f32 v6;
	v6 =	vld [tilespmem:s18+$0xFFFFFF20];
	[tilespmem:s16+$0xFFFFFCC0] =	vst v7  }
0xec: {  	v7 =	vunpack.i.l.bf16.f32 v5;
	[tilespmem:s16+$0xFFFFFCD0] =	vst v3  }
0xed: {  	v3 =	vunpack.i.u.bf16.f32 v5;
	v5 =	vld [tilespmem:s18+$0xFFFFFF60];
	[tilespmem:s16+$0xFFFFFD40] =	vst v7  }
0xee: {  	[tilespmem:s16+$0xFFFFFD50] =	vst v3;
	v7 =	vunpack.i.l.bf16.f32 v4  }
0xef: {  	v3 =	vunpack.i.u.bf16.f32 v4;
	v4 =	vld [tilespmem:s18+$0xFFFFFFA0];
	[tilespmem:s16+$0xFFFFFDC0] =	vst v7  }
0xf0: {  	v7 =	vunpack.i.l.bf16.f32 v6;
	[tilespmem:s16+$0xFFFFFDD0] =	vst v3  }
0xf1: {  	v3 =	vunpack.i.u.bf16.f32 v6;
	v6 =	vld [tilespmem:s18+$0xFFFFFFE0];
	[tilespmem:s16+$0xFFFFFE40] =	vst v7  }
0xf2: {  	v7 =	vunpack.i.l.bf16.f32 v5;
	[tilespmem:s16+$0xFFFFFE50] =	vst v3  }
0xf3: {  	v3 =	vunpack.i.u.bf16.f32 v5;
	v5 =	vld [tilespmem:s18+$0x20];
	[tilespmem:s16+$0xFFFFFEC0] =	vst v7  }
0xf4: {  	[tilespmem:s16+$0xFFFFFED0] =	vst v3;
	v7 =	vunpack.i.l.bf16.f32 v4  }
0xf5: {  	v3 =	vunpack.i.u.bf16.f32 v4;
	v4 =	vld [tilespmem:s18+$0x60];
	[tilespmem:s16+$0xFFFFFF40] =	vst v7  }
0xf6: {  	v7 =	vunpack.i.l.bf16.f32 v6;
	[tilespmem:s16+$0xFFFFFF50] =	vst v3  }
0xf7: {  	v3 =	vunpack.i.u.bf16.f32 v6;
	v6 =	vld [tilespmem:s18+$0xA0];
	[tilespmem:s16+$0xFFFFFFC0] =	vst v7  }
0xf8: {  	v7 =	vunpack.i.l.bf16.f32 v5;
	[tilespmem:s16+$0xFFFFFFD0] =	vst v3  }
0xf9: {  	v3 =	vunpack.i.u.bf16.f32 v5;
	v5 =	vld [tilespmem:s18+$0xE0];
	[tilespmem:s16+$0x40] =	vst v7  }
0xfa: {  	[tilespmem:s16+$0x50] =	vst v3;
	v7 =	vunpack.i.l.bf16.f32 v4  }
0xfb: {  	v3 =	vunpack.i.u.bf16.f32 v4;
	v4 =	vld [tilespmem:s18+$0x120];
	[tilespmem:s16+$0xC0] =	vst v7  }
0xfc: {  	v7 =	vunpack.i.l.bf16.f32 v6;
	[tilespmem:s16+$0xD0] =	vst v3  }
0xfd: {  	v3 =	vunpack.i.u.bf16.f32 v6;
	v6 =	vld [tilespmem:s18+$0x160];
	[tilespmem:s16+$0x140] =	vst v7  }
0xfe: {  	v7 =	vunpack.i.l.bf16.f32 v5;
	[tilespmem:s16+$0x150] =	vst v3  }
0xff: {  	v3 =	vunpack.i.u.bf16.f32 v5;
	v5 =	vld [tilespmem:s18+$0x1A0];
	[tilespmem:s16+$0x1C0] =	vst v7  }
0x100: {  	[tilespmem:s16+$0x1D0] =	vst v3;
	v7 =	vunpack.i.l.bf16.f32 v4  }
0x101: {  	v3 =	vunpack.i.u.bf16.f32 v4;
	v4 =	vld [tilespmem:s18+$0xFFFFFE30];
	[tilespmem:s16+$0x240] =	vst v7  }
0x102: {  	v7 =	vunpack.i.l.bf16.f32 v6;
	[tilespmem:s16+$0x250] =	vst v3  }
0x103: {  	v3 =	vunpack.i.u.bf16.f32 v6;
	v6 =	vld [tilespmem:s18+$0xFFFFFE70];
	[tilespmem:s16+$0x2C0] =	vst v7  }
0x104: {  	v7 =	vunpack.i.l.bf16.f32 v5;
	[tilespmem:s16+$0x2D0] =	vst v3  }
0x105: {  	v3 =	vunpack.i.u.bf16.f32 v5;
	v5 =	vld [tilespmem:s18+$0xFFFFFEB0];
	[tilespmem:s16+$0x340] =	vst v7  }
0x106: {  	[tilespmem:s16+$0x350] =	vst v3;
	v7 =	vunpack.i.l.bf16.f32 v4  }
0x107: {  	v3 =	vunpack.i.u.bf16.f32 v4;
	v4 =	vld [tilespmem:s18+$0xFFFFFEF0];
	[tilespmem:s16+$0xFFFFFC60] =	vst v7  }
0x108: {  	v7 =	vunpack.i.l.bf16.f32 v6;
	[tilespmem:s16+$0xFFFFFC70] =	vst v3  }
0x109: {  	v3 =	vunpack.i.u.bf16.f32 v6;
	v6 =	vld [tilespmem:s18+$0xFFFFFF30];
	[tilespmem:s16+$0xFFFFFCE0] =	vst v7  }
0x10a: {  	v7 =	vunpack.i.l.bf16.f32 v5;
	[tilespmem:s16+$0xFFFFFCF0] =	vst v3  }
0x10b: {  	v3 =	vunpack.i.u.bf16.f32 v5;
	v5 =	vld [tilespmem:s18+$0xFFFFFF70];
	[tilespmem:s16+$0xFFFFFD60] =	vst v7  }
0x10c: {  	[tilespmem:s16+$0xFFFFFD70] =	vst v3;
	v7 =	vunpack.i.l.bf16.f32 v4  }
0x10d: {  	v3 =	vunpack.i.u.bf16.f32 v4;
	v4 =	vld [tilespmem:s18+$0xFFFFFFB0];
	[tilespmem:s16+$0xFFFFFDE0] =	vst v7  }
0x10e: {  	v7 =	vunpack.i.l.bf16.f32 v6;
	[tilespmem:s16+$0xFFFFFDF0] =	vst v3  }
0x10f: {  	v3 =	vunpack.i.u.bf16.f32 v6;
	v6 =	vld [tilespmem:s18+$0xFFFFFFF0];
	[tilespmem:s16+$0xFFFFFE60] =	vst v7  }
0x110: {  	v7 =	vunpack.i.l.bf16.f32 v5;
	[tilespmem:s16+$0xFFFFFE70] =	vst v3  }
0x111: {  	v3 =	vunpack.i.u.bf16.f32 v5;
	v5 =	vld [tilespmem:s18+$0x30];
	[tilespmem:s16+$0xFFFFFEE0] =	vst v7  }
0x112: {  	[tilespmem:s16+$0xFFFFFEF0] =	vst v3;
	v7 =	vunpack.i.l.bf16.f32 v4  }
0x113: {  	v3 =	vunpack.i.u.bf16.f32 v4;
	v4 =	vld [tilespmem:s18+$0x70];
	[tilespmem:s16+$0xFFFFFF60] =	vst v7  }
0x114: {  	v7 =	vunpack.i.l.bf16.f32 v6;
	[tilespmem:s16+$0xFFFFFF70] =	vst v3  }
0x115: {  	v3 =	vunpack.i.u.bf16.f32 v6;
	v6 =	vld [tilespmem:s18+$0xB0];
	[tilespmem:s16+$0xFFFFFFE0] =	vst v7  }
0x116: {  	v7 =	vunpack.i.l.bf16.f32 v5;
	[tilespmem:s16+$0xFFFFFFF0] =	vst v3  }
0x117: {  	v3 =	vunpack.i.u.bf16.f32 v5;
	v5 =	vld [tilespmem:s18+$0xF0];
	[tilespmem:s16+$0x60] =	vst v7  }
0x118: {  	v8 =	vld [tilespmem:s18+$0x130];
	[tilespmem:s16+$0x70] =	vst v3;
	v7 =	vunpack.i.l.bf16.f32 v4  }
0x119: {  	v9 =	vld [tilespmem:s18+$0x170];
	v3 =	vunpack.i.u.bf16.f32 v4;
	[tilespmem:s16+$0xE0] =	vst v7  }
0x11a: {  	v10 =	vld [tilespmem:s18+$0x1B0];
	v4 =	vunpack.i.l.bf16.f32 v6;
	[tilespmem:s16+$0xF0] =	vst v3  }
0x11b: {  	v3 =	vunpack.i.u.bf16.f32 v6;
	[tilespmem:s16+$0x160] =	vst v4  }
0x11c: {  	v4 =	vunpack.i.l.bf16.f32 v5;
	[tilespmem:s16+$0x170] =	vst v3  }
0x11d: {  	v2 =	vunpack.i.l.bf16.f32 v2;
	v5 =	vunpack.i.u.bf16.f32 v5;
	[tilespmem:s16+$0x1E0] =	vst v4  }
0x11e: {  	v7 =	vunpack.i.l.bf16.f32 v9;
	v3 =	vunpack.i.u.bf16.f32 v8;
	v8 =	vunpack.i.l.bf16.f32 v8;
	[tilespmem:s16+$0x1F0] =	vst v5  }
0x11f: {  	s17 =	simm.s32 $0x0;
	s18 =	sadd.s32 $0x400, s18;
	v6 =	vunpack.i.l.bf16.f32 v10;
	v4 =	vunpack.i.u.bf16.f32 v9;
	v5 =	vunpack.i.u.bf16.f32 v10;
	[tilespmem:s16+$0x260] =	vst v8  }
.LBB2_8:
0x120: {  	v8 =	vld [tilespmem:s18+$0x1C0];
	[tilespmem:s16+$0x270] =	vst v3  }
0x121: {  	v3 =	vld [tilespmem:s18+$0xFFFFFE40];
	[tilespmem:s16+$0x2E0] =	vst v7  }
0x122: {  	v7 =	vld [tilespmem:s18+$0xFFFFFE80];
	[tilespmem:s16+$0x2F0] =	vst v4  }
0x123: {  	s17 =	sadd.s32 $0x10, s17;
	v4 =	vld [tilespmem:s18+$0xFFFFFEC0];
	[tilespmem:s16+$0x360] =	vst v6  }
0x124: {  	p1 =	slt.u32 s17, $0x30;
	v6 =	vld [tilespmem:s18+$0xFFFFFF00];
	[tilespmem:s16+$0x370] =	vst v5  }
0x125: {  	v5 =	vld [tilespmem:s18+$0xFFFFFF40];
	v9 =	vunpack.i.l.bf16.f32 v8;
	[tilespmem:s16+$0x3E0] =	vst v2;
	s16 =	sadd.s32 $0x800, s16  }
0x126: {  	v8 =	vunpack.i.u.bf16.f32 v8;
	v2 =	vunpack.i.u.bf16.f32 v3;
	v3 =	vunpack.i.l.bf16.f32 v3;
	v10 =	vld [tilespmem:s18+$0xFFFFFF80];
	[tilespmem:s16+$0x380] =	vst v9  }
0x127: {  	v9 =	vunpack.i.u.bf16.f32 v7;
	v7 =	vunpack.i.l.bf16.f32 v7;
	v11 =	vld [tilespmem:s18+$0xFFFFFFC0];
	[tilespmem:s16+$0x390] =	vst v8  }
0x128: {  	[tilespmem:s16+$0xFFFFFC80] =	vst v3;
	v3 =	vunpack.i.u.bf16.f32 v4;
	v4 =	vunpack.i.l.bf16.f32 v4;
	v8 =	vld [tilespmem:s18+$0x1D0]  }
0x129: {  	[tilespmem:s16+$0xFFFFFC90] =	vst v2;
	v2 =	vunpack.i.u.bf16.f32 v6;
	v6 =	vunpack.i.l.bf16.f32 v6;
	v12 =	vld [tilespmem:s18+$0x0]  }
0x12a: {  	[tilespmem:s16+$0xFFFFFD00] =	vst v7;
	v7 =	vunpack.i.u.bf16.f32 v5;
	v5 =	vunpack.i.l.bf16.f32 v5;
	v13 =	vld [tilespmem:s18+$0x40]  }
0x12b: {  	[tilespmem:s16+$0xFFFFFD10] =	vst v9;
	v9 =	vunpack.i.u.bf16.f32 v10;
	v10 =	vunpack.i.l.bf16.f32 v10;
	v14 =	vld [tilespmem:s18+$0x80]  }
0x12c: {  	[tilespmem:s16+$0xFFFFFD80] =	vst v4;
	v4 =	vunpack.i.u.bf16.f32 v11;
	v11 =	vunpack.i.l.bf16.f32 v11;
	v15 =	vld [tilespmem:s18+$0xC0]  }
0x12d: {  	[tilespmem:s16+$0xFFFFFD90] =	vst v3;
	v3 =	vld [tilespmem:s18+$0x100];
	v16 =	vunpack.i.l.bf16.f32 v8  }
0x12e: {  	v8 =	vunpack.i.u.bf16.f32 v8;
	v17 =	vunpack.i.u.bf16.f32 v12;
	v12 =	vunpack.i.l.bf16.f32 v12;
	v18 =	vld [tilespmem:s18+$0x140];
	[tilespmem:s16+$0x3A0] =	vst v16  }
0x12f: {  	v16 =	vunpack.i.u.bf16.f32 v13;
	v13 =	vunpack.i.l.bf16.f32 v13;
	v19 =	vld [tilespmem:s18+$0x180];
	[tilespmem:s16+$0x3B0] =	vst v8  }
0x130: {  	[tilespmem:s16+$0xFFFFFE00] =	vst v6;
	v6 =	vunpack.i.u.bf16.f32 v14;
	v8 =	vunpack.i.l.bf16.f32 v14;
	v14 =	vld [tilespmem:s18+$0x1E0]  }
0x131: {  	v20 =	vld [tilespmem:s18+$0xFFFFFE00];
	[tilespmem:s16+$0xFFFFFE10] =	vst v2;
	v21 =	vunpack.i.u.bf16.f32 v15;
	v15 =	vunpack.i.l.bf16.f32 v15  }
0x132: {  	v2 =	vld [tilespmem:s18+$0xFFFFFE50];
	[tilespmem:s16+$0xFFFFFE80] =	vst v5;
	v5 =	vunpack.i.u.bf16.f32 v3;
	v3 =	vunpack.i.l.bf16.f32 v3  }
0x133: {  	v22 =	vld [tilespmem:s18+$0xFFFFFE90];
	[tilespmem:s16+$0xFFFFFE90] =	vst v7;
	v7 =	vunpack.i.u.bf16.f32 v18;
	v18 =	vunpack.i.l.bf16.f32 v18  }
0x134: {  	v23 =	vld [tilespmem:s18+$0xFFFFFED0];
	[tilespmem:s16+$0xFFFFFF00] =	vst v10;
	v10 =	vunpack.i.u.bf16.f32 v19;
	v19 =	vunpack.i.l.bf16.f32 v19  }
0x135: {  	v24 =	vld [tilespmem:s18+$0xFFFFFF10];
	[tilespmem:s16+$0xFFFFFF10] =	vst v9;
	v9 =	vunpack.i.l.bf16.f32 v14  }
0x136: {  	v14 =	vunpack.i.u.bf16.f32 v14;
	v25 =	vunpack.i.u.bf16.f32 v20;
	v20 =	vunpack.i.l.bf16.f32 v20;
	v26 =	vld [tilespmem:s18+$0xFFFFFF50];
	[tilespmem:s16+$0x3C0] =	vst v9  }
0x137: {  	v9 =	vunpack.i.u.bf16.f32 v2;
	v27 =	vunpack.i.l.bf16.f32 v2;
	v2 =	vld [tilespmem:s18+$0xFFFFFF90];
	[tilespmem:s16+$0x3D0] =	vst v14  }
0x138: {  	[tilespmem:s16+$0xFFFFFC00] =	vst v20;
	v14 =	vunpack.i.u.bf16.f32 v22;
	v20 =	vunpack.i.l.bf16.f32 v22;
	v22 =	vld [tilespmem:s18+$0x1F0]  }
0x139: {  	[tilespmem:s16+$0xFFFFFC10] =	vst v25;
	v25 =	vunpack.i.u.bf16.f32 v23;
	v23 =	vunpack.i.l.bf16.f32 v23  }
0x13a: {  	v28 =	vld [tilespmem:s18+$0xFFFFFE10];
	v29 =	vunpack.i.u.bf16.f32 v24;
	v24 =	vunpack.i.l.bf16.f32 v24;
	[tilespmem:s16+$0xFFFFFF80] =	vst v11  }
0x13b: {  	v11 =	vunpack.i.u.bf16.f32 v26;
	v26 =	vunpack.i.l.bf16.f32 v26;
	[tilespmem:s16+$0xFFFFFF90] =	vst v4  }
0x13c: {  	v4 =	vunpack.i.u.bf16.f32 v2;
	v30 =	vunpack.i.l.bf16.f32 v2;
	v31 =	vld [tilespmem:s18+$0xFFFFFFD0];
	[tilespmem:s16+$0x0] =	vst v12  }
0x13d: {  	[tilespmem:s16+$0x10] =	vst v17;
	v12 =	vunpack.i.u.bf16.f32 v22;
	v2 =	vunpack.i.l.bf16.f32 v22  }
0x13e: {  	v17 =	vld [tilespmem:s18+$0x10];
	[tilespmem:s16+$0x3F0] =	vst v12  }
0x13f: {  	v12 =	vunpack.i.u.bf16.f32 v28;
	v22 =	vunpack.i.l.bf16.f32 v28;
	[tilespmem:s16+$0x80] =	vst v13  }
0x140: {  	[tilespmem:s16+$0x90] =	vst v16  }
0x141: {  	v13 =	vunpack.i.u.bf16.f32 v31;
	v16 =	vunpack.i.l.bf16.f32 v31;
	v28 =	vld [tilespmem:s18+$0x50];
	[tilespmem:s16+$0x100] =	vst v8  }
0x142: {  	[tilespmem:s16+$0x110] =	vst v6  }
0x143: {  	v6 =	vunpack.i.u.bf16.f32 v17;
	v8 =	vunpack.i.l.bf16.f32 v17;
	v17 =	vld [tilespmem:s18+$0x90];
	[tilespmem:s16+$0x180] =	vst v15  }
0x144: {  	[tilespmem:s16+$0x190] =	vst v21  }
0x145: {  	v15 =	vld [tilespmem:s18+$0xD0];
	[tilespmem:s16+$0x200] =	vst v3  }
0x146: {  	v3 =	vunpack.i.u.bf16.f32 v28;
	v21 =	vunpack.i.l.bf16.f32 v28;
	[tilespmem:s16+$0x210] =	vst v5  }
0x147: {  	v5 =	vld [tilespmem:s18+$0x110];
	[tilespmem:s16+$0x280] =	vst v18  }
0x148: {  	v18 =	vunpack.i.u.bf16.f32 v17;
	v17 =	vunpack.i.l.bf16.f32 v17;
	[tilespmem:s16+$0x290] =	vst v7  }
0x149: {  	v7 =	vld [tilespmem:s18+$0x150];
	[tilespmem:s16+$0x300] =	vst v19  }
0x14a: {  	v19 =	vunpack.i.u.bf16.f32 v15;
	v15 =	vunpack.i.l.bf16.f32 v15;
	[tilespmem:s16+$0x310] =	vst v10  }
0x14b: {  	[tilespmem:s16+$0xFFFFFC20] =	vst v22;
	v10 =	vld [tilespmem:s18+$0x190]  }
0x14c: {  	[tilespmem:s16+$0xFFFFFC30] =	vst v12;
	v12 =	vunpack.i.u.bf16.f32 v5;
	v5 =	vunpack.i.l.bf16.f32 v5  }
0x14d: {  	v22 =	vld [tilespmem:s18+$0xFFFFFE20];
	[tilespmem:s16+$0xFFFFFCA0] =	vst v27  }
0x14e: {  	[tilespmem:s16+$0xFFFFFCB0] =	vst v9;
	v9 =	vunpack.i.u.bf16.f32 v7;
	v7 =	vunpack.i.l.bf16.f32 v7  }
0x14f: {  	v27 =	vld [tilespmem:s18+$0xFFFFFE60];
	[tilespmem:s16+$0xFFFFFD20] =	vst v20  }
0x150: {  	[tilespmem:s16+$0xFFFFFD30] =	vst v14;
	v14 =	vunpack.i.u.bf16.f32 v10;
	v10 =	vunpack.i.l.bf16.f32 v10  }
0x151: {  	v20 =	vld [tilespmem:s18+$0xFFFFFEA0];
	[tilespmem:s16+$0xFFFFFDA0] =	vst v23  }
0x152: {  	v23 =	vunpack.i.u.bf16.f32 v22;
	v22 =	vunpack.i.l.bf16.f32 v22;
	[tilespmem:s16+$0xFFFFFDB0] =	vst v25  }
0x153: {  	v25 =	vld [tilespmem:s18+$0xFFFFFEE0];
	[tilespmem:s16+$0xFFFFFE20] =	vst v24  }
0x154: {  	v24 =	vunpack.i.u.bf16.f32 v27;
	v27 =	vunpack.i.l.bf16.f32 v27;
	[tilespmem:s16+$0xFFFFFE30] =	vst v29  }
0x155: {  	v28 =	vld [tilespmem:s18+$0xFFFFFF20];
	[tilespmem:s16+$0xFFFFFEA0] =	vst v26  }
0x156: {  	v26 =	vunpack.i.u.bf16.f32 v20;
	v20 =	vunpack.i.l.bf16.f32 v20;
	[tilespmem:s16+$0xFFFFFEB0] =	vst v11  }
0x157: {  	v11 =	vld [tilespmem:s18+$0xFFFFFF60];
	[tilespmem:s16+$0xFFFFFF20] =	vst v30  }
0x158: {  	v29 =	vunpack.i.u.bf16.f32 v25;
	v25 =	vunpack.i.l.bf16.f32 v25;
	[tilespmem:s16+$0xFFFFFF30] =	vst v4  }
0x159: {  	v4 =	vld [tilespmem:s18+$0xFFFFFFA0];
	[tilespmem:s16+$0xFFFFFFA0] =	vst v16  }
0x15a: {  	v16 =	vunpack.i.u.bf16.f32 v28;
	v28 =	vunpack.i.l.bf16.f32 v28;
	[tilespmem:s16+$0xFFFFFFB0] =	vst v13  }
0x15b: {  	v13 =	vld [tilespmem:s18+$0xFFFFFFE0];
	[tilespmem:s16+$0x20] =	vst v8  }
0x15c: {  	v8 =	vunpack.i.u.bf16.f32 v11;
	v11 =	vunpack.i.l.bf16.f32 v11;
	[tilespmem:s16+$0x30] =	vst v6  }
0x15d: {  	v6 =	vld [tilespmem:s18+$0x20];
	[tilespmem:s16+$0xA0] =	vst v21  }
0x15e: {  	v21 =	vunpack.i.u.bf16.f32 v4;
	v4 =	vunpack.i.l.bf16.f32 v4;
	[tilespmem:s16+$0xB0] =	vst v3  }
0x15f: {  	v3 =	vld [tilespmem:s18+$0x60];
	[tilespmem:s16+$0x120] =	vst v17  }
0x160: {  	v17 =	vunpack.i.u.bf16.f32 v13;
	v13 =	vunpack.i.l.bf16.f32 v13;
	[tilespmem:s16+$0x130] =	vst v18  }
0x161: {  	v18 =	vld [tilespmem:s18+$0xA0];
	[tilespmem:s16+$0x1A0] =	vst v15  }
0x162: {  	v15 =	vunpack.i.u.bf16.f32 v6;
	v6 =	vunpack.i.l.bf16.f32 v6;
	[tilespmem:s16+$0x1B0] =	vst v19  }
0x163: {  	v19 =	vld [tilespmem:s18+$0xE0];
	[tilespmem:s16+$0x220] =	vst v5  }
0x164: {  	v5 =	vunpack.i.u.bf16.f32 v3;
	v3 =	vunpack.i.l.bf16.f32 v3;
	[tilespmem:s16+$0x230] =	vst v12  }
0x165: {  	v12 =	vld [tilespmem:s18+$0x120];
	[tilespmem:s16+$0x2A0] =	vst v7  }
0x166: {  	v7 =	vunpack.i.u.bf16.f32 v18;
	v18 =	vunpack.i.l.bf16.f32 v18;
	[tilespmem:s16+$0x2B0] =	vst v9  }
0x167: {  	v9 =	vld [tilespmem:s18+$0x160];
	[tilespmem:s16+$0x320] =	vst v10  }
0x168: {  	v10 =	vunpack.i.u.bf16.f32 v19;
	v19 =	vunpack.i.l.bf16.f32 v19;
	[tilespmem:s16+$0x330] =	vst v14  }
0x169: {  	[tilespmem:s16+$0xFFFFFC40] =	vst v22;
	v14 =	vld [tilespmem:s18+$0x1A0]  }
0x16a: {  	[tilespmem:s16+$0xFFFFFC50] =	vst v23;
	v22 =	vunpack.i.u.bf16.f32 v12;
	v12 =	vunpack.i.l.bf16.f32 v12  }
0x16b: {  	v23 =	vld [tilespmem:s18+$0xFFFFFE30];
	[tilespmem:s16+$0xFFFFFCC0] =	vst v27  }
0x16c: {  	[tilespmem:s16+$0xFFFFFCD0] =	vst v24;
	v24 =	vunpack.i.u.bf16.f32 v9;
	v9 =	vunpack.i.l.bf16.f32 v9  }
0x16d: {  	v27 =	vld [tilespmem:s18+$0xFFFFFE70];
	[tilespmem:s16+$0xFFFFFD40] =	vst v20  }
0x16e: {  	[tilespmem:s16+$0xFFFFFD50] =	vst v26;
	v20 =	vunpack.i.u.bf16.f32 v14;
	v14 =	vunpack.i.l.bf16.f32 v14  }
0x16f: {  	v26 =	vld [tilespmem:s18+$0xFFFFFEB0];
	[tilespmem:s16+$0xFFFFFDC0] =	vst v25  }
0x170: {  	v25 =	vunpack.i.u.bf16.f32 v23;
	v23 =	vunpack.i.l.bf16.f32 v23;
	[tilespmem:s16+$0xFFFFFDD0] =	vst v29  }
0x171: {  	v29 =	vld [tilespmem:s18+$0xFFFFFEF0];
	[tilespmem:s16+$0xFFFFFE40] =	vst v28  }
0x172: {  	v28 =	vunpack.i.u.bf16.f32 v27;
	v27 =	vunpack.i.l.bf16.f32 v27;
	[tilespmem:s16+$0xFFFFFE50] =	vst v16  }
0x173: {  	v16 =	vld [tilespmem:s18+$0xFFFFFF30];
	[tilespmem:s16+$0xFFFFFEC0] =	vst v11  }
0x174: {  	v11 =	vunpack.i.u.bf16.f32 v26;
	v26 =	vunpack.i.l.bf16.f32 v26;
	[tilespmem:s16+$0xFFFFFED0] =	vst v8  }
0x175: {  	v8 =	vld [tilespmem:s18+$0xFFFFFF70];
	[tilespmem:s16+$0xFFFFFF40] =	vst v4  }
0x176: {  	v30 =	vunpack.i.u.bf16.f32 v29;
	v29 =	vunpack.i.l.bf16.f32 v29;
	[tilespmem:s16+$0xFFFFFF50] =	vst v21  }
0x177: {  	v4 =	vld [tilespmem:s18+$0xFFFFFFB0];
	[tilespmem:s16+$0xFFFFFFC0] =	vst v13  }
0x178: {  	v13 =	vunpack.i.u.bf16.f32 v16;
	v16 =	vunpack.i.l.bf16.f32 v16;
	[tilespmem:s16+$0xFFFFFFD0] =	vst v17  }
0x179: {  	v17 =	vld [tilespmem:s18+$0xFFFFFFF0];
	[tilespmem:s16+$0x40] =	vst v6  }
0x17a: {  	v21 =	vunpack.i.u.bf16.f32 v8;
	v8 =	vunpack.i.l.bf16.f32 v8;
	[tilespmem:s16+$0x50] =	vst v15  }
0x17b: {  	v6 =	vld [tilespmem:s18+$0x30];
	[tilespmem:s16+$0xC0] =	vst v3  }
0x17c: {  	v15 =	vunpack.i.u.bf16.f32 v4;
	v31 =	vunpack.i.l.bf16.f32 v4;
	[tilespmem:s16+$0xD0] =	vst v5  }
0x17d: {  	v3 =	vld [tilespmem:s18+$0x70];
	[tilespmem:s16+$0x140] =	vst v18  }
0x17e: {  	v18 =	vunpack.i.u.bf16.f32 v17;
	v17 =	vunpack.i.l.bf16.f32 v17;
	[tilespmem:s16+$0x150] =	vst v7  }
0x17f: {  	v4 =	vld [tilespmem:s18+$0xB0];
	[tilespmem:s16+$0x1C0] =	vst v19  }
0x180: {  	v19 =	vunpack.i.u.bf16.f32 v6;
	v32 =	vunpack.i.l.bf16.f32 v6;
	[tilespmem:s16+$0x1D0] =	vst v10  }
0x181: {  	v5 =	vld [tilespmem:s18+$0xF0];
	[tilespmem:s16+$0x240] =	vst v12  }
0x182: {  	v10 =	vunpack.i.u.bf16.f32 v3;
	v12 =	vunpack.i.l.bf16.f32 v3;
	[tilespmem:s16+$0x250] =	vst v22  }
0x183: {  	v6 =	vld [tilespmem:s18+$0x130];
	[tilespmem:s16+$0x2C0] =	vst v9  }
0x184: {  	v9 =	vunpack.i.u.bf16.f32 v4;
	v22 =	vunpack.i.l.bf16.f32 v4;
	[tilespmem:s16+$0x2D0] =	vst v24  }
0x185: {  	v7 =	vld [tilespmem:s18+$0x170];
	[tilespmem:s16+$0x340] =	vst v14  }
0x186: {  	v14 =	vunpack.i.u.bf16.f32 v5;
	v24 =	vunpack.i.l.bf16.f32 v5;
	[tilespmem:s16+$0x350] =	vst v20  }
0x187: {  	[tilespmem:s16+$0xFFFFFC60] =	vst v23;
	v20 =	vld [tilespmem:s18+$0x1B0]  }
0x188: {  	[tilespmem:s16+$0xFFFFFC70] =	vst v25;
	v3 =	vunpack.i.u.bf16.f32 v6;
	v23 =	vunpack.i.l.bf16.f32 v6  }
0x189: {  	[tilespmem:s16+$0xFFFFFCE0] =	vst v27  }
0x18a: {  	[tilespmem:s16+$0xFFFFFCF0] =	vst v28;
	v4 =	vunpack.i.u.bf16.f32 v7;
	v7 =	vunpack.i.l.bf16.f32 v7  }
0x18b: {  	[tilespmem:s16+$0xFFFFFD60] =	vst v26  }
0x18c: {  	[tilespmem:s16+$0xFFFFFD70] =	vst v11;
	v5 =	vunpack.i.u.bf16.f32 v20;
	v6 =	vunpack.i.l.bf16.f32 v20  }
0x18d: {  	[tilespmem:s16+$0xFFFFFDE0] =	vst v29  }
0x18e: {  	[tilespmem:s16+$0xFFFFFDF0] =	vst v30  }
0x18f: {  	[tilespmem:s16+$0xFFFFFE60] =	vst v16  }
0x190: {  	[tilespmem:s16+$0xFFFFFE70] =	vst v13  }
0x191: {  	[tilespmem:s16+$0xFFFFFEE0] =	vst v8  }
0x192: {  	[tilespmem:s16+$0xFFFFFEF0] =	vst v21  }
0x193: {  	[tilespmem:s16+$0xFFFFFF60] =	vst v31  }
0x194: {  	[tilespmem:s16+$0xFFFFFF70] =	vst v15  }
0x195: {  	[tilespmem:s16+$0xFFFFFFE0] =	vst v17  }
0x196: {  	[tilespmem:s16+$0xFFFFFFF0] =	vst v18  }
0x197: {  	[tilespmem:s16+$0x60] =	vst v32  }
0x198: {  	[tilespmem:s16+$0x70] =	vst v19  }
0x199: {  	[tilespmem:s16+$0xE0] =	vst v12  }
0x19a: {  	[tilespmem:s16+$0xF0] =	vst v10  }
.Ltmp2:
0x19b: {  	[tilespmem:s16+$0x160] =	vst v22;
	(pc) =	sbr.rel @p1 .LBB2_8-.Ltmp2, $4  }
0x19c: {  	[tilespmem:s16+$0x170] =	vst v9  }
0x19d: {  	[tilespmem:s16+$0x1E0] =	vst v24  }
0x19e: {  	[tilespmem:s16+$0x1F0] =	vst v14  }
0x19f: {  	s18 =	sadd.s32 $0x400, s18;
	[tilespmem:s16+$0x260] =	vst v23  }
0x1a0: {  	[tilespmem:s16+$0x270] =	vst v3  }
0x1a1: {  	[tilespmem:s16+$0x2E0] =	vst v7  }
0x1a2: {  	[tilespmem:s16+$0x2F0] =	vst v4  }
0x1a3: {  	[tilespmem:s16+$0x360] =	vst v6  }
0x1a4: {  	[tilespmem:s16+$0x370] =	vst v5;
	s17 =	sshll.u32 s15, $0xD;
	s13 =	sshll.u32 s13, $0x6  }
0x1a5: {  	[tilespmem:s16+$0x3E0] =	vst v2;
	s19 =	sadd.s32 $0x3, s15;
	s17 =	sadd.s32 $0x16800, s17;
	s18 =	sadd.s32 $0x14000, s13  }
0x1a6: {  	[spmem:s28] =	stream.indirect.scatter.add.f32 [tilespmem:s17], [sflag:s19], $0x80, s18, s4, $0xb8;
	[tilespmem:$0x1F800] =	vst v63  }
0x1a7: {  	v2 =	vld [tilespmem:s13+$0x14000]  }
0x1a8: {  	v3 =	vld [tilespmem:s13+$0x14400];
	_ =	sdelay $0x6  }
0x1a9: {  	[tilespmem:v2+s24+$0x0] =	vst.idx.add.f32.msk $0xffff, v1  }
0x1aa: {  	[tilespmem:v3+s6+$0x0] =	vst.idx.add.f32.msk $0xffff, v1  }
0x1ab: {  	v2 =	vld [tilespmem:s13+$0x14010]  }
0x1ac: {  	v3 =	vld [tilespmem:s13+$0x14410];
	_ =	sdelay $0x6  }
0x1ad: {  	[tilespmem:v2+s24+$0x0] =	vst.idx.add.f32.msk $0xffff, v1  }
0x1ae: {  	[tilespmem:v3+s6+$0x0] =	vst.idx.add.f32.msk $0xffff, v1  }
0x1af: {  	v2 =	vld [tilespmem:s13+$0x14020]  }
0x1b0: {  	v3 =	vld [tilespmem:s13+$0x14420];
	_ =	sdelay $0x6  }
0x1b1: {  	[tilespmem:v2+s24+$0x0] =	vst.idx.add.f32.msk $0xffff, v1  }
0x1b2: {  	[tilespmem:v3+s6+$0x0] =	vst.idx.add.f32.msk $0xffff, v1  }
0x1b3: {  	v2 =	vld [tilespmem:s13+$0x14030]  }
0x1b4: {  	v3 =	vld [tilespmem:s13+$0x14430];
	_ =	sdelay $0x2  }
0x1b5: {  	p1 =	sne.s32 s14, $0x10  }
.Ltmp3:
0x1b6: {  	_ = 	snop;
	(pc) =	sbr.rel @p1 .LBB2_7-.Ltmp3, $3  }
0x1b7: {  	_ =	sdelay $0x1  }
0x1b8: {  	[tilespmem:v2+s24+$0x0] =	vst.idx.add.f32.msk $0xffff, v1  }
0x1b9: {  	p0 =	por !p0, !p0;
	s13 =	smov.u32 s14;
	[tilespmem:v3+s6+$0x0] =	vst.idx.add.f32.msk $0xffff, v1  }
0x1ba: {  	s12 =	sadd.s32 $0x1, s12  }
0x1bb: {  	_ =	swait.ge [sflag:s7], $0x2000;
	p0 =	seq.s32 s12, $0xA  }
.Ltmp4:
0x1bc: {  	[sflag:s7] =	ssyncset.done $0x0;
	(pc) =	sbr.rel @!p0 .LBB2_6-.Ltmp4, $4  }
0x1bd: {  	[sflag:s7] =	ssyncadd.s32 $0xFFFFE000  }
0x1be: {  	_ =	swait.ge [sflag:s8], $0x2000  }
0x1bf: {  	[sflag:s8] =	ssyncset.done $0x0  }
0x1c0: {  	[sflag:s8] =	ssyncadd.s32 $0xFFFFE000  }
0x1c1: {  	s11 =	rddreg [dreg:$0x3]  }
0x1c2: {  	[hbm4b:s11+s1] =	stream.linear.scatter [tilespmem:s24], [sflag:$0x5], $0x500, $0x38;
	[tilespmem:$0x1F800] =	vst v63  }
0x1c3: {  	_ =	swait.ge [sflag:s25], $0x500  }
0x1c4: {  	[sflag:s25] =	ssyncset.done $0x0  }
0x1c5: {  	s18 =	rddreg [dreg:$0x4];
	[sflag:s25] =	ssyncadd.s32 $0xFFFFFB00  }
0x1c6: {  	[hbm4b:s18+s1] =	stream.linear.scatter [tilespmem:s6], [sflag:$0x5], $0x500, $0x38;
	[tilespmem:$0x1F800] =	vst v63  }
0x1c7: {  	_ =	swait.ge [sflag:s25], $0x500  }
0x1c8: {  	[sflag:s25] =	ssyncset.done $0x0  }
0x1c9: {  	s12 =	simm.s32 $0x1AD00;
	s19 =	rddreg [dreg:$0x5];
	[sflag:s25] =	ssyncadd.s32 $0xFFFFFB00  }
0x1ca: {  	[hbm4b:s19+s1] =	stream.linear.scatter [tilespmem:s12], [sflag:$0x5], $0x500, $0x38;
	[tilespmem:$0x1F800] =	vst v63  }
0x1cb: {  	_ =	swait.ge [sflag:s25], $0x500  }
0x1cc: {  	[sflag:s25] =	ssyncset.done $0x0  }
0x1cd: {  	s13 =	simm.s32 $0x1D500;
	s12 =	rddreg [dreg:$0x6];
	[sflag:s25] =	ssyncadd.s32 $0xFFFFFB00  }
0x1ce: {  	[hbm4b:s12+s1] =	stream.linear.scatter [tilespmem:s13], [sflag:$0x5], $0x500, $0x38;
	[tilespmem:$0x1F800] =	vst v63  }
0x1cf: {  	_ =	swait.ge [sflag:s25], $0x500  }
0x1d0: {  	[sflag:s25] =	ssyncset.done $0x0  }
0x1d1: {  	s15 =	simm.s32 $0x1B200;
	s14 =	rddreg [dreg:$0x7];
	[sflag:s25] =	ssyncadd.s32 $0xFFFFFB00  }
0x1d2: {  	[hbm4b:s14+s1] =	stream.linear.scatter [tilespmem:s15], [sflag:$0x5], $0x500, $0x38;
	[tilespmem:$0x1F800] =	vst v63  }
0x1d3: {  	_ =	swait.ge [sflag:s25], $0x500  }
0x1d4: {  	[sflag:s25] =	ssyncset.done $0x0  }
0x1d5: {  	s17 =	simm.s32 $0x1DA00;
	s16 =	rddreg [dreg:$0x8];
	[sflag:s25] =	ssyncadd.s32 $0xFFFFFB00  }
0x1d6: {  	[hbm4b:s16+s1] =	stream.linear.scatter [tilespmem:s17], [sflag:$0x5], $0x500, $0x38;
	[tilespmem:$0x1F800] =	vst v63  }
0x1d7: {  	_ =	swait.ge [sflag:s25], $0x500  }
0x1d8: {  	[sflag:s25] =	ssyncset.done $0x0  }
0x1d9: {  	s19 =	simm.s32 $0x1B700;
	s18 =	rddreg [dreg:$0x9];
	[sflag:s25] =	ssyncadd.s32 $0xFFFFFB00  }
0x1da: {  	[hbm4b:s18+s1] =	stream.linear.scatter [tilespmem:s19], [sflag:$0x5], $0x500, $0x38;
	[tilespmem:$0x1F800] =	vst v63  }
0x1db: {  	_ =	swait.ge [sflag:s25], $0x500  }
0x1dc: {  	[sflag:s25] =	ssyncset.done $0x0  }
0x1dd: {  	s13 =	simm.s32 $0x1DF00;
	s12 =	rddreg [dreg:$0xa];
	[sflag:s25] =	ssyncadd.s32 $0xFFFFFB00  }
0x1de: {  	[hbm4b:s12+s1] =	stream.linear.scatter [tilespmem:s13], [sflag:$0x5], $0x500, $0x38;
	[tilespmem:$0x1F800] =	vst v63  }
0x1df: {  	_ =	swait.ge [sflag:s25], $0x500  }
0x1e0: {  	[sflag:s25] =	ssyncset.done $0x0  }
0x1e1: {  	s15 =	simm.s32 $0x1BC00;
	s14 =	rddreg [dreg:$0xb];
	[sflag:s25] =	ssyncadd.s32 $0xFFFFFB00  }
0x1e2: {  	[hbm4b:s14+s1] =	stream.linear.scatter [tilespmem:s15], [sflag:$0x5], $0x500, $0x38;
	[tilespmem:$0x1F800] =	vst v63  }
0x1e3: {  	_ =	swait.ge [sflag:s25], $0x500  }
0x1e4: {  	[sflag:s25] =	ssyncset.done $0x0  }
0x1e5: {  	s17 =	simm.s32 $0x1E400;
	s16 =	rddreg [dreg:$0xc];
	[sflag:s25] =	ssyncadd.s32 $0xFFFFFB00  }
0x1e6: {  	[hbm4b:s16+s1] =	stream.linear.scatter [tilespmem:s17], [sflag:$0x5], $0x500, $0x38;
	[tilespmem:$0x1F800] =	vst v63  }
0x1e7: {  	_ =	swait.ge [sflag:s25], $0x500  }
0x1e8: {  	[sflag:s25] =	ssyncset.done $0x0  }
0x1e9: {  	s19 =	simm.s32 $0x1C100;
	s18 =	rddreg [dreg:$0xd];
	[sflag:s25] =	ssyncadd.s32 $0xFFFFFB00  }
0x1ea: {  	[hbm4b:s18+s1] =	stream.linear.scatter [tilespmem:s19], [sflag:$0x5], $0x500, $0x38;
	[tilespmem:$0x1F800] =	vst v63  }
0x1eb: {  	_ =	swait.ge [sflag:s25], $0x500  }
0x1ec: {  	[sflag:s25] =	ssyncset.done $0x0  }
0x1ed: {  	s13 =	simm.s32 $0x1E900;
	s12 =	rddreg [dreg:$0xe];
	[sflag:s25] =	ssyncadd.s32 $0xFFFFFB00  }
0x1ee: {  	[hbm4b:s12+s1] =	stream.linear.scatter [tilespmem:s13], [sflag:$0x5], $0x500, $0x38;
	[tilespmem:$0x1F800] =	vst v63  }
0x1ef: {  	_ =	swait.ge [sflag:s25], $0x500  }
0x1f0: {  	[sflag:s25] =	ssyncset.done $0x0  }
0x1f1: {  	s15 =	simm.s32 $0x1C600;
	s14 =	rddreg [dreg:$0xf];
	[sflag:s25] =	ssyncadd.s32 $0xFFFFFB00  }
0x1f2: {  	[hbm4b:s14+s1] =	stream.linear.scatter [tilespmem:s15], [sflag:$0x5], $0x500, $0x38;
	[tilespmem:$0x1F800] =	vst v63  }
0x1f3: {  	_ =	swait.ge [sflag:s25], $0x500  }
0x1f4: {  	[sflag:s25] =	ssyncset.done $0x0  }
0x1f5: {  	s17 =	simm.s32 $0x1EE00;
	s16 =	rddreg [dreg:$0x10];
	[sflag:s25] =	ssyncadd.s32 $0xFFFFFB00  }
0x1f6: {  	[hbm4b:s16+s1] =	stream.linear.scatter [tilespmem:s17], [sflag:$0x5], $0x500, $0x38;
	[tilespmem:$0x1F800] =	vst v63  }
0x1f7: {  	_ =	swait.ge [sflag:s25], $0x500  }
0x1f8: {  	[sflag:s25] =	ssyncset.done $0x0  }
0x1f9: {  	s19 =	simm.s32 $0x1CB00;
	s18 =	rddreg [dreg:$0x11];
	[sflag:s25] =	ssyncadd.s32 $0xFFFFFB00  }
0x1fa: {  	[hbm4b:s18+s1] =	stream.linear.scatter [tilespmem:s19], [sflag:$0x5], $0x500, $0x38;
	[tilespmem:$0x1F800] =	vst v63  }
0x1fb: {  	_ =	swait.ge [sflag:s25], $0x500  }
0x1fc: {  	[sflag:s25] =	ssyncset.done $0x0  }
0x1fd: {  	s14 =	simm.s32 $0x1F300;
	s13 =	rddreg [dreg:$0x12];
	[sflag:s25] =	ssyncadd.s32 $0xFFFFFB00  }
0x1fe: {  	[hbm4b:s13+s1] =	stream.linear.scatter [tilespmem:s14], [sflag:$0x5], $0x500, $0x38;
	[tilespmem:$0x1F800] =	vst v63  }
0x1ff: {  	_ =	swait.ge [sflag:s25], $0x500  }
0x200: {  	[sflag:s25] =	ssyncset.done $0x0  }
0x201: {  	[sflag:s25] =	ssyncadd.s32 $0xFFFFFB00  }
0x202: {  	[bflag:$0x0] =	sbarrier.arrive $0xFFFF  }
0x203: {  	s15 =	rddreg [dreg:$0x1d]  }
0x204: {  	[tilespmem:s9], [sflag:$0x5] =	stream.linear.gather [spmem:s15], $0x2000, $0x38;
	[tilespmem:$0x1F800] =	vst v63  }
0x205: {  	_ =	swait.ge [sflag:s25], $0x2000  }
0x206: {  	[sflag:s25] =	ssyncset.done $0x0  }
0x207: {  	s16 =	rddreg [dreg:$0x13];
	[sflag:s25] =	ssyncadd.s32 $0xFFFFE000  }
0x208: {  	[hbm4b:s16+s1] =	stream.linear.scatter [tilespmem:s9], [sflag:$0x5], $0x2000, $0x38;
	[tilespmem:$0x1F800] =	vst v63  }
0x209: {  	_ =	swait.ge [sflag:s25], $0x2000  }
0x20a: {  	[sflag:s25] =	ssyncset.done $0x0  }
0x20b: {  	s17 =	rddreg [dreg:$0x1f];
	[sflag:s25] =	ssyncadd.s32 $0xFFFFE000  }
0x20c: {  	[tilespmem:s9], [sflag:$0x5] =	stream.linear.gather [spmem:s17], $0x2000, $0x38;
	[tilespmem:$0x1F800] =	vst v63  }
0x20d: {  	_ =	swait.ge [sflag:s25], $0x2000  }
0x20e: {  	[sflag:s25] =	ssyncset.done $0x0  }
0x20f: {  	s18 =	rddreg [dreg:$0x14];
	[sflag:s25] =	ssyncadd.s32 $0xFFFFE000  }
0x210: {  	[hbm4b:s18+s1] =	stream.linear.scatter [tilespmem:s9], [sflag:$0x5], $0x2000, $0x38;
	[tilespmem:$0x1F800] =	vst v63  }
0x211: {  	_ =	swait.ge [sflag:s25], $0x2000  }
0x212: {  	s19 =	sld [smem:$0x7F1]  }
0x213: {  	[sflag:s25] =	ssyncset.done $0x0  }
0x214: {  	[sflag:s25] =	ssyncadd.s32 $0xFFFFE000  }
0x215: {  	[tilespmem:s9], [sflag:$0x5] =	stream.linear.gather [spmem:s19], $0x2000, $0x38;
	[tilespmem:$0x1F800] =	vst v63  }
0x216: {  	_ =	swait.ge [sflag:s25], $0x2000  }
0x217: {  	[sflag:s25] =	ssyncset.done $0x0  }
0x218: {  	s12 =	rddreg [dreg:$0x15];
	[sflag:s25] =	ssyncadd.s32 $0xFFFFE000  }
0x219: {  	[hbm4b:s12+s1] =	stream.linear.scatter [tilespmem:s9], [sflag:$0x5], $0x2000, $0x38;
	[tilespmem:$0x1F800] =	vst v63  }
0x21a: {  	_ =	swait.ge [sflag:s25], $0x2000  }
0x21b: {  	s13 =	sld [smem:$0x7F2]  }
0x21c: {  	[sflag:s25] =	ssyncset.done $0x0  }
0x21d: {  	[sflag:s25] =	ssyncadd.s32 $0xFFFFE000  }
0x21e: {  	[tilespmem:s9], [sflag:$0x5] =	stream.linear.gather [spmem:s13], $0x2000, $0x38;
	[tilespmem:$0x1F800] =	vst v63  }
0x21f: {  	_ =	swait.ge [sflag:s25], $0x2000  }
0x220: {  	[sflag:s25] =	ssyncset.done $0x0  }
0x221: {  	s14 =	rddreg [dreg:$0x16];
	[sflag:s25] =	ssyncadd.s32 $0xFFFFE000  }
0x222: {  	[hbm4b:s14+s1] =	stream.linear.scatter [tilespmem:s9], [sflag:$0x5], $0x2000, $0x38;
	[tilespmem:$0x1F800] =	vst v63  }
0x223: {  	_ =	swait.ge [sflag:s25], $0x2000  }
0x224: {  	s15 =	sld [smem:$0x7F3]  }
0x225: {  	[sflag:s25] =	ssyncset.done $0x0  }
0x226: {  	[sflag:s25] =	ssyncadd.s32 $0xFFFFE000  }
0x227: {  	[tilespmem:s9], [sflag:$0x5] =	stream.linear.gather [spmem:s15], $0x2000, $0x38;
	[tilespmem:$0x1F800] =	vst v63  }
0x228: {  	_ =	swait.ge [sflag:s25], $0x2000  }
0x229: {  	[sflag:s25] =	ssyncset.done $0x0  }
0x22a: {  	s16 =	rddreg [dreg:$0x17];
	[sflag:s25] =	ssyncadd.s32 $0xFFFFE000  }
0x22b: {  	[hbm4b:s16+s1] =	stream.linear.scatter [tilespmem:s9], [sflag:$0x5], $0x2000, $0x38;
	[tilespmem:$0x1F800] =	vst v63  }
0x22c: {  	_ =	swait.ge [sflag:s25], $0x2000  }
0x22d: {  	s17 =	sld [smem:$0x7F4]  }
0x22e: {  	[sflag:s25] =	ssyncset.done $0x0  }
0x22f: {  	[sflag:s25] =	ssyncadd.s32 $0xFFFFE000  }
0x230: {  	[tilespmem:s9], [sflag:$0x5] =	stream.linear.gather [spmem:s17], $0x2000, $0x38;
	[tilespmem:$0x1F800] =	vst v63  }
0x231: {  	_ =	swait.ge [sflag:s25], $0x2000  }
0x232: {  	[sflag:s25] =	ssyncset.done $0x0  }
0x233: {  	s18 =	rddreg [dreg:$0x18];
	[sflag:s25] =	ssyncadd.s32 $0xFFFFE000  }
0x234: {  	[hbm4b:s18+s1] =	stream.linear.scatter [tilespmem:s9], [sflag:$0x5], $0x2000, $0x38;
	[tilespmem:$0x1F800] =	vst v63  }
0x235: {  	_ =	swait.ge [sflag:s25], $0x2000  }
0x236: {  	s19 =	sld [smem:$0x7F5]  }
0x237: {  	[sflag:s25] =	ssyncset.done $0x0  }
0x238: {  	[sflag:s25] =	ssyncadd.s32 $0xFFFFE000  }
0x239: {  	[tilespmem:s9], [sflag:$0x5] =	stream.linear.gather [spmem:s19], $0x2000, $0x38;
	[tilespmem:$0x1F800] =	vst v63  }
0x23a: {  	_ =	swait.ge [sflag:s25], $0x2000  }
0x23b: {  	[sflag:s25] =	ssyncset.done $0x0  }
0x23c: {  	s12 =	rddreg [dreg:$0x19];
	[sflag:s25] =	ssyncadd.s32 $0xFFFFE000  }
0x23d: {  	[hbm4b:s12+s1] =	stream.linear.scatter [tilespmem:s9], [sflag:$0x5], $0x2000, $0x38;
	[tilespmem:$0x1F800] =	vst v63  }
0x23e: {  	_ =	swait.ge [sflag:s25], $0x2000  }
0x23f: {  	s13 =	sld [smem:$0x7F6]  }
0x240: {  	[sflag:s25] =	ssyncset.done $0x0  }
0x241: {  	[sflag:s25] =	ssyncadd.s32 $0xFFFFE000  }
0x242: {  	[tilespmem:s9], [sflag:$0x5] =	stream.linear.gather [spmem:s13], $0x2000, $0x38;
	[tilespmem:$0x1F800] =	vst v63  }
0x243: {  	_ =	swait.ge [sflag:s25], $0x2000  }
0x244: {  	[sflag:s25] =	ssyncset.done $0x0  }
0x245: {  	s14 =	rddreg [dreg:$0x1a];
	[sflag:s25] =	ssyncadd.s32 $0xFFFFE000  }
0x246: {  	[hbm4b:s14+s1] =	stream.linear.scatter [tilespmem:s9], [sflag:$0x5], $0x2000, $0x38;
	[tilespmem:$0x1F800] =	vst v63  }
0x247: {  	_ =	swait.ge [sflag:s25], $0x2000  }
0x248: {  	s15 =	sld [smem:$0x7F7]  }
0x249: {  	[sflag:s25] =	ssyncset.done $0x0  }
0x24a: {  	[sflag:s25] =	ssyncadd.s32 $0xFFFFE000  }
0x24b: {  	[tilespmem:s9], [sflag:$0x5] =	stream.linear.gather [spmem:s15], $0x2000, $0x38;
	[tilespmem:$0x1F800] =	vst v63  }
0x24c: {  	_ =	swait.ge [sflag:s25], $0x2000  }
0x24d: {  	[sflag:s25] =	ssyncset.done $0x0  }
0x24e: {  	s16 =	rddreg [dreg:$0x1b];
	[sflag:s25] =	ssyncadd.s32 $0xFFFFE000  }
0x24f: {  	[hbm4b:s16+s1] =	stream.linear.scatter [tilespmem:s9], [sflag:$0x5], $0x2000, $0x38;
	[tilespmem:$0x1F800] =	vst v63  }
0x250: {  	_ =	swait.ge [sflag:s25], $0x2000  }
0x251: {  	s17 =	sld [smem:$0x7F8]  }
0x252: {  	[sflag:s25] =	ssyncset.done $0x0  }
0x253: {  	[sflag:s25] =	ssyncadd.s32 $0xFFFFE000  }
0x254: {  	[tilespmem:s9], [sflag:$0x5] =	stream.linear.gather [spmem:s17], $0x2000, $0x38;
	[tilespmem:$0x1F800] =	vst v63  }
0x255: {  	_ =	swait.ge [sflag:s25], $0x2000  }
0x256: {  	[sflag:s25] =	ssyncset.done $0x0  }
0x257: {  	s18 =	rddreg [dreg:$0x1c];
	[sflag:s25] =	ssyncadd.s32 $0xFFFFE000  }
0x258: {  	[hbm4b:s18+s1] =	stream.linear.scatter [tilespmem:s9], [sflag:$0x5], $0x2000, $0x38;
	[tilespmem:$0x1F800] =	vst v63  }
0x259: {  	_ =	swait.ge [sflag:s25], $0x2000  }
0x25a: {  	s10 =	sadd.s32 $0x1, s10;
	s19 =	rddreg [dreg:$0x1e]  }
0x25b: {  	p0 =	seq.s32 s10, s19  }
.Ltmp5:
0x25c: {  	_ = 	snop;
	(pc) =	sbr.rel @!p0 .LBB2_1-.Ltmp5, $3  }
0x25d: {  	_ =	sdelay $0x1  }
0x25e: {  	[sflag:s25] =	ssyncset.done $0x0  }
0x25f: {  	[sflag:s25] =	ssyncadd.s32 $0xFFFFE000  }
0x260: {  	_ =	sfence.sel $0x180000  }
0x261: {  	[bflag:$0x0] =	sbarrier.arrive $0xFFFF  }
0x262: {  	_ =	strace $0x90000047  }
0x263: {  	s0 =	stileid.u32;
	[bflag:$0x2] =	sbarrier.arrive $0xFFFF  }
0x264: {  	p0 =	sne.s32 s0, $0x0;
	s0 =	rddreg [dreg:$0x2]  }
0x265: {  	s0 =	sadd.s32 @!p0 $0x100000, s0  }
0x266: {  	[sflag:s0] =	ssyncadd.tile.s32 @!p0 $0x1;
	_ =	shalt  }
.Lfunc_end2:
_tile_overlayer_lowered:
.L_overlay_start_2:
0x267: {  	(tag) =	ssettag $0x2  }
0x268: {  	s0 =	rddreg [dreg:$0x0];
	s2 =	stileid.u32  }
0x269: {  	s1 =	rddreg [dreg:$0x1];
	p0 =	sne.s32 s2, $0x0  }
0x26a: {  	s3 =	rddreg [dreg:$0x2];
	[bflag:$0x3] =	sbarrier.arrive $0xFFFF;
	s2 =	simm.s32 @!p0 $0x1C05  }
0x26b: {  	[timem:s3], [sflag:s2] =	dma.local @!p0 [hbm:s0], s1  }
0x26c: {  	s0 =	simm.s32 @!p0 $0x5  }
0x26d: {  	_ =	swait.ge @!p0 [sflag:s0], s1  }
0x26e: {  	s1 =	ssub.s32 @!p0 $0x0, s1;
	[sflag:s0] =	ssyncset.done @!p0 $0x0  }
0x26f: {  	[sflag:s0] =	ssyncadd.s32 @!p0 s1  }
0x270: {  	[bflag:$0x3] =	sbarrier.arrive $0xFFFF  }
0x271: {  	_ =	shalt  }

// kernel: kernel.8.cloned.1.call-start
scs
__scs_entry_jumppad:
0x0: {  	(pc) =	sbr.rel $0x88, $3  }
0x1: {  	(tag) =	ssettag $0x0;
	lr =	simm.s32 $0x1  }
0x2: {  	[smem:$0x3F92] =	sst lr;
	_ =	strace $0xD0000000  }
0x3: {  	_ = 	snop  }
0x4: {  	_ = 	snop  }
0x5: {  	_ = 	snop  }
0x6: {  	_ = 	snop  }
0x7: {  	_ = 	snop  }
__scs_overlays_trampoline_lowered:
0x8: {  	[smem:$0x3FA1] =	sst s0  }
0x9: {  	[smem:$0x3FA2] =	sst s1  }
0xa: {  	[smem:$0x3FA3] =	sst s2  }
0xb: {  	[smem:$0x3FA4] =	sst s3  }
0xc: {  	[smem:$0x3FA5] =	sst s4  }
0xd: {  	[smem:$0x3FA6] =	sst s5  }
0xe: {  	[smem:$0x3FA7] =	sst s6  }
0xf: {  	[smem:$0x3FA8] =	sst s7  }
0x10: {  	[smem:$0x3FA9] =	sst s8  }
0x11: {  	[smem:$0x3FAA] =	sst s9;
	s0 =	simm.s32 @!p0 $0x0  }
0x12: {  	s1 =	sld [smem:$0x3F90];
	s0 =	simm.s32 @p0 $0x1  }
0x13: {  	[smem:$0x3FAB] =	sst s0;
	s0 =	simm.s32 @!p1 $0x0  }
0x14: {  	s2 =	sld [smem:$0x3F8F];
	s0 =	simm.s32 @p1 $0x1  }
0x15: {  	[smem:$0x3FAC] =	sst s0;
	s0 =	simm.s32 @!p2 $0x0  }
0x16: {  	s3 =	sld [smem:$0x3FDB];
	s0 =	simm.s32 @p2 $0x1  }
0x17: {  	s4 =	simm.s32 $0x1BF5;
	[smem:$0x3FAE] =	sst s0  }
0x18: {  	s0 =	sld [smem:$0x3F91];
	_ =	swait.ge [sflag:s4], $0x0  }
0x19: {  	s7 =	sld [smem:$0x3F92]  }
0x1a: {  	s8 =	sadd.s32 $0xFFFFE003, lr  }
0x1b: {  	s9 =	sadd.s32 $0xFFFFFEF7, lr;
	s5 =	simm.s32 $0xFFFFFFFF;
	p2 =	slt.u32 s8, $0xFFFFF086  }
0x1c: {  	p1 =	slt.u32 s9, $0xF7A;
	s5 =	simm.s32 @!p2 $0x0  }
0x1d: {  	s5 =	simm.s32 @p1 $0x1;
	p0 =	seq.s32 s7, s2  }
0x1e: {  	s7 =	smul.u32 @!p0 $0xF7A, s2;
	p2 =	seq.s32 @!p0 s5, $0x0  }
0x1f: {  	s9 =	smul.u32 $0xF7A, s1;
	s8 =	simm.s32 @!p0 $0x1BF5;
	p2 =	por !p2, p0  }
0x20: {  	[sflag:s8] =	ssyncset.s32 @!p0 $0xFFFFF086;
	s6 =	sadd.s32 @!p0 s3, s7;
	s7 =	simm.s32 @!p0 $0x108  }
0x21: {  	s3 =	sadd.s32 s3, s9;
	s6 =	sadd.s32 @!p0 $0x88, s6;
	s7 =	simm.s32 @p2 $0x1082  }
0x22: {  	[simem:s7], [sflag:s8] =	dma.local @!p0 [hbm:s6], $0xF7A  }
0x23: {  	s9 =	sor.u32 $0xD0000000, s2;
	s6 =	simm.s32 $0x108;
	_ =	swait.ge @!p0 [sflag:s8], $0x0  }
0x24: {  	s3 =	sadd.s32 $0x88, s3;
	s6 =	simm.s32 @!p1 $0x1082;
	[sflag:s4] =	ssyncset.s32 $0xFFFFF086  }
0x25: {  	[simem:s6], [sflag:s4] =	dma.local [hbm:s3], $0xF7A  }
0x26: {  	[smem:$0x3F92] =	sst s1;
	(tag) =	ssettag s2;
	_ =	strace s9  }
0x27: {  	s1 =	sld [smem:$0x3FA2]  }
0x28: {  	s2 =	sld [smem:$0x3FA3]  }
0x29: {  	s4 =	sld [smem:$0x3FA5]  }
0x2a: {  	p0 =	seq.s32 s5, $0x0;
	s5 =	sld [smem:$0x3FA6]  }
0x2b: {  	s6 =	sld [smem:$0x3FA7]  }
0x2c: {  	s7 =	sld [smem:$0x3FA8]  }
0x2d: {  	s3 =	simm.s32 $0x108;
	s8 =	sld [smem:$0x3FA9]  }
0x2e: {  	s3 =	simm.s32 @!p0 $0x1082;
	s9 =	sld [smem:$0x3FAA]  }
0x2f: {  	lr =	sadd.s32 s0, s3;
	s0 =	sld [smem:$0x3FA1]  }
0x30: {  	s3 =	sld [smem:$0x3FA4]  }
0x31: {  	[smem:$0x3FAD] =	sst s10  }
0x32: {  	s10 =	sld [smem:$0x3FAB];
	_ =	sdelay $0x3  }
0x33: {  	p0 =	seq.s32 s10, $0x1;
	s10 =	sld [smem:$0x3FAD];
	_ =	sdelay $0x3  }
0x34: {  	[smem:$0x3FAD] =	sst s10  }
0x35: {  	s10 =	sld [smem:$0x3FAC];
	_ =	sdelay $0x3  }
0x36: {  	p1 =	seq.s32 s10, $0x1;
	s10 =	sld [smem:$0x3FAD];
	_ =	sdelay $0x3  }
0x37: {  	[smem:$0x3FAD] =	sst s10  }
0x38: {  	s10 =	sld [smem:$0x3FAE]  }
0x39: {  	_ = 	snop;
	(pc) =	sbr.ind lr, $3  }
0x3a: {  	_ = 	snop  }
0x3b: {  	_ = 	snop  }
0x3c: {  	p2 =	seq.s32 s10, $0x1;
	s10 =	sld [smem:$0x3FAD]  }
0x3d: {  	_ =	shalt  }
0x3e: {  	_ =	shalt  }
0x3f: {  	_ =	shalt  }
0x40: {  	_ =	shalt  }
0x41: {  	_ =	shalt  }
0x42: {  	_ =	shalt  }
0x43: {  	_ =	shalt  }
0x44: {  	_ =	shalt  }
0x45: {  	_ =	shalt  }
0x46: {  	_ =	shalt  }
0x47: {  	_ =	shalt  }
0x48: {  	_ =	shalt  }
0x49: {  	_ =	shalt  }
0x4a: {  	_ =	shalt  }
0x4b: {  	_ =	shalt  }
0x4c: {  	_ =	shalt  }
0x4d: {  	_ =	shalt  }
0x4e: {  	_ =	shalt  }
0x4f: {  	_ =	shalt  }
0x50: {  	_ =	shalt  }
0x51: {  	_ =	shalt  }
0x52: {  	_ =	shalt  }
0x53: {  	_ =	shalt  }
0x54: {  	_ =	shalt  }
0x55: {  	_ =	shalt  }
0x56: {  	_ =	shalt  }
0x57: {  	_ =	shalt  }
0x58: {  	_ =	shalt  }
0x59: {  	_ =	shalt  }
0x5a: {  	_ =	shalt  }
0x5b: {  	_ =	shalt  }
0x5c: {  	_ =	shalt  }
0x5d: {  	_ =	shalt  }
0x5e: {  	_ =	shalt  }
0x5f: {  	_ =	shalt  }
0x60: {  	_ =	shalt  }
0x61: {  	_ =	shalt  }
0x62: {  	_ =	shalt  }
0x63: {  	_ =	shalt  }
0x64: {  	_ =	shalt  }
0x65: {  	_ =	shalt  }
0x66: {  	_ =	shalt  }
0x67: {  	_ =	shalt  }
0x68: {  	_ =	shalt  }
0x69: {  	_ =	shalt  }
0x6a: {  	_ =	shalt  }
0x6b: {  	_ =	shalt  }
0x6c: {  	_ =	shalt  }
0x6d: {  	_ =	shalt  }
0x6e: {  	_ =	shalt  }
0x6f: {  	_ =	shalt  }
0x70: {  	_ =	shalt  }
0x71: {  	_ =	shalt  }
0x72: {  	_ =	shalt  }
0x73: {  	_ =	shalt  }
0x74: {  	_ =	shalt  }
0x75: {  	_ =	shalt  }
0x76: {  	_ =	shalt  }
0x77: {  	_ =	shalt  }
0x78: {  	_ =	shalt  }
0x79: {  	_ =	shalt  }
0x7a: {  	_ =	shalt  }
0x7b: {  	_ =	shalt  }
0x7c: {  	_ =	shalt  }
0x7d: {  	_ =	shalt  }
0x7e: {  	_ =	shalt  }
0x7f: {  	_ =	shalt  }
0x80: {  	_ =	shalt  }
0x81: {  	_ =	shalt  }
0x82: {  	_ =	shalt  }
0x83: {  	_ =	shalt  }
0x84: {  	_ =	shalt  }
0x85: {  	_ =	shalt  }
0x86: {  	_ =	shalt  }
0x87: {  	_ =	shalt  }
.Lfunc_end0:
.L_simem_size_0:
called_computation.1_lowered:
.L_overlay_start_0:
0x88: {  	s2 =	sld [smem:$0x3FD9]  }
0x89: {  	s3 =	sld [smem:$0x3FFE];
	_ =	sdelay $0x1  }
0x8a: {  	s1 =	srdreg.scid  }
0x8b: {  	s0 =	sand.u32 $0x1, s1  }
0x8c: {  	s16 =	sshll.u32 s0, $0xA;
	s2 =	sadd.s32 s3, s2  }
0x8d: {  	s2 =	sadd.s32 s2, s16  }
0x8e: {  	[smem:$0x3FB9] =	sst s2  }
0x8f: {  	_ = 	snop  }
0x90: {  	(tm) =	ssettm $0x1  }
0x91: {  	s17 =	sld [smem:$0x3FFB];
	_ =	sdelay $0x3  }
0x92: {  	_ =	strace s17  }
0x93: {  	s2 =	sld [smem:$0x3FFC];
	_ =	sdelay $0x3  }
0x94: {  	_ =	strace s2  }
0x95: {  	s2 =	sld [smem:$0x3FFD];
	_ =	sdelay $0x3  }
0x96: {  	_ =	strace s2  }
0x97: {  	_ =	strace $0x8FFFFFFF  }
0x98: {  	s18 =	sld [smem:$0x3FDB];
	_ =	sdelay $0x1  }
0x99: {  	s19 =	simm.s32 $_scs_section_size  }
0x9a: {  	s4 =	simm.s32 $_size__tile_overlayer_lowered;
	s5 =	simm.s32 $_tile_overlayer_lowered  }
0x9b: {  	s22 =	simm.s32 $0x1BFF;
	s21 =	sshll.u32 s5, $0x1;
	s2 =	sadd.s32 s19, s18  }
0x9c: {  	s6 =	simm.s32 $0x0;
	s20 =	sshll.u32 s4, $0x1;
	s4 =	sadd.s32 s21, s2  }
0x9d: {  	[timem:s6], [sflag:s22] =	dma.local [hbm:s4], s20  }
0x9e: {  	_ =	swait.ge [sflag:s22], s20  }
0x9f: {  	s3 =	ssub.s32 $0x0, s20;
	[sflag:s22] =	ssyncset.done $0x0  }
0xa0: {  	[sflag:s22] =	ssyncadd.s32 s3;
	_ =	sdelay $0x1  }
0xa1: {  	s23 =	simm.s32 $0x1B8B  }
0xa2: {  	_ =	swait.ge [sflag:s23], $0x1  }
0xa3: {  	[sflag:s23] =	ssyncset.done $0x0  }
0xa4: {  	s25 =	simm.s32 $0x1B8E;
	s24 =	sld [smem:$0x3FFE];
	[sflag:s23] =	ssyncadd.s32 $0xFFFFFFFF  }
0xa5: {  	s26 =	simm.s32 $execute0_lowered;
	[smem:$0x3FD2] =	sst s25  }
0xa6: {  	s4 =	sshll.u32 s26, $0x1;
	_ =	strace $0x80000049;
	[dreg:$0x1] =	wrdreg $0xFFFFFFFF  }
0xa7: {  	s28 =	simm.s32 $_size_execute0_lowered;
	s2 =	sadd.s32 s2, s4;
	[dreg:$0x0] =	wrdreg $0x0  }
0xa8: {  	s4 =	sshll.u32 s28, $0x1;
	[dreg:$0x2] =	wrdreg s2  }
0xa9: {  	[dreg:$0x3] =	wrdreg s4  }
0xaa: {  	[dreg:$0x4] =	wrdreg $0xC0  }
0xab: {  	_ =	task [dreg:s6], $0x5FFFF  }
0xac: {  	[dreg:$0x1] =	wrdreg $0xFFFFFFFF  }
0xad: {  	[dreg:$0x0] =	wrdreg $0x60  }
0xae: {  	[dreg:$0x2] =	wrdreg s24  }
0xaf: {  	[dreg:$0x3] =	wrdreg $0x0  }
0xb0: {  	[dreg:$0x4] =	wrdreg $0x9  }
0xb1: {  	_ =	task.clear_ibuf [dreg:s6], $0x5FFFF;
	_ =	strace $0x90000049  }
0xb2: {  	s29 =	simm.s32 $0x9;
	_ =	strace $0x8000004B  }
0xb3: {  	_ =	swait.ge [sflag:s29], $0x1  }
0xb4: {  	[sflag:s29] =	ssyncadd.s32 $0xFFFFFFFF  }
0xb5: {  	_ =	strace $0x9000004B  }
0xb6: {  	_ =	sfence  }
0xb7: {  	s30 =	sld [smem:$0x0];
	_ =	sdelay $0x2  }
0xb8: {  	s31 =	sshll.u32 s1, $0xD;
	s1 =	sshrl.u32 s1, $0x2  }
0xb9: {  	s3 =	sand.u32 $0x4000, s31;
	s1 =	sadd.s32 s1, s30  }
0xba: {  	s0 =	sor.u32 s3, s0;
	s1 =	sshll.u32 s1, $0x11  }
0xbb: {  	s0 =	sor.u32 s1, s0  }
0xbc: {  	s0 =	sadd.s32 $0x8F2B, s0  }
0xbd: {  	[sflag:s0] =	ssyncadd.remote.s32 $0x1  }
0xbe: {  	_ =	sfence.sel $0xFFFF  }
0xbf: {  	[dreg:$0x0] =	wrdreg $0xFFFFFFFF;
	(pc) =	sbr.abs _section_cstart, $3  }
0xc0: {  	[dreg:$0x1] =	wrdreg $0xFFFFFFFF  }
0xc1: {  	_ =	task.clear_ibuf [dreg:s6], $0x2FFFF;
	_ =	strace $0x9FFFFFFF  }
0xc2: {  	(tm) =	ssettm $0x7FFFFFFF  }
0xc3: {  	_ =	shalt  }
tec
execute0_lowered:
.L_overlay_start_1:
0x0: {  	(tag) =	ssettag $0x1  }
0x1: {  	s0 =	rddreg [dreg:$0x0]  }
0x2: {  	s1 =	rddreg [dreg:$0x1];
	s2 =	srdreg.scid  }
0x3: {  	s8 =	stileid.u32;
	s3 =	simm.s32 $0x0;
	s19 =	simm.s32 $0xA000  }
0x4: {  	s20 =	simm.s32 $0x1;
	s30 =	simm.s32 $0x8C00;
	s31 =	simm.s32 $0x6E00  }
0x5: {  	s21 =	simm.s32 $0x14000;
	s22 =	simm.s32 $0x19000;
	s23 =	simm.s32 $0x0  }
0x6: {  	s2 =	sand.u32 $0x1, s2;
	s5 =	smul.u32 $0x500, s8;
	[smem:$0x7FF] =	sst s3  }
0x7: {  	s3 =	sadd.s32 $0x2200, s0;
	s17 =	sadd.s32 $0x8DE00, s0;
	s18 =	sadd.s32 $0x97E00, s0  }
0x8: {  	s6 =	smul.u32 $0x14000, s8;
	s8 =	sshll.u32 s8, $0x1;
	s10 =	sadd.s32 $0x2953, s0  }
0x9: {  	s4 =	smul.u32 $0x5000, s2;
	_ =	strace $0x8000004A;
	s24 =	ssub.s32 $0x2, s2  }
0xa: {  	s2 =	sor.u32 s2, s8;
	s8 =	sadd.s32 $0x2471, s0;
	s9 =	sshrl.u32 s24, $0x1  }
0xb: {  	s6 =	sshrl.u32 s6, $0x2;
	s2 =	smul.u32 $0x2800, s2;
	s4 =	sadd.s32 s5, s4  }
0xc: {  	s25 =	ssub.s32 s24, s9;
	s5 =	sadd.s32 s5, s1;
	s9 =	sadd.s32 $0x26E2, s0  }
0xd: {  	s24 =	simm.s32 $0x5000;
	s4 =	sshrl.u32 s4, $0x3;
	s26 =	sshrl.u32 s2, $0x3  }
0xe: {  	s7 =	sadd.s32 s4, s0;
	s4 =	sadd.s32 s6, s1;
	s11 =	sadd.s32 s17, s26  }
0xf: {  	s28 =	sadd.s32 $0x140, s26;
	s12 =	sadd.s32 s18, s26;
	s2 =	sadd.s32 $0x280, s26  }
0x10: {  	s29 =	sadd.s32 $0x3C0, s26;
	s0 =	simm.s32 $0x9600;
	s1 =	simm.s32 $0xF000  }
0x11: {  	s6 =	sadd.s32 $0x2C00, s7;
	s7 =	smax.u32 s25, $0x1;
	s13 =	sadd.s32 s17, s28  }
0x12: {  	s14 =	sadd.s32 s18, s28;
	s15 =	sadd.s32 s17, s2;
	s16 =	sadd.s32 s18, s2  }
0x13: {  	v0 =	vimm.f32 $0.0e+00;
	s17 =	sadd.s32 s17, s29;
	s18 =	sadd.s32 s18, s29;
	s2 =	simm.s32 $0x500  }
.LBB2_1:
0x14: {  	s25 =	simm.s32 $0x40;
	s26 =	simm.s32 $0x0  }
.LBB2_2:
0x15: {  	p0 =	sne.s32 s25, $0x13FC0;
	[tilespmem:s26+$0xF000] =	vst v0;
	s26 =	smov.u32 s25;
	s25 =	sadd.s32 $0x40, s25  }
.Ltmp0:
0x16: {  	(pc) =	sbr.rel @p0 .LBB2_2-.Ltmp0, $2  }
0x17: {  	_ =	sdelay $0x2  }
0x18: {  	s26 =	sshra.s32 s26, $0x2  }
0x19: {  	[tilespmem:s26+$0xF000] =	vst v0;
	s25 =	simm.s32 $0x0  }
0x1a: {  	[tilespmem:s19], [sflag:$0x1] =	stream.linear.gather [hbm4b:s3+s25], $0x1388, $0x38;
	[tilespmem:$0x19500] =	vst v63  }
0x1b: {  	_ =	swait.ge [sflag:s20], $0x1388  }
0x1c: {  	[sflag:s20] =	ssyncset.done $0x0  }
0x1d: {  	s29 =	simm.s32 $0xB388;
	[sflag:s20] =	ssyncadd.s32 $0xFFFFEC78  }
0x1e: {  	[tilespmem:s29], [sflag:$0x1] =	stream.linear.gather [hbm4b:s8+s25], $0x1388, $0x38;
	[tilespmem:$0x19500] =	vst v63  }
0x1f: {  	_ =	swait.ge [sflag:s20], $0x1388  }
0x20: {  	[sflag:s20] =	ssyncset.done $0x0  }
0x21: {  	s28 =	simm.s32 $0xC710;
	[sflag:s20] =	ssyncadd.s32 $0xFFFFEC78  }
0x22: {  	[tilespmem:s28], [sflag:$0x1] =	stream.linear.gather [hbm4b:s9+s25], $0x1388, $0x38;
	[tilespmem:$0x19500] =	vst v63  }
0x23: {  	_ =	swait.ge [sflag:s20], $0x1388  }
0x24: {  	[sflag:s20] =	ssyncset.done $0x0  }
0x25: {  	s29 =	simm.s32 $0xDA98;
	[sflag:s20] =	ssyncadd.s32 $0xFFFFEC78  }
0x26: {  	[tilespmem:s29], [sflag:$0x1] =	stream.linear.gather [hbm4b:s10+s25], $0x1388, $0x38;
	[tilespmem:$0x19500] =	vst v63  }
0x27: {  	_ =	swait.ge [sflag:s20], $0x1388  }
0x28: {  	[sflag:s20] =	ssyncset.done $0x0  }
0x29: {  	[sflag:s20] =	ssyncadd.s32 $0xFFFFEC78  }
0x2a: {  	[tilespmem:s24], [sflag:$0x1] =	stream.linear.gather [hbm4b:s11+s25], $0xA00, $0x38;
	[tilespmem:$0x19500] =	vst v63  }
0x2b: {  	_ =	swait.ge [sflag:s20], $0xA00  }
0x2c: {  	[sflag:s20] =	ssyncset.done $0x0  }
0x2d: {  	s28 =	simm.s32 $0x7800;
	[sflag:s20] =	ssyncadd.s32 $0xFFFFF600  }
0x2e: {  	[tilespmem:s28], [sflag:$0x1] =	stream.linear.gather [hbm4b:s12+s25], $0xA00, $0x38;
	[tilespmem:$0x19500] =	vst v63  }
0x2f: {  	_ =	swait.ge [sflag:s20], $0xA00  }
0x30: {  	[sflag:s20] =	ssyncset.done $0x0  }
0x31: {  	s29 =	simm.s32 $0x5A00;
	[sflag:s20] =	ssyncadd.s32 $0xFFFFF600  }
0x32: {  	[tilespmem:s29], [sflag:$0x1] =	stream.linear.gather [hbm4b:s13+s25], $0xA00, $0x38;
	[tilespmem:$0x19500] =	vst v63  }
0x33: {  	_ =	swait.ge [sflag:s20], $0xA00  }
0x34: {  	[sflag:s20] =	ssyncset.done $0x0  }
0x35: {  	s28 =	simm.s32 $0x8200;
	[sflag:s20] =	ssyncadd.s32 $0xFFFFF600  }
0x36: {  	[tilespmem:s28], [sflag:$0x1] =	stream.linear.gather [hbm4b:s14+s25], $0xA00, $0x38;
	[tilespmem:$0x19500] =	vst v63  }
0x37: {  	_ =	swait.ge [sflag:s20], $0xA00  }
0x38: {  	[sflag:s20] =	ssyncset.done $0x0  }
0x39: {  	s29 =	simm.s32 $0x6400;
	[sflag:s20] =	ssyncadd.s32 $0xFFFFF600  }
0x3a: {  	[tilespmem:s29], [sflag:$0x1] =	stream.linear.gather [hbm4b:s15+s25], $0xA00, $0x38;
	[tilespmem:$0x19500] =	vst v63  }
0x3b: {  	_ =	swait.ge [sflag:s20], $0xA00  }
0x3c: {  	[sflag:s20] =	ssyncset.done $0x0  }
0x3d: {  	[sflag:s20] =	ssyncadd.s32 $0xFFFFF600  }
0x3e: {  	[tilespmem:s30], [sflag:$0x1] =	stream.linear.gather [hbm4b:s16+s25], $0xA00, $0x38;
	[tilespmem:$0x19500] =	vst v63  }
0x3f: {  	_ =	swait.ge [sflag:s20], $0xA00  }
0x40: {  	[sflag:s20] =	ssyncset.done $0x0  }
0x41: {  	[sflag:s20] =	ssyncadd.s32 $0xFFFFF600  }
0x42: {  	[tilespmem:s31], [sflag:$0x1] =	stream.linear.gather [hbm4b:s17+s25], $0xA00, $0x38;
	[tilespmem:$0x19500] =	vst v63  }
0x43: {  	_ =	swait.ge [sflag:s20], $0xA00  }
0x44: {  	[sflag:s20] =	ssyncset.done $0x0  }
0x45: {  	[sflag:s20] =	ssyncadd.s32 $0xFFFFF600  }
0x46: {  	[tilespmem:s0], [sflag:$0x1] =	stream.linear.gather [hbm4b:s18+s25], $0xA00, $0x38;
	[tilespmem:$0x19500] =	vst v63  }
0x47: {  	_ =	swait.ge [sflag:s20], $0xA00  }
0x48: {  	[sflag:s20] =	ssyncset.done $0x0  }
0x49: {  	[sflag:s20] =	ssyncadd.s32 $0xFFFFF600  }
.LBB2_4:
0x4a: {  	s26 =	sshra.s32 s25, $0x2  }
0x4b: {  	v1 =	vld [tilespmem:s26+$0x5000];
	_ =	sdelay $0x4  }
0x4c: {  	v2 =	vld [tilespmem:s26+$0x7800];
	v1 =	vshll.u32 v1, $0x1  }
0x4d: {  	v3 =	vor.u32 $0x1, v1;
	_ =	sdelay $0x3  }
0x4e: {  	v2 =	vshll.u32 v2, $0x1;
	v1 =	vld.idx.msk [tilespmem:v1+s19+$0x0], $0xffff  }
0x4f: {  	v4 =	vor.u32 $0x1, v2;
	v3 =	vld.idx.msk [tilespmem:v3+s19+$0x0], $0xffff;
	_ =	sdelay $0x3  }
0x50: {  	[tilespmem:v2+s1+$0x0] =	vst.idx.add.f32.msk $0xffff, v1  }
0x51: {  	[tilespmem:v4+s1+$0x0] =	vst.idx.add.f32.msk $0xffff, v3  }
0x52: {  	v1 =	vld [tilespmem:s26+$0x5010];
	_ =	sdelay $0x4  }
0x53: {  	v2 =	vld [tilespmem:s26+$0x7810];
	v1 =	vshll.u32 v1, $0x1  }
0x54: {  	v3 =	vor.u32 $0x1, v1;
	_ =	sdelay $0x3  }
0x55: {  	v2 =	vshll.u32 v2, $0x1;
	v1 =	vld.idx.msk [tilespmem:v1+s19+$0x0], $0xffff  }
0x56: {  	v61 =	vor.u32 $0x1, v2;
	v3 =	vld.idx.msk [tilespmem:v3+s19+$0x0], $0xffff;
	_ =	sdelay $0x3  }
0x57: {  	[tilespmem:v2+s1+$0x0] =	vst.idx.add.f32.msk $0xffff, v1  }
0x58: {  	[tilespmem:v61+s1+$0x0] =	vst.idx.add.f32.msk $0xffff, v3  }
0x59: {  	v1 =	vld [tilespmem:s26+$0x5020];
	_ =	sdelay $0x4  }
0x5a: {  	v2 =	vld [tilespmem:s26+$0x7820];
	v1 =	vshll.u32 v1, $0x1  }
0x5b: {  	v3 =	vor.u32 $0x1, v1;
	_ =	sdelay $0x3  }
0x5c: {  	v2 =	vshll.u32 v2, $0x1;
	v1 =	vld.idx.msk [tilespmem:v1+s19+$0x0], $0xffff  }
0x5d: {  	v62 =	vor.u32 $0x1, v2;
	v3 =	vld.idx.msk [tilespmem:v3+s19+$0x0], $0xffff;
	_ =	sdelay $0x3  }
0x5e: {  	[tilespmem:v2+s1+$0x0] =	vst.idx.add.f32.msk $0xffff, v1  }
0x5f: {  	[tilespmem:v62+s1+$0x0] =	vst.idx.add.f32.msk $0xffff, v3  }
0x60: {  	v1 =	vld [tilespmem:s26+$0x5030];
	_ =	sdelay $0x4  }
0x61: {  	v2 =	vld [tilespmem:s26+$0x7830];
	v1 =	vshll.u32 v1, $0x1  }
0x62: {  	v3 =	vor.u32 $0x1, v1;
	_ =	sdelay $0x3  }
0x63: {  	v2 =	vshll.u32 v2, $0x1;
	v1 =	vld.idx.msk [tilespmem:v1+s19+$0x0], $0xffff  }
0x64: {  	p0 =	sne.s32 s25, $0x9F00;
	v63 =	vor.u32 $0x1, v2;
	v3 =	vld.idx.msk [tilespmem:v3+s19+$0x0], $0xffff  }
.Ltmp1:
0x65: {  	_ = 	snop;
	(pc) =	sbr.rel @p0 .LBB2_4-.Ltmp1, $3  }
0x66: {  	_ =	sdelay $0x1  }
0x67: {  	[tilespmem:v2+s1+$0x0] =	vst.idx.add.f32.msk $0xffff, v1  }
0x68: {  	s25 =	sadd.s32 $0x100, s25;
	[tilespmem:v63+s1+$0x0] =	vst.idx.add.f32.msk $0xffff, v3  }
0x69: {  	[spmem:s4] =	stream.linear.scatter [tilespmem:s1], [sflag:$0x1], $0x5000, $0x38;
	[tilespmem:$0x19500] =	vst v63  }
0x6a: {  	_ =	swait.ge [sflag:s20], $0x5000  }
0x6b: {  	[sflag:s20] =	ssyncset.done $0x0  }
0x6c: {  	[sflag:s20] =	ssyncadd.s32 $0xFFFFB000  }
0x6d: {  	[bflag:$0x0] =	sbarrier.arrive $0xFFFF  }
0x6e: {  	[tilespmem:s21], [sflag:$0x1] =	stream.strided.gather [spmem:s5], $0x5000, s24, s2, $0x38;
	[tilespmem:$0x19500] =	vst v63  }
0x6f: {  	_ =	swait.ge [sflag:s20], $0x5000  }
0x70: {  	[sflag:s20] =	ssyncset.done $0x0  }
0x71: {  	s26 =	simm.s32 $0x0;
	[sflag:s20] =	ssyncadd.s32 $0xFFFFB000  }
0x72: {  	v1 =	vld [tilespmem:s26+$0x14000]  }
0x73: {  	v2 =	vld [tilespmem:s26+$0x14500];
	_ =	sdelay $0x1  }
0x74: {  	v3 =	vld [tilespmem:s26+$0x14A00];
	_ =	sdelay $0x1  }
0x75: {  	v4 =	vld [tilespmem:s26+$0x14F00]  }
0x76: {  	v1 =	vadd.f32 v2, v1  }
0x77: {  	v2 =	vld [tilespmem:s26+$0x15400]  }
0x78: {  	v1 =	vadd.f32 v3, v1  }
0x79: {  	v3 =	vld [tilespmem:s26+$0x15900]  }
0x7a: {  	v1 =	vadd.f32 v4, v1  }
0x7b: {  	v4 =	vld [tilespmem:s26+$0x15E00]  }
0x7c: {  	v1 =	vadd.f32 v2, v1  }
0x7d: {  	v2 =	vld [tilespmem:s26+$0x16300]  }
0x7e: {  	s25 =	simm.s32 $0x10;
	v5 =	vld [tilespmem:s26+$0x16800];
	v1 =	vadd.f32 v3, v1  }
0x7f: {  	v6 =	vld [tilespmem:s25+$0x14000]  }
0x80: {  	v3 =	vld [tilespmem:s26+$0x16D00];
	v1 =	vadd.f32 v4, v1  }
0x81: {  	v4 =	vld [tilespmem:s25+$0x14500]  }
0x82: {  	v7 =	vld [tilespmem:s25+$0x14A00];
	v1 =	vadd.f32 v2, v1  }
0x83: {  	v2 =	vld [tilespmem:s26+$0x17200]  }
0x84: {  	v8 =	vld [tilespmem:s25+$0x14F00];
	v1 =	vadd.f32 v5, v1  }
0x85: {  	v5 =	vld [tilespmem:s26+$0x17700]  }
0x86: {  	v4 =	vadd.f32 v4, v6;
	v6 =	vld [tilespmem:s25+$0x15400];
	v1 =	vadd.f32 v3, v1  }
0x87: {  	v3 =	vld [tilespmem:s26+$0x17C00]  }
0x88: {  	v4 =	vadd.f32 v7, v4;
	v7 =	vld [tilespmem:s25+$0x15900];
	v1 =	vadd.f32 v2, v1  }
0x89: {  	v2 =	vld [tilespmem:s26+$0x18100]  }
0x8a: {  	v9 =	vld [tilespmem:s25+$0x15E00];
	v4 =	vadd.f32 v8, v4;
	v1 =	vadd.f32 v5, v1  }
0x8b: {  	v8 =	vld [tilespmem:s26+$0x18600]  }
0x8c: {  	v5 =	vadd.f32 v6, v4;
	v4 =	vld [tilespmem:s25+$0x16300];
	v6 =	vadd.f32 v3, v1  }
0x8d: {  	v3 =	vld [tilespmem:s26+$0x18B00]  }
0x8e: {  	v1 =	vld [tilespmem:s25+$0x16D00];
	v7 =	vadd.f32 v7, v5;
	v10 =	vadd.f32 v2, v6  }
0x8f: {  	s28 =	simm.s32 $0x20;
	v5 =	vld [tilespmem:s25+$0x16800]  }
0x90: {  	s29 =	simm.s32 $0xC0;
	v2 =	vld [tilespmem:s28+$0x14000];
	v6 =	vadd.f32 v9, v7;
	v7 =	vadd.f32 v8, v10  }
.LBB2_6:
0x91: {  	p0 =	sne.s32 s29, $0x13C0;
	v8 =	vld [tilespmem:s28+$0x14500]  }
0x92: {  	v4 =	vadd.f32 v4, v6;
	v6 =	vld [tilespmem:s25+$0x17200];
	v3 =	vadd.f32 v3, v7  }
0x93: {  	v7 =	vld [tilespmem:s28+$0x14A00]  }
0x94: {  	v4 =	vadd.f32 v5, v4;
	v5 =	vld [tilespmem:s25+$0x17700];
	[tilespmem:s26+$0x19000] =	vst v3;
	s26 =	smov.u32 s25;
	s25 =	smov.u32 s28  }
0x95: {  	v3 =	vld [tilespmem:s25+$0x14F00]  }
0x96: {  	v2 =	vadd.f32 v8, v2;
	v1 =	vadd.f32 v1, v4;
	v4 =	vld [tilespmem:s26+$0x17C00]  }
0x97: {  	v8 =	vld [tilespmem:s25+$0x15400]  }
0x98: {  	v2 =	vadd.f32 v7, v2;
	v1 =	vadd.f32 v6, v1;
	v6 =	vld [tilespmem:s26+$0x18100]  }
0x99: {  	v7 =	vld [tilespmem:s25+$0x15900]  }
0x9a: {  	v2 =	vadd.f32 v3, v2;
	v1 =	vadd.f32 v5, v1;
	v9 =	vld [tilespmem:s26+$0x18600]  }
0x9b: {  	v10 =	vld [tilespmem:s25+$0x15E00]  }
.Ltmp2:
0x9c: {  	v2 =	vadd.f32 v8, v2;
	v5 =	vadd.f32 v4, v1;
	v3 =	vld [tilespmem:s26+$0x18B00];
	(pc) =	sbr.rel @p0 .LBB2_6-.Ltmp2, $4  }
0x9d: {  	v4 =	vld [tilespmem:s25+$0x16300]  }
0x9e: {  	v7 =	vadd.f32 v7, v2;
	v1 =	vld [tilespmem:s25+$0x16D00];
	v8 =	vadd.f32 v6, v5  }
0x9f: {  	s28 =	sshra.s32 s29, $0x2;
	v5 =	vld [tilespmem:s25+$0x16800]  }
0xa0: {  	s29 =	sadd.s32 $0x40, s29;
	v2 =	vld [tilespmem:s28+$0x14000];
	v6 =	vadd.f32 v10, v7;
	v7 =	vadd.f32 v9, v8  }
0xa1: {  	v8 =	vld [tilespmem:s28+$0x14500]  }
0xa2: {  	v9 =	vld [tilespmem:s25+$0x17200];
	v3 =	vadd.f32 v3, v7  }
0xa3: {  	v52 =	vld [tilespmem:s28+$0x14A00]  }
0xa4: {  	v10 =	vld [tilespmem:s25+$0x17700];
	v4 =	vadd.f32 v4, v6;
	[tilespmem:s26+$0x19000] =	vst v3  }
0xa5: {  	v3 =	vld [tilespmem:s28+$0x14F00]  }
0xa6: {  	v4 =	vadd.f32 v5, v4;
	v2 =	vadd.f32 v8, v2  }
0xa7: {  	v53 =	vld [tilespmem:s28+$0x15400]  }
0xa8: {  	v54 =	vld [tilespmem:s25+$0x17C00];
	v1 =	vadd.f32 v1, v4;
	v2 =	vadd.f32 v52, v2  }
0xa9: {  	v55 =	vld [tilespmem:s28+$0x15900]  }
0xaa: {  	v56 =	vld [tilespmem:s25+$0x18100];
	v1 =	vadd.f32 v9, v1;
	v2 =	vadd.f32 v3, v2  }
0xab: {  	v3 =	vld [tilespmem:s28+$0x15E00]  }
0xac: {  	v57 =	vld [tilespmem:s25+$0x18600];
	v1 =	vadd.f32 v10, v1;
	v2 =	vadd.f32 v53, v2  }
0xad: {  	v58 =	vld [tilespmem:s28+$0x16300]  }
0xae: {  	v59 =	vld [tilespmem:s25+$0x18B00];
	v1 =	vadd.f32 v54, v1;
	v2 =	vadd.f32 v55, v2  }
0xaf: {  	v60 =	vld [tilespmem:s28+$0x16800]  }
0xb0: {  	v1 =	vadd.f32 v56, v1;
	v2 =	vadd.f32 v3, v2  }
0xb1: {  	v3 =	vld [tilespmem:s28+$0x16D00]  }
0xb2: {  	v1 =	vadd.f32 v57, v1;
	v2 =	vadd.f32 v58, v2  }
0xb3: {  	v61 =	vld [tilespmem:s28+$0x17200]  }
0xb4: {  	v1 =	vadd.f32 v59, v1;
	v2 =	vadd.f32 v60, v2  }
0xb5: {  	v62 =	vld [tilespmem:s28+$0x17700]  }
0xb6: {  	[tilespmem:s25+$0x19000] =	vst v1;
	v1 =	vadd.f32 v3, v2  }
0xb7: {  	v2 =	vld [tilespmem:s28+$0x17C00]  }
0xb8: {  	v1 =	vadd.f32 v61, v1  }
0xb9: {  	v3 =	vld [tilespmem:s28+$0x18100]  }
0xba: {  	v1 =	vadd.f32 v62, v1  }
0xbb: {  	v63 =	vld [tilespmem:s28+$0x18600]  }
0xbc: {  	v1 =	vadd.f32 v2, v1  }
0xbd: {  	v2 =	vld [tilespmem:s28+$0x18B00]  }
0xbe: {  	v1 =	vadd.f32 v3, v1;
	_ =	sdelay $0x1  }
0xbf: {  	v1 =	vadd.f32 v63, v1;
	_ =	sdelay $0x1  }
0xc0: {  	s23 =	sadd.s32 $0x1, s23;
	v1 =	vadd.f32 v2, v1  }
0xc1: {  	p0 =	sne.s32 s23, s7  }
.Ltmp3:
0xc2: {  	s29 =	simm.s32 $0x0;
	[tilespmem:s28+$0x19000] =	vst v1;
	(pc) =	sbr.rel @p0 .LBB2_1-.Ltmp3, $4  }
0xc3: {  	[hbm4b:s6+s29] =	stream.linear.scatter [tilespmem:s22], [sflag:$0x1], $0x500, $0x38;
	[tilespmem:$0x19500] =	vst v63  }
0xc4: {  	_ =	swait.ge [sflag:s20], $0x500  }
0xc5: {  	[sflag:s20] =	ssyncset.done $0x0  }
0xc6: {  	[sflag:s20] =	ssyncadd.s32 $0xFFFFFB00  }
0xc7: {  	_ =	sfence.sel $0x180000  }
0xc8: {  	[bflag:$0x0] =	sbarrier.arrive $0xFFFF  }
0xc9: {  	_ =	strace $0x9000004A  }
0xca: {  	s0 =	stileid.u32;
	[bflag:$0x2] =	sbarrier.arrive $0xFFFF  }
0xcb: {  	p0 =	sne.s32 s0, $0x0;
	s0 =	rddreg [dreg:$0x2]  }
0xcc: {  	s0 =	sadd.s32 @!p0 $0x100000, s0  }
0xcd: {  	[sflag:s0] =	ssyncadd.tile.s32 @!p0 $0x1;
	_ =	shalt  }
.Lfunc_end2:
_tile_overlayer_lowered:
.L_overlay_start_2:
0xce: {  	(tag) =	ssettag $0x2  }
0xcf: {  	s0 =	rddreg [dreg:$0x0];
	s2 =	stileid.u32  }
0xd0: {  	s1 =	rddreg [dreg:$0x1];
	p0 =	sne.s32 s2, $0x0  }
0xd1: {  	s3 =	rddreg [dreg:$0x2];
	[bflag:$0x3] =	sbarrier.arrive $0xFFFF;
	s2 =	simm.s32 @!p0 $0x1C01  }
0xd2: {  	[timem:s3], [sflag:s2] =	dma.local @!p0 [hbm:s0], s1  }
0xd3: {  	s0 =	simm.s32 @!p0 $0x1  }
0xd4: {  	_ =	swait.ge @!p0 [sflag:s0], s1  }
0xd5: {  	s1 =	ssub.s32 @!p0 $0x0, s1;
	[sflag:s0] =	ssyncset.done @!p0 $0x0  }
0xd6: {  	[sflag:s0] =	ssyncadd.s32 @!p0 s1  }
0xd7: {  	[bflag:$0x3] =	sbarrier.arrive $0xFFFF  }
0xd8: {  	_ =	shalt  }

</sc_bundles>
